<compile_context>
chip_gen: v7x
topology: tpu7x:2x2x1
jax: 0.10.2.dev20260603
libtpu: 0.0.44.dev20260713+nightly
codegen_flags: <defaults>
</compile_context>

<pallas_src>
import jax
import jax.numpy as jnp
from jax import lax
from jax.experimental import pallas as pl
from jax.experimental.pallas import tpu as pltpu
from jax.experimental.pallas import tpu_sc as plsc

B, N, E = 4, 10000, 160000
IN_C, HC = 128, 128

NC, NS = 2, 16
NW = NC * NS
N_PAD = 10240
LANES = 128
E_TOT = 2 * E
E_ROWS = 2560
ROWS_W = E_ROWS // NW
SLICE = N_PAD // NS


def _presence_body(eidx_hbm, counts_hbm, idx_v, ones_v, zeros_v, shared, sem):
    c = lax.axis_index("c")
    s = lax.axis_index("s")
    w = s * NC + c

    for j in range(LANES // 16):
        ones_v[pl.ds(j * 16, 16)] = jnp.full((16,), 1.0, jnp.float32)
        zeros_v[pl.ds(j * 16, 16)] = jnp.zeros((16,), jnp.float32)

    for j in range(SLICE // LANES):
        pltpu.sync_copy(zeros_v, shared.at[pl.ds(s * SLICE + j * LANES, LANES)])
    plsc.subcore_barrier()

    pltpu.sync_copy(eidx_hbm.at[pl.ds(w * ROWS_W, ROWS_W)], idx_v)
    descs = []
    for j in range(ROWS_W):
        descs.append(pltpu.async_copy(ones_v, shared.at[idx_v.at[j]], sem, add=True))
    for d in descs:
        d.wait()
    plsc.subcore_barrier()

    pltpu.sync_copy(shared.at[pl.ds(s * SLICE, SLICE)],
                    counts_hbm.at[pl.ds(c * N_PAD + s * SLICE, SLICE)])


def _presence_counts(eidx_rows):
    k = pl.kernel(
        _presence_body,
        out_type=jax.ShapeDtypeStruct((NC * N_PAD,), jnp.float32),
        mesh=plsc.VectorSubcoreMesh(
            core_axis_name="c", subcore_axis_name="s",
            num_cores=NC, num_subcores=NS),
        scratch_types=[
            pltpu.VMEM((ROWS_W, LANES), jnp.int32),
            pltpu.VMEM((LANES,), jnp.float32),
            pltpu.VMEM((LANES,), jnp.float32),
            pltpu.VMEM_SHARED((N_PAD,), jnp.float32),
            pltpu.SemaphoreType.DMA,
        ],
    )
    return k(eidx_rows)


def _bias_body(bias_ref, o_ref):
    o_ref[...] = jnp.broadcast_to(bias_ref[...], (1, N, HC))


def _bias_fill(bias2):
    return pl.pallas_call(
        _bias_body,
        grid=(2,),
        in_specs=[pl.BlockSpec((1, HC), lambda b: (0, 0))],
        out_specs=pl.BlockSpec((1, N, HC), lambda b: (b, 0, 0)),
        out_shape=jax.ShapeDtypeStruct((B, N, HC), jnp.float32),
    )(bias2)


def _matmul_body(x_ref, wl_ref, bl_ref, bias_ref, m_ref, prev_ref, o_ref):
    x = x_ref[0]
    y = jnp.dot(x, wl_ref[...], preferred_element_type=jnp.float32)
    y = y + bl_ref[0]
    m = m_ref[...]
    o_ref[0] = jnp.where(m, y, 0.0) + bias_ref[0]


def _masked_matmul(node_feats, Wl, bl2, bias2, mask_col, prev):
    return pl.pallas_call(
        _matmul_body,
        grid=(2,),
        in_specs=[
            pl.BlockSpec((1, N, IN_C), lambda b: (b, 0, 0)),
            pl.BlockSpec((IN_C, HC), lambda b: (0, 0)),
            pl.BlockSpec((1, HC), lambda b: (0, 0)),
            pl.BlockSpec((1, HC), lambda b: (0, 0)),
            pl.BlockSpec((N, 1), lambda b: (0, 0)),
            pl.BlockSpec(memory_space=pltpu.MemorySpace.HBM),
        ],
        out_specs=pl.BlockSpec((1, N, HC), lambda b: (b + 2, 0, 0)),
        out_shape=jax.ShapeDtypeStruct((B, N, HC), jnp.float32),
        input_output_aliases={5: 0},
    )(node_feats, Wl, bl2, bias2, mask_col, prev)


def kernel(node_feats, edge_index, edge_attr, Wl, bl, Wr, br, We, att, bias):
    eflat = edge_index.reshape(-1)
    pad = E_ROWS * LANES - E_TOT
    eidx_rows = jnp.concatenate(
        [eflat, jnp.full((pad,), N_PAD - 1, jnp.int32)]).reshape(E_ROWS, LANES)

    counts = _presence_counts(eidx_rows).reshape(NC, N_PAD)
    mask_col = ((counts[0, :N] + counts[1, :N]) > 0.0).reshape(N, 1)

    bias2 = bias.reshape(1, HC)
    out01 = _bias_fill(bias2)
    return _masked_matmul(node_feats, Wl, bl.reshape(1, HC), bias2,
                          mask_col, out01)

# --- scband reference (transcript-rebuilt; emitter-appended) ---
"""Pipeline reference for scband-radar-gataggregator-21002390077952 (READ-ONLY COPY).

The authoritative reference and input builder live on the scoring server;
editing this copy changes nothing except your own understanding.
"""

import jax, jax.numpy as jnp
import numpy as np

B, N, E = 4, 10000, 160000
IN_C, OUT_C, HEADS, EDGE_DIM = 128, 64, 2, 16


def setup_inputs(seed: int = 0):
    key = jax.random.key(seed)
    ks = jax.random.split(key, 10)
    node_feats = jax.random.normal(ks[0], (B, N, IN_C), dtype=jnp.float32)
    edge_index = jax.random.randint(ks[1], (2, E), 0, N, dtype=jnp.int32)
    edge_attr = jax.random.normal(ks[2], (E, EDGE_DIM), dtype=jnp.float32)
    s = 1.0 / np.sqrt(IN_C)
    Wl = jax.random.normal(ks[3], (IN_C, HEADS * OUT_C), dtype=jnp.float32) * s
    bl = jnp.zeros((HEADS * OUT_C,), dtype=jnp.float32)
    Wr = jax.random.normal(ks[4], (IN_C, HEADS * OUT_C), dtype=jnp.float32) * s
    br = jnp.zeros((HEADS * OUT_C,), dtype=jnp.float32)
    We = jax.random.normal(ks[5], (EDGE_DIM, HEADS * OUT_C), dtype=jnp.float32) * (1.0 / np.sqrt(EDGE_DIM))
    att = jax.random.normal(ks[6], (HEADS, OUT_C), dtype=jnp.float32) * (1.0 / np.sqrt(OUT_C))
    bias = jnp.zeros((HEADS * OUT_C,), dtype=jnp.float32)
    return {"node_feats": node_feats, "edge_index": edge_index, "edge_attr": edge_attr,
            "Wl": Wl, "bl": bl, "Wr": Wr, "br": br, "We": We, "att": att, "bias": bias}


def _gatv2(x, src, dst, eattr, Wl, bl, Wr, br, We, att, bias, n):
    # GATv2Conv (PyG semantics, concat=True, negative_slope=0.2)
    xl = (x @ Wl + bl).reshape(-1, HEADS, OUT_C)   # source transform (lin_l)
    xr = (x @ Wr + br).reshape(-1, HEADS, OUT_C)   # target transform (lin_r)
    ee = (eattr @ We).reshape(-1, HEADS, OUT_C)    # lin_edge (no bias)
    e = xl[src] + xr[dst] + ee
    e = jax.nn.leaky_relu(e, 0.2)
    alpha = jnp.sum(e * att[None], axis=-1)        # [E, H]
    # softmax over incoming edges per target node
    amax = jax.ops.segment_max(alpha, dst, num_segments=n)
    amax = jnp.where(jnp.isfinite(amax), amax, 0.0)
    ex = jnp.exp(alpha - amax[dst])
    denom = jax.ops.segment_sum(ex, dst, num_segments=n)
    alpha = ex / (denom[dst] + 1e-16)
    msg = xl[src] * alpha[:, :, None]
    out = jax.ops.segment_sum(msg, dst, num_segments=n)
    return out.reshape(n, HEADS * OUT_C) + bias


def reference(node_feats, edge_index, edge_attr, Wl, bl, Wr, br, We, att, bias):
    b, n_nodes, f = node_feats.shape
    offsets = jnp.arange(b, dtype=edge_index.dtype) * n_nodes
    # faithful to torch: [1,2,E] + [B,1,1] -> [B,2,E] then row-major view(2, -1)
    ei = edge_index[None, :, :] + offsets[:, None, None]
    ei_flat = ei.reshape(2, -1)
    x_flat = node_feats.reshape(-1, f)
    ea_flat = jnp.tile(edge_attr, (b, 1))
    out = _gatv2(x_flat, ei_flat[0], ei_flat[1], ea_flat, Wl, bl, Wr, br, We, att, bias, b * n_nodes)
    return out.reshape(b, n_nodes, HEADS * OUT_C)

if __name__ == "__main__":
    import jax
    _d = setup_inputs()
    print(jax.jit(kernel)(*tuple(_d.values())))

</pallas_src>

<mosaic_0001>
#map = affine_map<(d0, d1) -> (0, 0)>
#map1 = affine_map<(d0, d1) -> (0)>
module attributes {stable_mosaic.version = 14 : i64} {
  func.func @_presence_body(%arg0: i32, %arg1: i32, %arg2: memref<2560x128xi32, #tpu.memory_space<hbm>>, %arg3: memref<20480xf32, #tpu.memory_space<hbm>>, %arg4: memref<80x128xi32, #tpu.memory_space<vmem>>, %arg5: memref<128xf32, #tpu.memory_space<vmem>>, %arg6: memref<128xf32, #tpu.memory_space<vmem>>, %arg7: memref<10240xf32, #tpu.memory_space<vmem_shared>>, %arg8: memref<!tpu.dma_semaphore, #tpu.memory_space<semaphore_mem>>) attributes {dimension_semantics = [#tpu.dimension_semantics<core_parallel>, #tpu.dimension_semantics<subcore_parallel>], iteration_bounds = array<i64: 2, 16>, scalar_prefetch = 0 : i64, scratch_operands = 5 : i64, tpu.core_type = #tpu.core_type<sc_vector_subcore>, window_params = [{transform_indices = #map}, {transform_indices = #map1}]} {
    %mul3A = arith.constant 2 : i32
    %mul3A_0 = arith.muli %arg1, %mul3A : i32
    %add3A = arith.addi %mul3A_0, %arg0 : i32
    %broadcast_in_dim3A = arith.constant 1.000000e+00 : f32
    %broadcast_in_dim3A_1 = vector.broadcast %broadcast_in_dim3A : f32 to vector<16xf32>
    %swap3A = arith.constant 0 : index
    %swap3A_2 = tpu.vector_load %arg5[%swap3A] {strides = array<i32>} : memref<128xf32, #tpu.memory_space<vmem>>, vector<16xf32>,
    %swap3A_3 = vector.shape_cast %swap3A_2 : vector<16xf32> to vector<16xf32>
    %swap3A_4 = vector.shape_cast %broadcast_in_dim3A_1 : vector<16xf32> to vector<16xf32>
    tpu.vector_store %arg5[%swap3A], %swap3A_4 {strides = array<i32>} : memref<128xf32, #tpu.memory_space<vmem>>, vector<16xf32>,
    %broadcast_in_dim3A_5 = arith.constant 0.000000e+00 : f32
    %broadcast_in_dim3A_6 = vector.broadcast %broadcast_in_dim3A_5 : f32 to vector<16xf32>
    %swap3A_7 = arith.constant 0 : index
    %swap3A_8 = tpu.vector_load %arg6[%swap3A_7] {strides = array<i32>} : memref<128xf32, #tpu.memory_space<vmem>>, vector<16xf32>,
    %swap3A_9 = vector.shape_cast %swap3A_8 : vector<16xf32> to vector<16xf32>
    %swap3A_10 = vector.shape_cast %broadcast_in_dim3A_6 : vector<16xf32> to vector<16xf32>
    tpu.vector_store %arg6[%swap3A_7], %swap3A_10 {strides = array<i32>} : memref<128xf32, #tpu.memory_space<vmem>>, vector<16xf32>,
    %broadcast_in_dim3A_11 = arith.constant 1.000000e+00 : f32
    %broadcast_in_dim3A_12 = vector.broadcast %broadcast_in_dim3A_11 : f32 to vector<16xf32>
    %swap3A_13 = arith.constant 16 : index
    %swap3A_14 = tpu.vector_load %arg5[%swap3A_13] {strides = array<i32>} : memref<128xf32, #tpu.memory_space<vmem>>, vector<16xf32>,
    %swap3A_15 = vector.shape_cast %swap3A_14 : vector<16xf32> to vector<16xf32>
    %swap3A_16 = vector.shape_cast %broadcast_in_dim3A_12 : vector<16xf32> to vector<16xf32>
    tpu.vector_store %arg5[%swap3A_13], %swap3A_16 {strides = array<i32>} : memref<128xf32, #tpu.memory_space<vmem>>, vector<16xf32>,
    %broadcast_in_dim3A_17 = arith.constant 0.000000e+00 : f32
    %broadcast_in_dim3A_18 = vector.broadcast %broadcast_in_dim3A_17 : f32 to vector<16xf32>
    %swap3A_19 = arith.constant 16 : index
    %swap3A_20 = tpu.vector_load %arg6[%swap3A_19] {strides = array<i32>} : memref<128xf32, #tpu.memory_space<vmem>>, vector<16xf32>,
    %swap3A_21 = vector.shape_cast %swap3A_20 : vector<16xf32> to vector<16xf32>
    %swap3A_22 = vector.shape_cast %broadcast_in_dim3A_18 : vector<16xf32> to vector<16xf32>
    tpu.vector_store %arg6[%swap3A_19], %swap3A_22 {strides = array<i32>} : memref<128xf32, #tpu.memory_space<vmem>>, vector<16xf32>,
    %broadcast_in_dim3A_23 = arith.constant 1.000000e+00 : f32
    %broadcast_in_dim3A_24 = vector.broadcast %broadcast_in_dim3A_23 : f32 to vector<16xf32>
    %swap3A_25 = arith.constant 32 : index
    %swap3A_26 = tpu.vector_load %arg5[%swap3A_25] {strides = array<i32>} : memref<128xf32, #tpu.memory_space<vmem>>, vector<16xf32>,
    %swap3A_27 = vector.shape_cast %swap3A_26 : vector<16xf32> to vector<16xf32>
    %swap3A_28 = vector.shape_cast %broadcast_in_dim3A_24 : vector<16xf32> to vector<16xf32>
    tpu.vector_store %arg5[%swap3A_25], %swap3A_28 {strides = array<i32>} : memref<128xf32, #tpu.memory_space<vmem>>, vector<16xf32>,
    %broadcast_in_dim3A_29 = arith.constant 0.000000e+00 : f32
    %broadcast_in_dim3A_30 = vector.broadcast %broadcast_in_dim3A_29 : f32 to vector<16xf32>
    %swap3A_31 = arith.constant 32 : index
    %swap3A_32 = tpu.vector_load %arg6[%swap3A_31] {strides = array<i32>} : memref<128xf32, #tpu.memory_space<vmem>>, vector<16xf32>,
    %swap3A_33 = vector.shape_cast %swap3A_32 : vector<16xf32> to vector<16xf32>
    %swap3A_34 = vector.shape_cast %broadcast_in_dim3A_30 : vector<16xf32> to vector<16xf32>
    tpu.vector_store %arg6[%swap3A_31], %swap3A_34 {strides = array<i32>} : memref<128xf32, #tpu.memory_space<vmem>>, vector<16xf32>,
    %broadcast_in_dim3A_35 = arith.constant 1.000000e+00 : f32
    %broadcast_in_dim3A_36 = vector.broadcast %broadcast_in_dim3A_35 : f32 to vector<16xf32>
    %swap3A_37 = arith.constant 48 : index
    %swap3A_38 = tpu.vector_load %arg5[%swap3A_37] {strides = array<i32>} : memref<128xf32, #tpu.memory_space<vmem>>, vector<16xf32>,
    %swap3A_39 = vector.shape_cast %swap3A_38 : vector<16xf32> to vector<16xf32>
    %swap3A_40 = vector.shape_cast %broadcast_in_dim3A_36 : vector<16xf32> to vector<16xf32>
    tpu.vector_store %arg5[%swap3A_37], %swap3A_40 {strides = array<i32>} : memref<128xf32, #tpu.memory_space<vmem>>, vector<16xf32>,
    %broadcast_in_dim3A_41 = arith.constant 0.000000e+00 : f32
    %broadcast_in_dim3A_42 = vector.broadcast %broadcast_in_dim3A_41 : f32 to vector<16xf32>
    %swap3A_43 = arith.constant 48 : index
    %swap3A_44 = tpu.vector_load %arg6[%swap3A_43] {strides = array<i32>} : memref<128xf32, #tpu.memory_space<vmem>>, vector<16xf32>,
    %swap3A_45 = vector.shape_cast %swap3A_44 : vector<16xf32> to vector<16xf32>
    %swap3A_46 = vector.shape_cast %broadcast_in_dim3A_42 : vector<16xf32> to vector<16xf32>
    tpu.vector_store %arg6[%swap3A_43], %swap3A_46 {strides = array<i32>} : memref<128xf32, #tpu.memory_space<vmem>>, vector<16xf32>,
    %broadcast_in_dim3A_47 = arith.constant 1.000000e+00 : f32
    %broadcast_in_dim3A_48 = vector.broadcast %broadcast_in_dim3A_47 : f32 to vector<16xf32>
    %swap3A_49 = arith.constant 64 : index
    %swap3A_50 = tpu.vector_load %arg5[%swap3A_49] {strides = array<i32>} : memref<128xf32, #tpu.memory_space<vmem>>, vector<16xf32>,
    %swap3A_51 = vector.shape_cast %swap3A_50 : vector<16xf32> to vector<16xf32>
    %swap3A_52 = vector.shape_cast %broadcast_in_dim3A_48 : vector<16xf32> to vector<16xf32>
    tpu.vector_store %arg5[%swap3A_49], %swap3A_52 {strides = array<i32>} : memref<128xf32, #tpu.memory_space<vmem>>, vector<16xf32>,
    %broadcast_in_dim3A_53 = arith.constant 0.000000e+00 : f32
    %broadcast_in_dim3A_54 = vector.broadcast %broadcast_in_dim3A_53 : f32 to vector<16xf32>
    %swap3A_55 = arith.constant 64 : index
    %swap3A_56 = tpu.vector_load %arg6[%swap3A_55] {strides = array<i32>} : memref<128xf32, #tpu.memory_space<vmem>>, vector<16xf32>,
    %swap3A_57 = vector.shape_cast %swap3A_56 : vector<16xf32> to vector<16xf32>
    %swap3A_58 = vector.shape_cast %broadcast_in_dim3A_54 : vector<16xf32> to vector<16xf32>
    tpu.vector_store %arg6[%swap3A_55], %swap3A_58 {strides = array<i32>} : memref<128xf32, #tpu.memory_space<vmem>>, vector<16xf32>,
    %broadcast_in_dim3A_59 = arith.constant 1.000000e+00 : f32
    %broadcast_in_dim3A_60 = vector.broadcast %broadcast_in_dim3A_59 : f32 to vector<16xf32>
    %swap3A_61 = arith.constant 80 : index
    %swap3A_62 = tpu.vector_load %arg5[%swap3A_61] {strides = array<i32>} : memref<128xf32, #tpu.memory_space<vmem>>, vector<16xf32>,
    %swap3A_63 = vector.shape_cast %swap3A_62 : vector<16xf32> to vector<16xf32>
    %swap3A_64 = vector.shape_cast %broadcast_in_dim3A_60 : vector<16xf32> to vector<16xf32>
    tpu.vector_store %arg5[%swap3A_61], %swap3A_64 {strides = array<i32>} : memref<128xf32, #tpu.memory_space<vmem>>, vector<16xf32>,
    %broadcast_in_dim3A_65 = arith.constant 0.000000e+00 : f32
    %broadcast_in_dim3A_66 = vector.broadcast %broadcast_in_dim3A_65 : f32 to vector<16xf32>
    %swap3A_67 = arith.constant 80 : index
    %swap3A_68 = tpu.vector_load %arg6[%swap3A_67] {strides = array<i32>} : memref<128xf32, #tpu.memory_space<vmem>>, vector<16xf32>,
    %swap3A_69 = vector.shape_cast %swap3A_68 : vector<16xf32> to vector<16xf32>
    %swap3A_70 = vector.shape_cast %broadcast_in_dim3A_66 : vector<16xf32> to vector<16xf32>
    tpu.vector_store %arg6[%swap3A_67], %swap3A_70 {strides = array<i32>} : memref<128xf32, #tpu.memory_space<vmem>>, vector<16xf32>,
    %broadcast_in_dim3A_71 = arith.constant 1.000000e+00 : f32
    %broadcast_in_dim3A_72 = vector.broadcast %broadcast_in_dim3A_71 : f32 to vector<16xf32>
    %swap3A_73 = arith.constant 96 : index
    %swap3A_74 = tpu.vector_load %arg5[%swap3A_73] {strides = array<i32>} : memref<128xf32, #tpu.memory_space<vmem>>, vector<16xf32>,
    %swap3A_75 = vector.shape_cast %swap3A_74 : vector<16xf32> to vector<16xf32>
    %swap3A_76 = vector.shape_cast %broadcast_in_dim3A_72 : vector<16xf32> to vector<16xf32>
    tpu.vector_store %arg5[%swap3A_73], %swap3A_76 {strides = array<i32>} : memref<128xf32, #tpu.memory_space<vmem>>, vector<16xf32>,
    %broadcast_in_dim3A_77 = arith.constant 0.000000e+00 : f32
    %broadcast_in_dim3A_78 = vector.broadcast %broadcast_in_dim3A_77 : f32 to vector<16xf32>
    %swap3A_79 = arith.constant 96 : index
    %swap3A_80 = tpu.vector_load %arg6[%swap3A_79] {strides = array<i32>} : memref<128xf32, #tpu.memory_space<vmem>>, vector<16xf32>,
    %swap3A_81 = vector.shape_cast %swap3A_80 : vector<16xf32> to vector<16xf32>
    %swap3A_82 = vector.shape_cast %broadcast_in_dim3A_78 : vector<16xf32> to vector<16xf32>
    tpu.vector_store %arg6[%swap3A_79], %swap3A_82 {strides = array<i32>} : memref<128xf32, #tpu.memory_space<vmem>>, vector<16xf32>,
    %broadcast_in_dim3A_83 = arith.constant 1.000000e+00 : f32
    %broadcast_in_dim3A_84 = vector.broadcast %broadcast_in_dim3A_83 : f32 to vector<16xf32>
    %swap3A_85 = arith.constant 112 : index
    %swap3A_86 = tpu.vector_load %arg5[%swap3A_85] {strides = array<i32>} : memref<128xf32, #tpu.memory_space<vmem>>, vector<16xf32>,
    %swap3A_87 = vector.shape_cast %swap3A_86 : vector<16xf32> to vector<16xf32>
    %swap3A_88 = vector.shape_cast %broadcast_in_dim3A_84 : vector<16xf32> to vector<16xf32>
    tpu.vector_store %arg5[%swap3A_85], %swap3A_88 {strides = array<i32>} : memref<128xf32, #tpu.memory_space<vmem>>, vector<16xf32>,
    %broadcast_in_dim3A_89 = arith.constant 0.000000e+00 : f32
    %broadcast_in_dim3A_90 = vector.broadcast %broadcast_in_dim3A_89 : f32 to vector<16xf32>
    %swap3A_91 = arith.constant 112 : index
    %swap3A_92 = tpu.vector_load %arg6[%swap3A_91] {strides = array<i32>} : memref<128xf32, #tpu.memory_space<vmem>>, vector<16xf32>,
    %swap3A_93 = vector.shape_cast %swap3A_92 : vector<16xf32> to vector<16xf32>
    %swap3A_94 = vector.shape_cast %broadcast_in_dim3A_90 : vector<16xf32> to vector<16xf32>
    tpu.vector_store %arg6[%swap3A_91], %swap3A_94 {strides = array<i32>} : memref<128xf32, #tpu.memory_space<vmem>>, vector<16xf32>,
    %mul3A_95 = arith.constant 640 : i32
    %mul3A_96 = arith.muli %arg1, %mul3A_95 : i32
    %add3A_97 = arith.constant 0 : i32
    %add3A_98 = arith.addi %mul3A_96, %add3A_97 : i32
    "tpu.region"() ({
      %run_scoped3A = tpu.sem_alloc : memref<!tpu.dma_semaphore, #tpu.memory_space<semaphore_mem>>
      %dma_start3A_1083 = tpu.memref_slice %arg7[%add3A_98] : memref<10240xf32, #tpu.memory_space<vmem_shared>> -> memref<128xf32, #tpu.memory_space<vmem_shared>>
      %dma_start3A_1084 = tpu.memref_slice %arg7[%add3A_98] : memref<10240xf32, #tpu.memory_space<vmem_shared>> -> memref<128xf32, #tpu.memory_space<vmem_shared>>
      tpu.enqueue_dma source(%arg6 : memref<128xf32, #tpu.memory_space<vmem>>) target(%dma_start3A_1084 : memref<128xf32, #tpu.memory_space<vmem_shared>>) target_semaphore(%run_scoped3A : memref<!tpu.dma_semaphore, #tpu.memory_space<semaphore_mem>>)
      %dma_wait3A_1085 = tpu.memref_slice %arg7[%add3A_98] : memref<10240xf32, #tpu.memory_space<vmem_shared>> -> memref<128xf32, #tpu.memory_space<vmem_shared>>
      %dma_wait3A_1086 = tpu.memref_slice %arg7[%add3A_98] : memref<10240xf32, #tpu.memory_space<vmem_shared>> -> memref<128xf32, #tpu.memory_space<vmem_shared>>
      tpu.wait_dma2 semaphore(%run_scoped3A : memref<!tpu.dma_semaphore, #tpu.memory_space<semaphore_mem>>) src(%arg6 : memref<128xf32, #tpu.memory_space<vmem>>) dst(%dma_wait3A_1086 : memref<128xf32, #tpu.memory_space<vmem_shared>>)
      tpu.yield
    }) : () -> ()
    %mul3A_99 = arith.constant 640 : i32
    %mul3A_100 = arith.muli %arg1, %mul3A_99 : i32
    %add3A_101 = arith.constant 128 : i32
    %add3A_102 = arith.addi %mul3A_100, %add3A_101 : i32
    "tpu.region"() ({
      %run_scoped3A = tpu.sem_alloc : memref<!tpu.dma_semaphore, #tpu.memory_space<semaphore_mem>>
      %dma_start3A_1083 = tpu.memref_slice %arg7[%add3A_102] : memref<10240xf32, #tpu.memory_space<vmem_shared>> -> memref<128xf32, #tpu.memory_space<vmem_shared>>
      %dma_start3A_1084 = tpu.memref_slice %arg7[%add3A_102] : memref<10240xf32, #tpu.memory_space<vmem_shared>> -> memref<128xf32, #tpu.memory_space<vmem_shared>>
      tpu.enqueue_dma source(%arg6 : memref<128xf32, #tpu.memory_space<vmem>>) target(%dma_start3A_1084 : memref<128xf32, #tpu.memory_space<vmem_shared>>) target_semaphore(%run_scoped3A : memref<!tpu.dma_semaphore, #tpu.memory_space<semaphore_mem>>)
      %dma_wait3A_1085 = tpu.memref_slice %arg7[%add3A_102] : memref<10240xf32, #tpu.memory_space<vmem_shared>> -> memref<128xf32, #tpu.memory_space<vmem_shared>>
      %dma_wait3A_1086 = tpu.memref_slice %arg7[%add3A_102] : memref<10240xf32, #tpu.memory_space<vmem_shared>> -> memref<128xf32, #tpu.memory_space<vmem_shared>>
      tpu.wait_dma2 semaphore(%run_scoped3A : memref<!tpu.dma_semaphore, #tpu.memory_space<semaphore_mem>>) src(%arg6 : memref<128xf32, #tpu.memory_space<vmem>>) dst(%dma_wait3A_1086 : memref<128xf32, #tpu.memory_space<vmem_shared>>)
      tpu.yield
    }) : () -> ()
    %mul3A_103 = arith.constant 640 : i32
    %mul3A_104 = arith.muli %arg1, %mul3A_103 : i32
    %add3A_105 = arith.constant 256 : i32
    %add3A_106 = arith.addi %mul3A_104, %add3A_105 : i32
    "tpu.region"() ({
      %run_scoped3A = tpu.sem_alloc : memref<!tpu.dma_semaphore, #tpu.memory_space<semaphore_mem>>
      %dma_start3A_1083 = tpu.memref_slice %arg7[%add3A_106] : memref<10240xf32, #tpu.memory_space<vmem_shared>> -> memref<128xf32, #tpu.memory_space<vmem_shared>>
      %dma_start3A_1084 = tpu.memref_slice %arg7[%add3A_106] : memref<10240xf32, #tpu.memory_space<vmem_shared>> -> memref<128xf32, #tpu.memory_space<vmem_shared>>
      tpu.enqueue_dma source(%arg6 : memref<128xf32, #tpu.memory_space<vmem>>) target(%dma_start3A_1084 : memref<128xf32, #tpu.memory_space<vmem_shared>>) target_semaphore(%run_scoped3A : memref<!tpu.dma_semaphore, #tpu.memory_space<semaphore_mem>>)
      %dma_wait3A_1085 = tpu.memref_slice %arg7[%add3A_106] : memref<10240xf32, #tpu.memory_space<vmem_shared>> -> memref<128xf32, #tpu.memory_space<vmem_shared>>
      %dma_wait3A_1086 = tpu.memref_slice %arg7[%add3A_106] : memref<10240xf32, #tpu.memory_space<vmem_shared>> -> memref<128xf32, #tpu.memory_space<vmem_shared>>
      tpu.wait_dma2 semaphore(%run_scoped3A : memref<!tpu.dma_semaphore, #tpu.memory_space<semaphore_mem>>) src(%arg6 : memref<128xf32, #tpu.memory_space<vmem>>) dst(%dma_wait3A_1086 : memref<128xf32, #tpu.memory_space<vmem_shared>>)
      tpu.yield
    }) : () -> ()
    %mul3A_107 = arith.constant 640 : i32
    %mul3A_108 = arith.muli %arg1, %mul3A_107 : i32
    %add3A_109 = arith.constant 384 : i32
    %add3A_110 = arith.addi %mul3A_108, %add3A_109 : i32
    "tpu.region"() ({
      %run_scoped3A = tpu.sem_alloc : memref<!tpu.dma_semaphore, #tpu.memory_space<semaphore_mem>>
      %dma_start3A_1083 = tpu.memref_slice %arg7[%add3A_110] : memref<10240xf32, #tpu.memory_space<vmem_shared>> -> memref<128xf32, #tpu.memory_space<vmem_shared>>
      %dma_start3A_1084 = tpu.memref_slice %arg7[%add3A_110] : memref<10240xf32, #tpu.memory_space<vmem_shared>> -> memref<128xf32, #tpu.memory_space<vmem_shared>>
      tpu.enqueue_dma source(%arg6 : memref<128xf32, #tpu.memory_space<vmem>>) target(%dma_start3A_1084 : memref<128xf32, #tpu.memory_space<vmem_shared>>) target_semaphore(%run_scoped3A : memref<!tpu.dma_semaphore, #tpu.memory_space<semaphore_mem>>)
      %dma_wait3A_1085 = tpu.memref_slice %arg7[%add3A_110] : memref<10240xf32, #tpu.memory_space<vmem_shared>> -> memref<128xf32, #tpu.memory_space<vmem_shared>>
      %dma_wait3A_1086 = tpu.memref_slice %arg7[%add3A_110] : memref<10240xf32, #tpu.memory_space<vmem_shared>> -> memref<128xf32, #tpu.memory_space<vmem_shared>>
      tpu.wait_dma2 semaphore(%run_scoped3A : memref<!tpu.dma_semaphore, #tpu.memory_space<semaphore_mem>>) src(%arg6 : memref<128xf32, #tpu.memory_space<vmem>>) dst(%dma_wait3A_1086 : memref<128xf32, #tpu.memory_space<vmem_shared>>)
      tpu.yield
    }) : () -> ()
    %mul3A_111 = arith.constant 640 : i32
    %mul3A_112 = arith.muli %arg1, %mul3A_111 : i32
    %add3A_113 = arith.constant 512 : i32
    %add3A_114 = arith.addi %mul3A_112, %add3A_113 : i32
    "tpu.region"() ({
      %run_scoped3A = tpu.sem_alloc : memref<!tpu.dma_semaphore, #tpu.memory_space<semaphore_mem>>
      %dma_start3A_1083 = tpu.memref_slice %arg7[%add3A_114] : memref<10240xf32, #tpu.memory_space<vmem_shared>> -> memref<128xf32, #tpu.memory_space<vmem_shared>>
      %dma_start3A_1084 = tpu.memref_slice %arg7[%add3A_114] : memref<10240xf32, #tpu.memory_space<vmem_shared>> -> memref<128xf32, #tpu.memory_space<vmem_shared>>
      tpu.enqueue_dma source(%arg6 : memref<128xf32, #tpu.memory_space<vmem>>) target(%dma_start3A_1084 : memref<128xf32, #tpu.memory_space<vmem_shared>>) target_semaphore(%run_scoped3A : memref<!tpu.dma_semaphore, #tpu.memory_space<semaphore_mem>>)
      %dma_wait3A_1085 = tpu.memref_slice %arg7[%add3A_114] : memref<10240xf32, #tpu.memory_space<vmem_shared>> -> memref<128xf32, #tpu.memory_space<vmem_shared>>
      %dma_wait3A_1086 = tpu.memref_slice %arg7[%add3A_114] : memref<10240xf32, #tpu.memory_space<vmem_shared>> -> memref<128xf32, #tpu.memory_space<vmem_shared>>
      tpu.wait_dma2 semaphore(%run_scoped3A : memref<!tpu.dma_semaphore, #tpu.memory_space<semaphore_mem>>) src(%arg6 : memref<128xf32, #tpu.memory_space<vmem>>) dst(%dma_wait3A_1086 : memref<128xf32, #tpu.memory_space<vmem_shared>>)
      tpu.yield
    }) : () -> ()
    %barrier3A = arith.constant 0 : index
    tpu.barrier barrier_id(%barrier3A)
    %mul3A_115 = arith.constant 80 : i32
    %mul3A_116 = arith.muli %add3A, %mul3A_115 : i32
    "tpu.region"() ({
      %run_scoped3A = tpu.sem_alloc : memref<!tpu.dma_semaphore, #tpu.memory_space<semaphore_mem>>
      %dma_start3A_1083 = arith.constant 0 : i32
      %dma_start3A_1084 = tpu.memref_slice %arg2[%mul3A_116, %dma_start3A_1083] : memref<2560x128xi32, #tpu.memory_space<hbm>> -> memref<80x128xi32, #tpu.memory_space<hbm>>
      %dma_start3A_1085 = arith.constant 0 : i32
      %dma_start3A_1086 = tpu.memref_slice %arg2[%mul3A_116, %dma_start3A_1085] : memref<2560x128xi32, #tpu.memory_space<hbm>> -> memref<80x128xi32, #tpu.memory_space<hbm>>
      tpu.enqueue_dma source(%dma_start3A_1086 : memref<80x128xi32, #tpu.memory_space<hbm>>) target(%arg4 : memref<80x128xi32, #tpu.memory_space<vmem>>) target_semaphore(%run_scoped3A : memref<!tpu.dma_semaphore, #tpu.memory_space<semaphore_mem>>)
      %dma_wait3A_1087 = arith.constant 0 : i32
      %dma_wait3A_1088 = tpu.memref_slice %arg2[%mul3A_116, %dma_wait3A_1087] : memref<2560x128xi32, #tpu.memory_space<hbm>> -> memref<80x128xi32, #tpu.memory_space<hbm>>
      %dma_wait3A_1089 = arith.constant 0 : i32
      %dma_wait3A_1090 = tpu.memref_slice %arg2[%mul3A_116, %dma_wait3A_1089] : memref<2560x128xi32, #tpu.memory_space<hbm>> -> memref<80x128xi32, #tpu.memory_space<hbm>>
      tpu.wait_dma2 semaphore(%run_scoped3A : memref<!tpu.dma_semaphore, #tpu.memory_space<semaphore_mem>>) src(%dma_wait3A_1090 : memref<80x128xi32, #tpu.memory_space<hbm>>) dst(%arg4 : memref<80x128xi32, #tpu.memory_space<vmem>>)
      tpu.yield
    }) : () -> ()
    %dma_start3A = arith.constant 0 : i32
    %dma_start3A_117 = arith.constant 0 : i32
    %dma_start3A_118 = tpu.memref_slice %arg4[%dma_start3A, %dma_start3A_117] : memref<80x128xi32, #tpu.memory_space<vmem>> -> memref<1x128xi32, #tpu.memory_space<vmem>>
    %dma_start3A_119 = tpu.memref_squeeze %dma_start3A_118 : memref<1x128xi32, #tpu.memory_space<vmem>> -> memref<128xi32, #tpu.memory_space<vmem>>
    %dma_start3A_120 = arith.constant 0 : i32
    %dma_start3A_121 = tpu.memref_slice %arg7[%dma_start3A_120] : memref<10240xf32, #tpu.memory_space<vmem_shared>> -> memref<10240xf32, #tpu.memory_space<vmem_shared>>
    tpu.enqueue_indirect_dma source(%arg5 : memref<128xf32, #tpu.memory_space<vmem>>) target(%dma_start3A_121 : memref<10240xf32, #tpu.memory_space<vmem_shared>>) offsets(%dma_start3A_119 : memref<128xi32, #tpu.memory_space<vmem>>) semaphore(%arg8 : memref<!tpu.dma_semaphore, #tpu.memory_space<semaphore_mem>>) {add = true}
    %dma_start3A_122 = arith.constant 1 : i32
    %dma_start3A_123 = arith.constant 0 : i32
    %dma_start3A_124 = tpu.memref_slice %arg4[%dma_start3A_122, %dma_start3A_123] : memref<80x128xi32, #tpu.memory_space<vmem>> -> memref<1x128xi32, #tpu.memory_space<vmem>>
    %dma_start3A_125 = tpu.memref_squeeze %dma_start3A_124 : memref<1x128xi32, #tpu.memory_space<vmem>> -> memref<128xi32, #tpu.memory_space<vmem>>
    %dma_start3A_126 = arith.constant 0 : i32
    %dma_start3A_127 = tpu.memref_slice %arg7[%dma_start3A_126] : memref<10240xf32, #tpu.memory_space<vmem_shared>> -> memref<10240xf32, #tpu.memory_space<vmem_shared>>
    tpu.enqueue_indirect_dma source(%arg5 : memref<128xf32, #tpu.memory_space<vmem>>) target(%dma_start3A_127 : memref<10240xf32, #tpu.memory_space<vmem_shared>>) offsets(%dma_start3A_125 : memref<128xi32, #tpu.memory_space<vmem>>) semaphore(%arg8 : memref<!tpu.dma_semaphore, #tpu.memory_space<semaphore_mem>>) {add = true}
    %dma_start3A_128 = arith.constant 2 : i32
    %dma_start3A_129 = arith.constant 0 : i32
    %dma_start3A_130 = tpu.memref_slice %arg4[%dma_start3A_128, %dma_start3A_129] : memref<80x128xi32, #tpu.memory_space<vmem>> -> memref<1x128xi32, #tpu.memory_space<vmem>>
    %dma_start3A_131 = tpu.memref_squeeze %dma_start3A_130 : memref<1x128xi32, #tpu.memory_space<vmem>> -> memref<128xi32, #tpu.memory_space<vmem>>
    %dma_start3A_132 = arith.constant 0 : i32
    %dma_start3A_133 = tpu.memref_slice %arg7[%dma_start3A_132] : memref<10240xf32, #tpu.memory_space<vmem_shared>> -> memref<10240xf32, #tpu.memory_space<vmem_shared>>
    tpu.enqueue_indirect_dma source(%arg5 : memref<128xf32, #tpu.memory_space<vmem>>) target(%dma_start3A_133 : memref<10240xf32, #tpu.memory_space<vmem_shared>>) offsets(%dma_start3A_131 : memref<128xi32, #tpu.memory_space<vmem>>) semaphore(%arg8 : memref<!tpu.dma_semaphore, #tpu.memory_space<semaphore_mem>>) {add = true}
    %dma_start3A_134 = arith.constant 3 : i32
    %dma_start3A_135 = arith.constant 0 : i32
    %dma_start3A_136 = tpu.memref_slice %arg4[%dma_start3A_134, %dma_start3A_135] : memref<80x128xi32, #tpu.memory_space<vmem>> -> memref<1x128xi32, #tpu.memory_space<vmem>>
    %dma_start3A_137 = tpu.memref_squeeze %dma_start3A_136 : memref<1x128xi32, #tpu.memory_space<vmem>> -> memref<128xi32, #tpu.memory_space<vmem>>
    %dma_start3A_138 = arith.constant 0 : i32
    %dma_start3A_139 = tpu.memref_slice %arg7[%dma_start3A_138] : memref<10240xf32, #tpu.memory_space<vmem_shared>> -> memref<10240xf32, #tpu.memory_space<vmem_shared>>
    tpu.enqueue_indirect_dma source(%arg5 : memref<128xf32, #tpu.memory_space<vmem>>) target(%dma_start3A_139 : memref<10240xf32, #tpu.memory_space<vmem_shared>>) offsets(%dma_start3A_137 : memref<128xi32, #tpu.memory_space<vmem>>) semaphore(%arg8 : memref<!tpu.dma_semaphore, #tpu.memory_space<semaphore_mem>>) {add = true}
    %dma_start3A_140 = arith.constant 4 : i32
    %dma_start3A_141 = arith.constant 0 : i32
    %dma_start3A_142 = tpu.memref_slice %arg4[%dma_start3A_140, %dma_start3A_141] : memref<80x128xi32, #tpu.memory_space<vmem>> -> memref<1x128xi32, #tpu.memory_space<vmem>>
    %dma_start3A_143 = tpu.memref_squeeze %dma_start3A_142 : memref<1x128xi32, #tpu.memory_space<vmem>> -> memref<128xi32, #tpu.memory_space<vmem>>
    %dma_start3A_144 = arith.constant 0 : i32
    %dma_start3A_145 = tpu.memref_slice %arg7[%dma_start3A_144] : memref<10240xf32, #tpu.memory_space<vmem_shared>> -> memref<10240xf32, #tpu.memory_space<vmem_shared>>
    tpu.enqueue_indirect_dma source(%arg5 : memref<128xf32, #tpu.memory_space<vmem>>) target(%dma_start3A_145 : memref<10240xf32, #tpu.memory_space<vmem_shared>>) offsets(%dma_start3A_143 : memref<128xi32, #tpu.memory_space<vmem>>) semaphore(%arg8 : memref<!tpu.dma_semaphore, #tpu.memory_space<semaphore_mem>>) {add = true}
    %dma_start3A_146 = arith.constant 5 : i32
    %dma_start3A_147 = arith.constant 0 : i32
    %dma_start3A_148 = tpu.memref_slice %arg4[%dma_start3A_146, %dma_start3A_147] : memref<80x128xi32, #tpu.memory_space<vmem>> -> memref<1x128xi32, #tpu.memory_space<vmem>>
    %dma_start3A_149 = tpu.memref_squeeze %dma_start3A_148 : memref<1x128xi32, #tpu.memory_space<vmem>> -> memref<128xi32, #tpu.memory_space<vmem>>
    %dma_start3A_150 = arith.constant 0 : i32
    %dma_start3A_151 = tpu.memref_slice %arg7[%dma_start3A_150] : memref<10240xf32, #tpu.memory_space<vmem_shared>> -> memref<10240xf32, #tpu.memory_space<vmem_shared>>
    tpu.enqueue_indirect_dma source(%arg5 : memref<128xf32, #tpu.memory_space<vmem>>) target(%dma_start3A_151 : memref<10240xf32, #tpu.memory_space<vmem_shared>>) offsets(%dma_start3A_149 : memref<128xi32, #tpu.memory_space<vmem>>) semaphore(%arg8 : memref<!tpu.dma_semaphore, #tpu.memory_space<semaphore_mem>>) {add = true}
    %dma_start3A_152 = arith.constant 6 : i32
    %dma_start3A_153 = arith.constant 0 : i32
    %dma_start3A_154 = tpu.memref_slice %arg4[%dma_start3A_152, %dma_start3A_153] : memref<80x128xi32, #tpu.memory_space<vmem>> -> memref<1x128xi32, #tpu.memory_space<vmem>>
    %dma_start3A_155 = tpu.memref_squeeze %dma_start3A_154 : memref<1x128xi32, #tpu.memory_space<vmem>> -> memref<128xi32, #tpu.memory_space<vmem>>
    %dma_start3A_156 = arith.constant 0 : i32
    %dma_start3A_157 = tpu.memref_slice %arg7[%dma_start3A_156] : memref<10240xf32, #tpu.memory_space<vmem_shared>> -> memref<10240xf32, #tpu.memory_space<vmem_shared>>
    tpu.enqueue_indirect_dma source(%arg5 : memref<128xf32, #tpu.memory_space<vmem>>) target(%dma_start3A_157 : memref<10240xf32, #tpu.memory_space<vmem_shared>>) offsets(%dma_start3A_155 : memref<128xi32, #tpu.memory_space<vmem>>) semaphore(%arg8 : memref<!tpu.dma_semaphore, #tpu.memory_space<semaphore_mem>>) {add = true}
    %dma_start3A_158 = arith.constant 7 : i32
    %dma_start3A_159 = arith.constant 0 : i32
    %dma_start3A_160 = tpu.memref_slice %arg4[%dma_start3A_158, %dma_start3A_159] : memref<80x128xi32, #tpu.memory_space<vmem>> -> memref<1x128xi32, #tpu.memory_space<vmem>>
    %dma_start3A_161 = tpu.memref_squeeze %dma_start3A_160 : memref<1x128xi32, #tpu.memory_space<vmem>> -> memref<128xi32, #tpu.memory_space<vmem>>
    %dma_start3A_162 = arith.constant 0 : i32
    %dma_start3A_163 = tpu.memref_slice %arg7[%dma_start3A_162] : memref<10240xf32, #tpu.memory_space<vmem_shared>> -> memref<10240xf32, #tpu.memory_space<vmem_shared>>
    tpu.enqueue_indirect_dma source(%arg5 : memref<128xf32, #tpu.memory_space<vmem>>) target(%dma_start3A_163 : memref<10240xf32, #tpu.memory_space<vmem_shared>>) offsets(%dma_start3A_161 : memref<128xi32, #tpu.memory_space<vmem>>) semaphore(%arg8 : memref<!tpu.dma_semaphore, #tpu.memory_space<semaphore_mem>>) {add = true}
    %dma_start3A_164 = arith.constant 8 : i32
    %dma_start3A_165 = arith.constant 0 : i32
    %dma_start3A_166 = tpu.memref_slice %arg4[%dma_start3A_164, %dma_start3A_165] : memref<80x128xi32, #tpu.memory_space<vmem>> -> memref<1x128xi32, #tpu.memory_space<vmem>>
    %dma_start3A_167 = tpu.memref_squeeze %dma_start3A_166 : memref<1x128xi32, #tpu.memory_space<vmem>> -> memref<128xi32, #tpu.memory_space<vmem>>
    %dma_start3A_168 = arith.constant 0 : i32
    %dma_start3A_169 = tpu.memref_slice %arg7[%dma_start3A_168] : memref<10240xf32, #tpu.memory_space<vmem_shared>> -> memref<10240xf32, #tpu.memory_space<vmem_shared>>
    tpu.enqueue_indirect_dma source(%arg5 : memref<128xf32, #tpu.memory_space<vmem>>) target(%dma_start3A_169 : memref<10240xf32, #tpu.memory_space<vmem_shared>>) offsets(%dma_start3A_167 : memref<128xi32, #tpu.memory_space<vmem>>) semaphore(%arg8 : memref<!tpu.dma_semaphore, #tpu.memory_space<semaphore_mem>>) {add = true}
    %dma_start3A_170 = arith.constant 9 : i32
    %dma_start3A_171 = arith.constant 0 : i32
    %dma_start3A_172 = tpu.memref_slice %arg4[%dma_start3A_170, %dma_start3A_171] : memref<80x128xi32, #tpu.memory_space<vmem>> -> memref<1x128xi32, #tpu.memory_space<vmem>>
    %dma_start3A_173 = tpu.memref_squeeze %dma_start3A_172 : memref<1x128xi32, #tpu.memory_space<vmem>> -> memref<128xi32, #tpu.memory_space<vmem>>
    %dma_start3A_174 = arith.constant 0 : i32
    %dma_start3A_175 = tpu.memref_slice %arg7[%dma_start3A_174] : memref<10240xf32, #tpu.memory_space<vmem_shared>> -> memref<10240xf32, #tpu.memory_space<vmem_shared>>
    tpu.enqueue_indirect_dma source(%arg5 : memref<128xf32, #tpu.memory_space<vmem>>) target(%dma_start3A_175 : memref<10240xf32, #tpu.memory_space<vmem_shared>>) offsets(%dma_start3A_173 : memref<128xi32, #tpu.memory_space<vmem>>) semaphore(%arg8 : memref<!tpu.dma_semaphore, #tpu.memory_space<semaphore_mem>>) {add = true}
    %dma_start3A_176 = arith.constant 10 : i32
    %dma_start3A_177 = arith.constant 0 : i32
    %dma_start3A_178 = tpu.memref_slice %arg4[%dma_start3A_176, %dma_start3A_177] : memref<80x128xi32, #tpu.memory_space<vmem>> -> memref<1x128xi32, #tpu.memory_space<vmem>>
    %dma_start3A_179 = tpu.memref_squeeze %dma_start3A_178 : memref<1x128xi32, #tpu.memory_space<vmem>> -> memref<128xi32, #tpu.memory_space<vmem>>
    %dma_start3A_180 = arith.constant 0 : i32
    %dma_start3A_181 = tpu.memref_slice %arg7[%dma_start3A_180] : memref<10240xf32, #tpu.memory_space<vmem_shared>> -> memref<10240xf32, #tpu.memory_space<vmem_shared>>
    tpu.enqueue_indirect_dma source(%arg5 : memref<128xf32, #tpu.memory_space<vmem>>) target(%dma_start3A_181 : memref<10240xf32, #tpu.memory_space<vmem_shared>>) offsets(%dma_start3A_179 : memref<128xi32, #tpu.memory_space<vmem>>) semaphore(%arg8 : memref<!tpu.dma_semaphore, #tpu.memory_space<semaphore_mem>>) {add = true}
    %dma_start3A_182 = arith.constant 11 : i32
    %dma_start3A_183 = arith.constant 0 : i32
    %dma_start3A_184 = tpu.memref_slice %arg4[%dma_start3A_182, %dma_start3A_183] : memref<80x128xi32, #tpu.memory_space<vmem>> -> memref<1x128xi32, #tpu.memory_space<vmem>>
    %dma_start3A_185 = tpu.memref_squeeze %dma_start3A_184 : memref<1x128xi32, #tpu.memory_space<vmem>> -> memref<128xi32, #tpu.memory_space<vmem>>
    %dma_start3A_186 = arith.constant 0 : i32
    %dma_start3A_187 = tpu.memref_slice %arg7[%dma_start3A_186] : memref<10240xf32, #tpu.memory_space<vmem_shared>> -> memref<10240xf32, #tpu.memory_space<vmem_shared>>
    tpu.enqueue_indirect_dma source(%arg5 : memref<128xf32, #tpu.memory_space<vmem>>) target(%dma_start3A_187 : memref<10240xf32, #tpu.memory_space<vmem_shared>>) offsets(%dma_start3A_185 : memref<128xi32, #tpu.memory_space<vmem>>) semaphore(%arg8 : memref<!tpu.dma_semaphore, #tpu.memory_space<semaphore_mem>>) {add = true}
    %dma_start3A_188 = arith.constant 12 : i32
    %dma_start3A_189 = arith.constant 0 : i32
    %dma_start3A_190 = tpu.memref_slice %arg4[%dma_start3A_188, %dma_start3A_189] : memref<80x128xi32, #tpu.memory_space<vmem>> -> memref<1x128xi32, #tpu.memory_space<vmem>>
    %dma_start3A_191 = tpu.memref_squeeze %dma_start3A_190 : memref<1x128xi32, #tpu.memory_space<vmem>> -> memref<128xi32, #tpu.memory_space<vmem>>
    %dma_start3A_192 = arith.constant 0 : i32
    %dma_start3A_193 = tpu.memref_slice %arg7[%dma_start3A_192] : memref<10240xf32, #tpu.memory_space<vmem_shared>> -> memref<10240xf32, #tpu.memory_space<vmem_shared>>
    tpu.enqueue_indirect_dma source(%arg5 : memref<128xf32, #tpu.memory_space<vmem>>) target(%dma_start3A_193 : memref<10240xf32, #tpu.memory_space<vmem_shared>>) offsets(%dma_start3A_191 : memref<128xi32, #tpu.memory_space<vmem>>) semaphore(%arg8 : memref<!tpu.dma_semaphore, #tpu.memory_space<semaphore_mem>>) {add = true}
    %dma_start3A_194 = arith.constant 13 : i32
    %dma_start3A_195 = arith.constant 0 : i32
    %dma_start3A_196 = tpu.memref_slice %arg4[%dma_start3A_194, %dma_start3A_195] : memref<80x128xi32, #tpu.memory_space<vmem>> -> memref<1x128xi32, #tpu.memory_space<vmem>>
    %dma_start3A_197 = tpu.memref_squeeze %dma_start3A_196 : memref<1x128xi32, #tpu.memory_space<vmem>> -> memref<128xi32, #tpu.memory_space<vmem>>
    %dma_start3A_198 = arith.constant 0 : i32
    %dma_start3A_199 = tpu.memref_slice %arg7[%dma_start3A_198] : memref<10240xf32, #tpu.memory_space<vmem_shared>> -> memref<10240xf32, #tpu.memory_space<vmem_shared>>
    tpu.enqueue_indirect_dma source(%arg5 : memref<128xf32, #tpu.memory_space<vmem>>) target(%dma_start3A_199 : memref<10240xf32, #tpu.memory_space<vmem_shared>>) offsets(%dma_start3A_197 : memref<128xi32, #tpu.memory_space<vmem>>) semaphore(%arg8 : memref<!tpu.dma_semaphore, #tpu.memory_space<semaphore_mem>>) {add = true}
    %dma_start3A_200 = arith.constant 14 : i32
    %dma_start3A_201 = arith.constant 0 : i32
    %dma_start3A_202 = tpu.memref_slice %arg4[%dma_start3A_200, %dma_start3A_201] : memref<80x128xi32, #tpu.memory_space<vmem>> -> memref<1x128xi32, #tpu.memory_space<vmem>>
    %dma_start3A_203 = tpu.memref_squeeze %dma_start3A_202 : memref<1x128xi32, #tpu.memory_space<vmem>> -> memref<128xi32, #tpu.memory_space<vmem>>
    %dma_start3A_204 = arith.constant 0 : i32
    %dma_start3A_205 = tpu.memref_slice %arg7[%dma_start3A_204] : memref<10240xf32, #tpu.memory_space<vmem_shared>> -> memref<10240xf32, #tpu.memory_space<vmem_shared>>
    tpu.enqueue_indirect_dma source(%arg5 : memref<128xf32, #tpu.memory_space<vmem>>) target(%dma_start3A_205 : memref<10240xf32, #tpu.memory_space<vmem_shared>>) offsets(%dma_start3A_203 : memref<128xi32, #tpu.memory_space<vmem>>) semaphore(%arg8 : memref<!tpu.dma_semaphore, #tpu.memory_space<semaphore_mem>>) {add = true}
    %dma_start3A_206 = arith.constant 15 : i32
    %dma_start3A_207 = arith.constant 0 : i32
    %dma_start3A_208 = tpu.memref_slice %arg4[%dma_start3A_206, %dma_start3A_207] : memref<80x128xi32, #tpu.memory_space<vmem>> -> memref<1x128xi32, #tpu.memory_space<vmem>>
    %dma_start3A_209 = tpu.memref_squeeze %dma_start3A_208 : memref<1x128xi32, #tpu.memory_space<vmem>> -> memref<128xi32, #tpu.memory_space<vmem>>
    %dma_start3A_210 = arith.constant 0 : i32
    %dma_start3A_211 = tpu.memref_slice %arg7[%dma_start3A_210] : memref<10240xf32, #tpu.memory_space<vmem_shared>> -> memref<10240xf32, #tpu.memory_space<vmem_shared>>
    tpu.enqueue_indirect_dma source(%arg5 : memref<128xf32, #tpu.memory_space<vmem>>) target(%dma_start3A_211 : memref<10240xf32, #tpu.memory_space<vmem_shared>>) offsets(%dma_start3A_209 : memref<128xi32, #tpu.memory_space<vmem>>) semaphore(%arg8 : memref<!tpu.dma_semaphore, #tpu.memory_space<semaphore_mem>>) {add = true}
    %dma_start3A_212 = arith.constant 16 : i32
    %dma_start3A_213 = arith.constant 0 : i32
    %dma_start3A_214 = tpu.memref_slice %arg4[%dma_start3A_212, %dma_start3A_213] : memref<80x128xi32, #tpu.memory_space<vmem>> -> memref<1x128xi32, #tpu.memory_space<vmem>>
    %dma_start3A_215 = tpu.memref_squeeze %dma_start3A_214 : memref<1x128xi32, #tpu.memory_space<vmem>> -> memref<128xi32, #tpu.memory_space<vmem>>
    %dma_start3A_216 = arith.constant 0 : i32
    %dma_start3A_217 = tpu.memref_slice %arg7[%dma_start3A_216] : memref<10240xf32, #tpu.memory_space<vmem_shared>> -> memref<10240xf32, #tpu.memory_space<vmem_shared>>
    tpu.enqueue_indirect_dma source(%arg5 : memref<128xf32, #tpu.memory_space<vmem>>) target(%dma_start3A_217 : memref<10240xf32, #tpu.memory_space<vmem_shared>>) offsets(%dma_start3A_215 : memref<128xi32, #tpu.memory_space<vmem>>) semaphore(%arg8 : memref<!tpu.dma_semaphore, #tpu.memory_space<semaphore_mem>>) {add = true}
    %dma_start3A_218 = arith.constant 17 : i32
    %dma_start3A_219 = arith.constant 0 : i32
    %dma_start3A_220 = tpu.memref_slice %arg4[%dma_start3A_218, %dma_start3A_219] : memref<80x128xi32, #tpu.memory_space<vmem>> -> memref<1x128xi32, #tpu.memory_space<vmem>>
    %dma_start3A_221 = tpu.memref_squeeze %dma_start3A_220 : memref<1x128xi32, #tpu.memory_space<vmem>> -> memref<128xi32, #tpu.memory_space<vmem>>
    %dma_start3A_222 = arith.constant 0 : i32
    %dma_start3A_223 = tpu.memref_slice %arg7[%dma_start3A_222] : memref<10240xf32, #tpu.memory_space<vmem_shared>> -> memref<10240xf32, #tpu.memory_space<vmem_shared>>
    tpu.enqueue_indirect_dma source(%arg5 : memref<128xf32, #tpu.memory_space<vmem>>) target(%dma_start3A_223 : memref<10240xf32, #tpu.memory_space<vmem_shared>>) offsets(%dma_start3A_221 : memref<128xi32, #tpu.memory_space<vmem>>) semaphore(%arg8 : memref<!tpu.dma_semaphore, #tpu.memory_space<semaphore_mem>>) {add = true}
    %dma_start3A_224 = arith.constant 18 : i32
    %dma_start3A_225 = arith.constant 0 : i32
    %dma_start3A_226 = tpu.memref_slice %arg4[%dma_start3A_224, %dma_start3A_225] : memref<80x128xi32, #tpu.memory_space<vmem>> -> memref<1x128xi32, #tpu.memory_space<vmem>>
    %dma_start3A_227 = tpu.memref_squeeze %dma_start3A_226 : memref<1x128xi32, #tpu.memory_space<vmem>> -> memref<128xi32, #tpu.memory_space<vmem>>
    %dma_start3A_228 = arith.constant 0 : i32
    %dma_start3A_229 = tpu.memref_slice %arg7[%dma_start3A_228] : memref<10240xf32, #tpu.memory_space<vmem_shared>> -> memref<10240xf32, #tpu.memory_space<vmem_shared>>
    tpu.enqueue_indirect_dma source(%arg5 : memref<128xf32, #tpu.memory_space<vmem>>) target(%dma_start3A_229 : memref<10240xf32, #tpu.memory_space<vmem_shared>>) offsets(%dma_start3A_227 : memref<128xi32, #tpu.memory_space<vmem>>) semaphore(%arg8 : memref<!tpu.dma_semaphore, #tpu.memory_space<semaphore_mem>>) {add = true}
    %dma_start3A_230 = arith.constant 19 : i32
    %dma_start3A_231 = arith.constant 0 : i32
    %dma_start3A_232 = tpu.memref_slice %arg4[%dma_start3A_230, %dma_start3A_231] : memref<80x128xi32, #tpu.memory_space<vmem>> -> memref<1x128xi32, #tpu.memory_space<vmem>>
    %dma_start3A_233 = tpu.memref_squeeze %dma_start3A_232 : memref<1x128xi32, #tpu.memory_space<vmem>> -> memref<128xi32, #tpu.memory_space<vmem>>
    %dma_start3A_234 = arith.constant 0 : i32
    %dma_start3A_235 = tpu.memref_slice %arg7[%dma_start3A_234] : memref<10240xf32, #tpu.memory_space<vmem_shared>> -> memref<10240xf32, #tpu.memory_space<vmem_shared>>
    tpu.enqueue_indirect_dma source(%arg5 : memref<128xf32, #tpu.memory_space<vmem>>) target(%dma_start3A_235 : memref<10240xf32, #tpu.memory_space<vmem_shared>>) offsets(%dma_start3A_233 : memref<128xi32, #tpu.memory_space<vmem>>) semaphore(%arg8 : memref<!tpu.dma_semaphore, #tpu.memory_space<semaphore_mem>>) {add = true}
    %dma_start3A_236 = arith.constant 20 : i32
    %dma_start3A_237 = arith.constant 0 : i32
    %dma_start3A_238 = tpu.memref_slice %arg4[%dma_start3A_236, %dma_start3A_237] : memref<80x128xi32, #tpu.memory_space<vmem>> -> memref<1x128xi32, #tpu.memory_space<vmem>>
    %dma_start3A_239 = tpu.memref_squeeze %dma_start3A_238 : memref<1x128xi32, #tpu.memory_space<vmem>> -> memref<128xi32, #tpu.memory_space<vmem>>
    %dma_start3A_240 = arith.constant 0 : i32
    %dma_start3A_241 = tpu.memref_slice %arg7[%dma_start3A_240] : memref<10240xf32, #tpu.memory_space<vmem_shared>> -> memref<10240xf32, #tpu.memory_space<vmem_shared>>
    tpu.enqueue_indirect_dma source(%arg5 : memref<128xf32, #tpu.memory_space<vmem>>) target(%dma_start3A_241 : memref<10240xf32, #tpu.memory_space<vmem_shared>>) offsets(%dma_start3A_239 : memref<128xi32, #tpu.memory_space<vmem>>) semaphore(%arg8 : memref<!tpu.dma_semaphore, #tpu.memory_space<semaphore_mem>>) {add = true}
    %dma_start3A_242 = arith.constant 21 : i32
    %dma_start3A_243 = arith.constant 0 : i32
    %dma_start3A_244 = tpu.memref_slice %arg4[%dma_start3A_242, %dma_start3A_243] : memref<80x128xi32, #tpu.memory_space<vmem>> -> memref<1x128xi32, #tpu.memory_space<vmem>>
    %dma_start3A_245 = tpu.memref_squeeze %dma_start3A_244 : memref<1x128xi32, #tpu.memory_space<vmem>> -> memref<128xi32, #tpu.memory_space<vmem>>
    %dma_start3A_246 = arith.constant 0 : i32
    %dma_start3A_247 = tpu.memref_slice %arg7[%dma_start3A_246] : memref<10240xf32, #tpu.memory_space<vmem_shared>> -> memref<10240xf32, #tpu.memory_space<vmem_shared>>
    tpu.enqueue_indirect_dma source(%arg5 : memref<128xf32, #tpu.memory_space<vmem>>) target(%dma_start3A_247 : memref<10240xf32, #tpu.memory_space<vmem_shared>>) offsets(%dma_start3A_245 : memref<128xi32, #tpu.memory_space<vmem>>) semaphore(%arg8 : memref<!tpu.dma_semaphore, #tpu.memory_space<semaphore_mem>>) {add = true}
    %dma_start3A_248 = arith.constant 22 : i32
    %dma_start3A_249 = arith.constant 0 : i32
    %dma_start3A_250 = tpu.memref_slice %arg4[%dma_start3A_248, %dma_start3A_249] : memref<80x128xi32, #tpu.memory_space<vmem>> -> memref<1x128xi32, #tpu.memory_space<vmem>>
    %dma_start3A_251 = tpu.memref_squeeze %dma_start3A_250 : memref<1x128xi32, #tpu.memory_space<vmem>> -> memref<128xi32, #tpu.memory_space<vmem>>
    %dma_start3A_252 = arith.constant 0 : i32
    %dma_start3A_253 = tpu.memref_slice %arg7[%dma_start3A_252] : memref<10240xf32, #tpu.memory_space<vmem_shared>> -> memref<10240xf32, #tpu.memory_space<vmem_shared>>
    tpu.enqueue_indirect_dma source(%arg5 : memref<128xf32, #tpu.memory_space<vmem>>) target(%dma_start3A_253 : memref<10240xf32, #tpu.memory_space<vmem_shared>>) offsets(%dma_start3A_251 : memref<128xi32, #tpu.memory_space<vmem>>) semaphore(%arg8 : memref<!tpu.dma_semaphore, #tpu.memory_space<semaphore_mem>>) {add = true}
    %dma_start3A_254 = arith.constant 23 : i32
    %dma_start3A_255 = arith.constant 0 : i32
    %dma_start3A_256 = tpu.memref_slice %arg4[%dma_start3A_254, %dma_start3A_255] : memref<80x128xi32, #tpu.memory_space<vmem>> -> memref<1x128xi32, #tpu.memory_space<vmem>>
    %dma_start3A_257 = tpu.memref_squeeze %dma_start3A_256 : memref<1x128xi32, #tpu.memory_space<vmem>> -> memref<128xi32, #tpu.memory_space<vmem>>
    %dma_start3A_258 = arith.constant 0 : i32
    %dma_start3A_259 = tpu.memref_slice %arg7[%dma_start3A_258] : memref<10240xf32, #tpu.memory_space<vmem_shared>> -> memref<10240xf32, #tpu.memory_space<vmem_shared>>
    tpu.enqueue_indirect_dma source(%arg5 : memref<128xf32, #tpu.memory_space<vmem>>) target(%dma_start3A_259 : memref<10240xf32, #tpu.memory_space<vmem_shared>>) offsets(%dma_start3A_257 : memref<128xi32, #tpu.memory_space<vmem>>) semaphore(%arg8 : memref<!tpu.dma_semaphore, #tpu.memory_space<semaphore_mem>>) {add = true}
    %dma_start3A_260 = arith.constant 24 : i32
    %dma_start3A_261 = arith.constant 0 : i32
    %dma_start3A_262 = tpu.memref_slice %arg4[%dma_start3A_260, %dma_start3A_261] : memref<80x128xi32, #tpu.memory_space<vmem>> -> memref<1x128xi32, #tpu.memory_space<vmem>>
    %dma_start3A_263 = tpu.memref_squeeze %dma_start3A_262 : memref<1x128xi32, #tpu.memory_space<vmem>> -> memref<128xi32, #tpu.memory_space<vmem>>
    %dma_start3A_264 = arith.constant 0 : i32
    %dma_start3A_265 = tpu.memref_slice %arg7[%dma_start3A_264] : memref<10240xf32, #tpu.memory_space<vmem_shared>> -> memref<10240xf32, #tpu.memory_space<vmem_shared>>
    tpu.enqueue_indirect_dma source(%arg5 : memref<128xf32, #tpu.memory_space<vmem>>) target(%dma_start3A_265 : memref<10240xf32, #tpu.memory_space<vmem_shared>>) offsets(%dma_start3A_263 : memref<128xi32, #tpu.memory_space<vmem>>) semaphore(%arg8 : memref<!tpu.dma_semaphore, #tpu.memory_space<semaphore_mem>>) {add = true}
    %dma_start3A_266 = arith.constant 25 : i32
    %dma_start3A_267 = arith.constant 0 : i32
    %dma_start3A_268 = tpu.memref_slice %arg4[%dma_start3A_266, %dma_start3A_267] : memref<80x128xi32, #tpu.memory_space<vmem>> -> memref<1x128xi32, #tpu.memory_space<vmem>>
    %dma_start3A_269 = tpu.memref_squeeze %dma_start3A_268 : memref<1x128xi32, #tpu.memory_space<vmem>> -> memref<128xi32, #tpu.memory_space<vmem>>
    %dma_start3A_270 = arith.constant 0 : i32
    %dma_start3A_271 = tpu.memref_slice %arg7[%dma_start3A_270] : memref<10240xf32, #tpu.memory_space<vmem_shared>> -> memref<10240xf32, #tpu.memory_space<vmem_shared>>
    tpu.enqueue_indirect_dma source(%arg5 : memref<128xf32, #tpu.memory_space<vmem>>) target(%dma_start3A_271 : memref<10240xf32, #tpu.memory_space<vmem_shared>>) offsets(%dma_start3A_269 : memref<128xi32, #tpu.memory_space<vmem>>) semaphore(%arg8 : memref<!tpu.dma_semaphore, #tpu.memory_space<semaphore_mem>>) {add = true}
    %dma_start3A_272 = arith.constant 26 : i32
    %dma_start3A_273 = arith.constant 0 : i32
    %dma_start3A_274 = tpu.memref_slice %arg4[%dma_start3A_272, %dma_start3A_273] : memref<80x128xi32, #tpu.memory_space<vmem>> -> memref<1x128xi32, #tpu.memory_space<vmem>>
    %dma_start3A_275 = tpu.memref_squeeze %dma_start3A_274 : memref<1x128xi32, #tpu.memory_space<vmem>> -> memref<128xi32, #tpu.memory_space<vmem>>
    %dma_start3A_276 = arith.constant 0 : i32
    %dma_start3A_277 = tpu.memref_slice %arg7[%dma_start3A_276] : memref<10240xf32, #tpu.memory_space<vmem_shared>> -> memref<10240xf32, #tpu.memory_space<vmem_shared>>
    tpu.enqueue_indirect_dma source(%arg5 : memref<128xf32, #tpu.memory_space<vmem>>) target(%dma_start3A_277 : memref<10240xf32, #tpu.memory_space<vmem_shared>>) offsets(%dma_start3A_275 : memref<128xi32, #tpu.memory_space<vmem>>) semaphore(%arg8 : memref<!tpu.dma_semaphore, #tpu.memory_space<semaphore_mem>>) {add = true}
    %dma_start3A_278 = arith.constant 27 : i32
    %dma_start3A_279 = arith.constant 0 : i32
    %dma_start3A_280 = tpu.memref_slice %arg4[%dma_start3A_278, %dma_start3A_279] : memref<80x128xi32, #tpu.memory_space<vmem>> -> memref<1x128xi32, #tpu.memory_space<vmem>>
    %dma_start3A_281 = tpu.memref_squeeze %dma_start3A_280 : memref<1x128xi32, #tpu.memory_space<vmem>> -> memref<128xi32, #tpu.memory_space<vmem>>
    %dma_start3A_282 = arith.constant 0 : i32
    %dma_start3A_283 = tpu.memref_slice %arg7[%dma_start3A_282] : memref<10240xf32, #tpu.memory_space<vmem_shared>> -> memref<10240xf32, #tpu.memory_space<vmem_shared>>
    tpu.enqueue_indirect_dma source(%arg5 : memref<128xf32, #tpu.memory_space<vmem>>) target(%dma_start3A_283 : memref<10240xf32, #tpu.memory_space<vmem_shared>>) offsets(%dma_start3A_281 : memref<128xi32, #tpu.memory_space<vmem>>) semaphore(%arg8 : memref<!tpu.dma_semaphore, #tpu.memory_space<semaphore_mem>>) {add = true}
    %dma_start3A_284 = arith.constant 28 : i32
    %dma_start3A_285 = arith.constant 0 : i32
    %dma_start3A_286 = tpu.memref_slice %arg4[%dma_start3A_284, %dma_start3A_285] : memref<80x128xi32, #tpu.memory_space<vmem>> -> memref<1x128xi32, #tpu.memory_space<vmem>>
    %dma_start3A_287 = tpu.memref_squeeze %dma_start3A_286 : memref<1x128xi32, #tpu.memory_space<vmem>> -> memref<128xi32, #tpu.memory_space<vmem>>
    %dma_start3A_288 = arith.constant 0 : i32
    %dma_start3A_289 = tpu.memref_slice %arg7[%dma_start3A_288] : memref<10240xf32, #tpu.memory_space<vmem_shared>> -> memref<10240xf32, #tpu.memory_space<vmem_shared>>
    tpu.enqueue_indirect_dma source(%arg5 : memref<128xf32, #tpu.memory_space<vmem>>) target(%dma_start3A_289 : memref<10240xf32, #tpu.memory_space<vmem_shared>>) offsets(%dma_start3A_287 : memref<128xi32, #tpu.memory_space<vmem>>) semaphore(%arg8 : memref<!tpu.dma_semaphore, #tpu.memory_space<semaphore_mem>>) {add = true}
    %dma_start3A_290 = arith.constant 29 : i32
    %dma_start3A_291 = arith.constant 0 : i32
    %dma_start3A_292 = tpu.memref_slice %arg4[%dma_start3A_290, %dma_start3A_291] : memref<80x128xi32, #tpu.memory_space<vmem>> -> memref<1x128xi32, #tpu.memory_space<vmem>>
    %dma_start3A_293 = tpu.memref_squeeze %dma_start3A_292 : memref<1x128xi32, #tpu.memory_space<vmem>> -> memref<128xi32, #tpu.memory_space<vmem>>
    %dma_start3A_294 = arith.constant 0 : i32
    %dma_start3A_295 = tpu.memref_slice %arg7[%dma_start3A_294] : memref<10240xf32, #tpu.memory_space<vmem_shared>> -> memref<10240xf32, #tpu.memory_space<vmem_shared>>
    tpu.enqueue_indirect_dma source(%arg5 : memref<128xf32, #tpu.memory_space<vmem>>) target(%dma_start3A_295 : memref<10240xf32, #tpu.memory_space<vmem_shared>>) offsets(%dma_start3A_293 : memref<128xi32, #tpu.memory_space<vmem>>) semaphore(%arg8 : memref<!tpu.dma_semaphore, #tpu.memory_space<semaphore_mem>>) {add = true}
    %dma_start3A_296 = arith.constant 30 : i32
    %dma_start3A_297 = arith.constant 0 : i32
    %dma_start3A_298 = tpu.memref_slice %arg4[%dma_start3A_296, %dma_start3A_297] : memref<80x128xi32, #tpu.memory_space<vmem>> -> memref<1x128xi32, #tpu.memory_space<vmem>>
    %dma_start3A_299 = tpu.memref_squeeze %dma_start3A_298 : memref<1x128xi32, #tpu.memory_space<vmem>> -> memref<128xi32, #tpu.memory_space<vmem>>
    %dma_start3A_300 = arith.constant 0 : i32
    %dma_start3A_301 = tpu.memref_slice %arg7[%dma_start3A_300] : memref<10240xf32, #tpu.memory_space<vmem_shared>> -> memref<10240xf32, #tpu.memory_space<vmem_shared>>
    tpu.enqueue_indirect_dma source(%arg5 : memref<128xf32, #tpu.memory_space<vmem>>) target(%dma_start3A_301 : memref<10240xf32, #tpu.memory_space<vmem_shared>>) offsets(%dma_start3A_299 : memref<128xi32, #tpu.memory_space<vmem>>) semaphore(%arg8 : memref<!tpu.dma_semaphore, #tpu.memory_space<semaphore_mem>>) {add = true}
    %dma_start3A_302 = arith.constant 31 : i32
    %dma_start3A_303 = arith.constant 0 : i32
    %dma_start3A_304 = tpu.memref_slice %arg4[%dma_start3A_302, %dma_start3A_303] : memref<80x128xi32, #tpu.memory_space<vmem>> -> memref<1x128xi32, #tpu.memory_space<vmem>>
    %dma_start3A_305 = tpu.memref_squeeze %dma_start3A_304 : memref<1x128xi32, #tpu.memory_space<vmem>> -> memref<128xi32, #tpu.memory_space<vmem>>
    %dma_start3A_306 = arith.constant 0 : i32
    %dma_start3A_307 = tpu.memref_slice %arg7[%dma_start3A_306] : memref<10240xf32, #tpu.memory_space<vmem_shared>> -> memref<10240xf32, #tpu.memory_space<vmem_shared>>
    tpu.enqueue_indirect_dma source(%arg5 : memref<128xf32, #tpu.memory_space<vmem>>) target(%dma_start3A_307 : memref<10240xf32, #tpu.memory_space<vmem_shared>>) offsets(%dma_start3A_305 : memref<128xi32, #tpu.memory_space<vmem>>) semaphore(%arg8 : memref<!tpu.dma_semaphore, #tpu.memory_space<semaphore_mem>>) {add = true}
    %dma_start3A_308 = arith.constant 32 : i32
    %dma_start3A_309 = arith.constant 0 : i32
    %dma_start3A_310 = tpu.memref_slice %arg4[%dma_start3A_308, %dma_start3A_309] : memref<80x128xi32, #tpu.memory_space<vmem>> -> memref<1x128xi32, #tpu.memory_space<vmem>>
    %dma_start3A_311 = tpu.memref_squeeze %dma_start3A_310 : memref<1x128xi32, #tpu.memory_space<vmem>> -> memref<128xi32, #tpu.memory_space<vmem>>
    %dma_start3A_312 = arith.constant 0 : i32
    %dma_start3A_313 = tpu.memref_slice %arg7[%dma_start3A_312] : memref<10240xf32, #tpu.memory_space<vmem_shared>> -> memref<10240xf32, #tpu.memory_space<vmem_shared>>
    tpu.enqueue_indirect_dma source(%arg5 : memref<128xf32, #tpu.memory_space<vmem>>) target(%dma_start3A_313 : memref<10240xf32, #tpu.memory_space<vmem_shared>>) offsets(%dma_start3A_311 : memref<128xi32, #tpu.memory_space<vmem>>) semaphore(%arg8 : memref<!tpu.dma_semaphore, #tpu.memory_space<semaphore_mem>>) {add = true}
    %dma_start3A_314 = arith.constant 33 : i32
    %dma_start3A_315 = arith.constant 0 : i32
    %dma_start3A_316 = tpu.memref_slice %arg4[%dma_start3A_314, %dma_start3A_315] : memref<80x128xi32, #tpu.memory_space<vmem>> -> memref<1x128xi32, #tpu.memory_space<vmem>>
    %dma_start3A_317 = tpu.memref_squeeze %dma_start3A_316 : memref<1x128xi32, #tpu.memory_space<vmem>> -> memref<128xi32, #tpu.memory_space<vmem>>
    %dma_start3A_318 = arith.constant 0 : i32
    %dma_start3A_319 = tpu.memref_slice %arg7[%dma_start3A_318] : memref<10240xf32, #tpu.memory_space<vmem_shared>> -> memref<10240xf32, #tpu.memory_space<vmem_shared>>
    tpu.enqueue_indirect_dma source(%arg5 : memref<128xf32, #tpu.memory_space<vmem>>) target(%dma_start3A_319 : memref<10240xf32, #tpu.memory_space<vmem_shared>>) offsets(%dma_start3A_317 : memref<128xi32, #tpu.memory_space<vmem>>) semaphore(%arg8 : memref<!tpu.dma_semaphore, #tpu.memory_space<semaphore_mem>>) {add = true}
    %dma_start3A_320 = arith.constant 34 : i32
    %dma_start3A_321 = arith.constant 0 : i32
    %dma_start3A_322 = tpu.memref_slice %arg4[%dma_start3A_320, %dma_start3A_321] : memref<80x128xi32, #tpu.memory_space<vmem>> -> memref<1x128xi32, #tpu.memory_space<vmem>>
    %dma_start3A_323 = tpu.memref_squeeze %dma_start3A_322 : memref<1x128xi32, #tpu.memory_space<vmem>> -> memref<128xi32, #tpu.memory_space<vmem>>
    %dma_start3A_324 = arith.constant 0 : i32
    %dma_start3A_325 = tpu.memref_slice %arg7[%dma_start3A_324] : memref<10240xf32, #tpu.memory_space<vmem_shared>> -> memref<10240xf32, #tpu.memory_space<vmem_shared>>
    tpu.enqueue_indirect_dma source(%arg5 : memref<128xf32, #tpu.memory_space<vmem>>) target(%dma_start3A_325 : memref<10240xf32, #tpu.memory_space<vmem_shared>>) offsets(%dma_start3A_323 : memref<128xi32, #tpu.memory_space<vmem>>) semaphore(%arg8 : memref<!tpu.dma_semaphore, #tpu.memory_space<semaphore_mem>>) {add = true}
    %dma_start3A_326 = arith.constant 35 : i32
    %dma_start3A_327 = arith.constant 0 : i32
    %dma_start3A_328 = tpu.memref_slice %arg4[%dma_start3A_326, %dma_start3A_327] : memref<80x128xi32, #tpu.memory_space<vmem>> -> memref<1x128xi32, #tpu.memory_space<vmem>>
    %dma_start3A_329 = tpu.memref_squeeze %dma_start3A_328 : memref<1x128xi32, #tpu.memory_space<vmem>> -> memref<128xi32, #tpu.memory_space<vmem>>
    %dma_start3A_330 = arith.constant 0 : i32
    %dma_start3A_331 = tpu.memref_slice %arg7[%dma_start3A_330] : memref<10240xf32, #tpu.memory_space<vmem_shared>> -> memref<10240xf32, #tpu.memory_space<vmem_shared>>
    tpu.enqueue_indirect_dma source(%arg5 : memref<128xf32, #tpu.memory_space<vmem>>) target(%dma_start3A_331 : memref<10240xf32, #tpu.memory_space<vmem_shared>>) offsets(%dma_start3A_329 : memref<128xi32, #tpu.memory_space<vmem>>) semaphore(%arg8 : memref<!tpu.dma_semaphore, #tpu.memory_space<semaphore_mem>>) {add = true}
    %dma_start3A_332 = arith.constant 36 : i32
    %dma_start3A_333 = arith.constant 0 : i32
    %dma_start3A_334 = tpu.memref_slice %arg4[%dma_start3A_332, %dma_start3A_333] : memref<80x128xi32, #tpu.memory_space<vmem>> -> memref<1x128xi32, #tpu.memory_space<vmem>>
    %dma_start3A_335 = tpu.memref_squeeze %dma_start3A_334 : memref<1x128xi32, #tpu.memory_space<vmem>> -> memref<128xi32, #tpu.memory_space<vmem>>
    %dma_start3A_336 = arith.constant 0 : i32
    %dma_start3A_337 = tpu.memref_slice %arg7[%dma_start3A_336] : memref<10240xf32, #tpu.memory_space<vmem_shared>> -> memref<10240xf32, #tpu.memory_space<vmem_shared>>
    tpu.enqueue_indirect_dma source(%arg5 : memref<128xf32, #tpu.memory_space<vmem>>) target(%dma_start3A_337 : memref<10240xf32, #tpu.memory_space<vmem_shared>>) offsets(%dma_start3A_335 : memref<128xi32, #tpu.memory_space<vmem>>) semaphore(%arg8 : memref<!tpu.dma_semaphore, #tpu.memory_space<semaphore_mem>>) {add = true}
    %dma_start3A_338 = arith.constant 37 : i32
    %dma_start3A_339 = arith.constant 0 : i32
    %dma_start3A_340 = tpu.memref_slice %arg4[%dma_start3A_338, %dma_start3A_339] : memref<80x128xi32, #tpu.memory_space<vmem>> -> memref<1x128xi32, #tpu.memory_space<vmem>>
    %dma_start3A_341 = tpu.memref_squeeze %dma_start3A_340 : memref<1x128xi32, #tpu.memory_space<vmem>> -> memref<128xi32, #tpu.memory_space<vmem>>
    %dma_start3A_342 = arith.constant 0 : i32
    %dma_start3A_343 = tpu.memref_slice %arg7[%dma_start3A_342] : memref<10240xf32, #tpu.memory_space<vmem_shared>> -> memref<10240xf32, #tpu.memory_space<vmem_shared>>
    tpu.enqueue_indirect_dma source(%arg5 : memref<128xf32, #tpu.memory_space<vmem>>) target(%dma_start3A_343 : memref<10240xf32, #tpu.memory_space<vmem_shared>>) offsets(%dma_start3A_341 : memref<128xi32, #tpu.memory_space<vmem>>) semaphore(%arg8 : memref<!tpu.dma_semaphore, #tpu.memory_space<semaphore_mem>>) {add = true}
    %dma_start3A_344 = arith.constant 38 : i32
    %dma_start3A_345 = arith.constant 0 : i32
    %dma_start3A_346 = tpu.memref_slice %arg4[%dma_start3A_344, %dma_start3A_345] : memref<80x128xi32, #tpu.memory_space<vmem>> -> memref<1x128xi32, #tpu.memory_space<vmem>>
    %dma_start3A_347 = tpu.memref_squeeze %dma_start3A_346 : memref<1x128xi32, #tpu.memory_space<vmem>> -> memref<128xi32, #tpu.memory_space<vmem>>
    %dma_start3A_348 = arith.constant 0 : i32
    %dma_start3A_349 = tpu.memref_slice %arg7[%dma_start3A_348] : memref<10240xf32, #tpu.memory_space<vmem_shared>> -> memref<10240xf32, #tpu.memory_space<vmem_shared>>
    tpu.enqueue_indirect_dma source(%arg5 : memref<128xf32, #tpu.memory_space<vmem>>) target(%dma_start3A_349 : memref<10240xf32, #tpu.memory_space<vmem_shared>>) offsets(%dma_start3A_347 : memref<128xi32, #tpu.memory_space<vmem>>) semaphore(%arg8 : memref<!tpu.dma_semaphore, #tpu.memory_space<semaphore_mem>>) {add = true}
    %dma_start3A_350 = arith.constant 39 : i32
    %dma_start3A_351 = arith.constant 0 : i32
    %dma_start3A_352 = tpu.memref_slice %arg4[%dma_start3A_350, %dma_start3A_351] : memref<80x128xi32, #tpu.memory_space<vmem>> -> memref<1x128xi32, #tpu.memory_space<vmem>>
    %dma_start3A_353 = tpu.memref_squeeze %dma_start3A_352 : memref<1x128xi32, #tpu.memory_space<vmem>> -> memref<128xi32, #tpu.memory_space<vmem>>
    %dma_start3A_354 = arith.constant 0 : i32
    %dma_start3A_355 = tpu.memref_slice %arg7[%dma_start3A_354] : memref<10240xf32, #tpu.memory_space<vmem_shared>> -> memref<10240xf32, #tpu.memory_space<vmem_shared>>
    tpu.enqueue_indirect_dma source(%arg5 : memref<128xf32, #tpu.memory_space<vmem>>) target(%dma_start3A_355 : memref<10240xf32, #tpu.memory_space<vmem_shared>>) offsets(%dma_start3A_353 : memref<128xi32, #tpu.memory_space<vmem>>) semaphore(%arg8 : memref<!tpu.dma_semaphore, #tpu.memory_space<semaphore_mem>>) {add = true}
    %dma_start3A_356 = arith.constant 40 : i32
    %dma_start3A_357 = arith.constant 0 : i32
    %dma_start3A_358 = tpu.memref_slice %arg4[%dma_start3A_356, %dma_start3A_357] : memref<80x128xi32, #tpu.memory_space<vmem>> -> memref<1x128xi32, #tpu.memory_space<vmem>>
    %dma_start3A_359 = tpu.memref_squeeze %dma_start3A_358 : memref<1x128xi32, #tpu.memory_space<vmem>> -> memref<128xi32, #tpu.memory_space<vmem>>
    %dma_start3A_360 = arith.constant 0 : i32
    %dma_start3A_361 = tpu.memref_slice %arg7[%dma_start3A_360] : memref<10240xf32, #tpu.memory_space<vmem_shared>> -> memref<10240xf32, #tpu.memory_space<vmem_shared>>
    tpu.enqueue_indirect_dma source(%arg5 : memref<128xf32, #tpu.memory_space<vmem>>) target(%dma_start3A_361 : memref<10240xf32, #tpu.memory_space<vmem_shared>>) offsets(%dma_start3A_359 : memref<128xi32, #tpu.memory_space<vmem>>) semaphore(%arg8 : memref<!tpu.dma_semaphore, #tpu.memory_space<semaphore_mem>>) {add = true}
    %dma_start3A_362 = arith.constant 41 : i32
    %dma_start3A_363 = arith.constant 0 : i32
    %dma_start3A_364 = tpu.memref_slice %arg4[%dma_start3A_362, %dma_start3A_363] : memref<80x128xi32, #tpu.memory_space<vmem>> -> memref<1x128xi32, #tpu.memory_space<vmem>>
    %dma_start3A_365 = tpu.memref_squeeze %dma_start3A_364 : memref<1x128xi32, #tpu.memory_space<vmem>> -> memref<128xi32, #tpu.memory_space<vmem>>
    %dma_start3A_366 = arith.constant 0 : i32
    %dma_start3A_367 = tpu.memref_slice %arg7[%dma_start3A_366] : memref<10240xf32, #tpu.memory_space<vmem_shared>> -> memref<10240xf32, #tpu.memory_space<vmem_shared>>
    tpu.enqueue_indirect_dma source(%arg5 : memref<128xf32, #tpu.memory_space<vmem>>) target(%dma_start3A_367 : memref<10240xf32, #tpu.memory_space<vmem_shared>>) offsets(%dma_start3A_365 : memref<128xi32, #tpu.memory_space<vmem>>) semaphore(%arg8 : memref<!tpu.dma_semaphore, #tpu.memory_space<semaphore_mem>>) {add = true}
    %dma_start3A_368 = arith.constant 42 : i32
    %dma_start3A_369 = arith.constant 0 : i32
    %dma_start3A_370 = tpu.memref_slice %arg4[%dma_start3A_368, %dma_start3A_369] : memref<80x128xi32, #tpu.memory_space<vmem>> -> memref<1x128xi32, #tpu.memory_space<vmem>>
    %dma_start3A_371 = tpu.memref_squeeze %dma_start3A_370 : memref<1x128xi32, #tpu.memory_space<vmem>> -> memref<128xi32, #tpu.memory_space<vmem>>
    %dma_start3A_372 = arith.constant 0 : i32
    %dma_start3A_373 = tpu.memref_slice %arg7[%dma_start3A_372] : memref<10240xf32, #tpu.memory_space<vmem_shared>> -> memref<10240xf32, #tpu.memory_space<vmem_shared>>
    tpu.enqueue_indirect_dma source(%arg5 : memref<128xf32, #tpu.memory_space<vmem>>) target(%dma_start3A_373 : memref<10240xf32, #tpu.memory_space<vmem_shared>>) offsets(%dma_start3A_371 : memref<128xi32, #tpu.memory_space<vmem>>) semaphore(%arg8 : memref<!tpu.dma_semaphore, #tpu.memory_space<semaphore_mem>>) {add = true}
    %dma_start3A_374 = arith.constant 43 : i32
    %dma_start3A_375 = arith.constant 0 : i32
    %dma_start3A_376 = tpu.memref_slice %arg4[%dma_start3A_374, %dma_start3A_375] : memref<80x128xi32, #tpu.memory_space<vmem>> -> memref<1x128xi32, #tpu.memory_space<vmem>>
    %dma_start3A_377 = tpu.memref_squeeze %dma_start3A_376 : memref<1x128xi32, #tpu.memory_space<vmem>> -> memref<128xi32, #tpu.memory_space<vmem>>
    %dma_start3A_378 = arith.constant 0 : i32
    %dma_start3A_379 = tpu.memref_slice %arg7[%dma_start3A_378] : memref<10240xf32, #tpu.memory_space<vmem_shared>> -> memref<10240xf32, #tpu.memory_space<vmem_shared>>
    tpu.enqueue_indirect_dma source(%arg5 : memref<128xf32, #tpu.memory_space<vmem>>) target(%dma_start3A_379 : memref<10240xf32, #tpu.memory_space<vmem_shared>>) offsets(%dma_start3A_377 : memref<128xi32, #tpu.memory_space<vmem>>) semaphore(%arg8 : memref<!tpu.dma_semaphore, #tpu.memory_space<semaphore_mem>>) {add = true}
    %dma_start3A_380 = arith.constant 44 : i32
    %dma_start3A_381 = arith.constant 0 : i32
    %dma_start3A_382 = tpu.memref_slice %arg4[%dma_start3A_380, %dma_start3A_381] : memref<80x128xi32, #tpu.memory_space<vmem>> -> memref<1x128xi32, #tpu.memory_space<vmem>>
    %dma_start3A_383 = tpu.memref_squeeze %dma_start3A_382 : memref<1x128xi32, #tpu.memory_space<vmem>> -> memref<128xi32, #tpu.memory_space<vmem>>
    %dma_start3A_384 = arith.constant 0 : i32
    %dma_start3A_385 = tpu.memref_slice %arg7[%dma_start3A_384] : memref<10240xf32, #tpu.memory_space<vmem_shared>> -> memref<10240xf32, #tpu.memory_space<vmem_shared>>
    tpu.enqueue_indirect_dma source(%arg5 : memref<128xf32, #tpu.memory_space<vmem>>) target(%dma_start3A_385 : memref<10240xf32, #tpu.memory_space<vmem_shared>>) offsets(%dma_start3A_383 : memref<128xi32, #tpu.memory_space<vmem>>) semaphore(%arg8 : memref<!tpu.dma_semaphore, #tpu.memory_space<semaphore_mem>>) {add = true}
    %dma_start3A_386 = arith.constant 45 : i32
    %dma_start3A_387 = arith.constant 0 : i32
    %dma_start3A_388 = tpu.memref_slice %arg4[%dma_start3A_386, %dma_start3A_387] : memref<80x128xi32, #tpu.memory_space<vmem>> -> memref<1x128xi32, #tpu.memory_space<vmem>>
    %dma_start3A_389 = tpu.memref_squeeze %dma_start3A_388 : memref<1x128xi32, #tpu.memory_space<vmem>> -> memref<128xi32, #tpu.memory_space<vmem>>
    %dma_start3A_390 = arith.constant 0 : i32
    %dma_start3A_391 = tpu.memref_slice %arg7[%dma_start3A_390] : memref<10240xf32, #tpu.memory_space<vmem_shared>> -> memref<10240xf32, #tpu.memory_space<vmem_shared>>
    tpu.enqueue_indirect_dma source(%arg5 : memref<128xf32, #tpu.memory_space<vmem>>) target(%dma_start3A_391 : memref<10240xf32, #tpu.memory_space<vmem_shared>>) offsets(%dma_start3A_389 : memref<128xi32, #tpu.memory_space<vmem>>) semaphore(%arg8 : memref<!tpu.dma_semaphore, #tpu.memory_space<semaphore_mem>>) {add = true}
    %dma_start3A_392 = arith.constant 46 : i32
    %dma_start3A_393 = arith.constant 0 : i32
    %dma_start3A_394 = tpu.memref_slice %arg4[%dma_start3A_392, %dma_start3A_393] : memref<80x128xi32, #tpu.memory_space<vmem>> -> memref<1x128xi32, #tpu.memory_space<vmem>>
    %dma_start3A_395 = tpu.memref_squeeze %dma_start3A_394 : memref<1x128xi32, #tpu.memory_space<vmem>> -> memref<128xi32, #tpu.memory_space<vmem>>
    %dma_start3A_396 = arith.constant 0 : i32
    %dma_start3A_397 = tpu.memref_slice %arg7[%dma_start3A_396] : memref<10240xf32, #tpu.memory_space<vmem_shared>> -> memref<10240xf32, #tpu.memory_space<vmem_shared>>
    tpu.enqueue_indirect_dma source(%arg5 : memref<128xf32, #tpu.memory_space<vmem>>) target(%dma_start3A_397 : memref<10240xf32, #tpu.memory_space<vmem_shared>>) offsets(%dma_start3A_395 : memref<128xi32, #tpu.memory_space<vmem>>) semaphore(%arg8 : memref<!tpu.dma_semaphore, #tpu.memory_space<semaphore_mem>>) {add = true}
    %dma_start3A_398 = arith.constant 47 : i32
    %dma_start3A_399 = arith.constant 0 : i32
    %dma_start3A_400 = tpu.memref_slice %arg4[%dma_start3A_398, %dma_start3A_399] : memref<80x128xi32, #tpu.memory_space<vmem>> -> memref<1x128xi32, #tpu.memory_space<vmem>>
    %dma_start3A_401 = tpu.memref_squeeze %dma_start3A_400 : memref<1x128xi32, #tpu.memory_space<vmem>> -> memref<128xi32, #tpu.memory_space<vmem>>
    %dma_start3A_402 = arith.constant 0 : i32
    %dma_start3A_403 = tpu.memref_slice %arg7[%dma_start3A_402] : memref<10240xf32, #tpu.memory_space<vmem_shared>> -> memref<10240xf32, #tpu.memory_space<vmem_shared>>
    tpu.enqueue_indirect_dma source(%arg5 : memref<128xf32, #tpu.memory_space<vmem>>) target(%dma_start3A_403 : memref<10240xf32, #tpu.memory_space<vmem_shared>>) offsets(%dma_start3A_401 : memref<128xi32, #tpu.memory_space<vmem>>) semaphore(%arg8 : memref<!tpu.dma_semaphore, #tpu.memory_space<semaphore_mem>>) {add = true}
    %dma_start3A_404 = arith.constant 48 : i32
    %dma_start3A_405 = arith.constant 0 : i32
    %dma_start3A_406 = tpu.memref_slice %arg4[%dma_start3A_404, %dma_start3A_405] : memref<80x128xi32, #tpu.memory_space<vmem>> -> memref<1x128xi32, #tpu.memory_space<vmem>>
    %dma_start3A_407 = tpu.memref_squeeze %dma_start3A_406 : memref<1x128xi32, #tpu.memory_space<vmem>> -> memref<128xi32, #tpu.memory_space<vmem>>
    %dma_start3A_408 = arith.constant 0 : i32
    %dma_start3A_409 = tpu.memref_slice %arg7[%dma_start3A_408] : memref<10240xf32, #tpu.memory_space<vmem_shared>> -> memref<10240xf32, #tpu.memory_space<vmem_shared>>
    tpu.enqueue_indirect_dma source(%arg5 : memref<128xf32, #tpu.memory_space<vmem>>) target(%dma_start3A_409 : memref<10240xf32, #tpu.memory_space<vmem_shared>>) offsets(%dma_start3A_407 : memref<128xi32, #tpu.memory_space<vmem>>) semaphore(%arg8 : memref<!tpu.dma_semaphore, #tpu.memory_space<semaphore_mem>>) {add = true}
    %dma_start3A_410 = arith.constant 49 : i32
    %dma_start3A_411 = arith.constant 0 : i32
    %dma_start3A_412 = tpu.memref_slice %arg4[%dma_start3A_410, %dma_start3A_411] : memref<80x128xi32, #tpu.memory_space<vmem>> -> memref<1x128xi32, #tpu.memory_space<vmem>>
    %dma_start3A_413 = tpu.memref_squeeze %dma_start3A_412 : memref<1x128xi32, #tpu.memory_space<vmem>> -> memref<128xi32, #tpu.memory_space<vmem>>
    %dma_start3A_414 = arith.constant 0 : i32
    %dma_start3A_415 = tpu.memref_slice %arg7[%dma_start3A_414] : memref<10240xf32, #tpu.memory_space<vmem_shared>> -> memref<10240xf32, #tpu.memory_space<vmem_shared>>
    tpu.enqueue_indirect_dma source(%arg5 : memref<128xf32, #tpu.memory_space<vmem>>) target(%dma_start3A_415 : memref<10240xf32, #tpu.memory_space<vmem_shared>>) offsets(%dma_start3A_413 : memref<128xi32, #tpu.memory_space<vmem>>) semaphore(%arg8 : memref<!tpu.dma_semaphore, #tpu.memory_space<semaphore_mem>>) {add = true}
    %dma_start3A_416 = arith.constant 50 : i32
    %dma_start3A_417 = arith.constant 0 : i32
    %dma_start3A_418 = tpu.memref_slice %arg4[%dma_start3A_416, %dma_start3A_417] : memref<80x128xi32, #tpu.memory_space<vmem>> -> memref<1x128xi32, #tpu.memory_space<vmem>>
    %dma_start3A_419 = tpu.memref_squeeze %dma_start3A_418 : memref<1x128xi32, #tpu.memory_space<vmem>> -> memref<128xi32, #tpu.memory_space<vmem>>
    %dma_start3A_420 = arith.constant 0 : i32
    %dma_start3A_421 = tpu.memref_slice %arg7[%dma_start3A_420] : memref<10240xf32, #tpu.memory_space<vmem_shared>> -> memref<10240xf32, #tpu.memory_space<vmem_shared>>
    tpu.enqueue_indirect_dma source(%arg5 : memref<128xf32, #tpu.memory_space<vmem>>) target(%dma_start3A_421 : memref<10240xf32, #tpu.memory_space<vmem_shared>>) offsets(%dma_start3A_419 : memref<128xi32, #tpu.memory_space<vmem>>) semaphore(%arg8 : memref<!tpu.dma_semaphore, #tpu.memory_space<semaphore_mem>>) {add = true}
    %dma_start3A_422 = arith.constant 51 : i32
    %dma_start3A_423 = arith.constant 0 : i32
    %dma_start3A_424 = tpu.memref_slice %arg4[%dma_start3A_422, %dma_start3A_423] : memref<80x128xi32, #tpu.memory_space<vmem>> -> memref<1x128xi32, #tpu.memory_space<vmem>>
    %dma_start3A_425 = tpu.memref_squeeze %dma_start3A_424 : memref<1x128xi32, #tpu.memory_space<vmem>> -> memref<128xi32, #tpu.memory_space<vmem>>
    %dma_start3A_426 = arith.constant 0 : i32
    %dma_start3A_427 = tpu.memref_slice %arg7[%dma_start3A_426] : memref<10240xf32, #tpu.memory_space<vmem_shared>> -> memref<10240xf32, #tpu.memory_space<vmem_shared>>
    tpu.enqueue_indirect_dma source(%arg5 : memref<128xf32, #tpu.memory_space<vmem>>) target(%dma_start3A_427 : memref<10240xf32, #tpu.memory_space<vmem_shared>>) offsets(%dma_start3A_425 : memref<128xi32, #tpu.memory_space<vmem>>) semaphore(%arg8 : memref<!tpu.dma_semaphore, #tpu.memory_space<semaphore_mem>>) {add = true}
    %dma_start3A_428 = arith.constant 52 : i32
    %dma_start3A_429 = arith.constant 0 : i32
    %dma_start3A_430 = tpu.memref_slice %arg4[%dma_start3A_428, %dma_start3A_429] : memref<80x128xi32, #tpu.memory_space<vmem>> -> memref<1x128xi32, #tpu.memory_space<vmem>>
    %dma_start3A_431 = tpu.memref_squeeze %dma_start3A_430 : memref<1x128xi32, #tpu.memory_space<vmem>> -> memref<128xi32, #tpu.memory_space<vmem>>
    %dma_start3A_432 = arith.constant 0 : i32
    %dma_start3A_433 = tpu.memref_slice %arg7[%dma_start3A_432] : memref<10240xf32, #tpu.memory_space<vmem_shared>> -> memref<10240xf32, #tpu.memory_space<vmem_shared>>
    tpu.enqueue_indirect_dma source(%arg5 : memref<128xf32, #tpu.memory_space<vmem>>) target(%dma_start3A_433 : memref<10240xf32, #tpu.memory_space<vmem_shared>>) offsets(%dma_start3A_431 : memref<128xi32, #tpu.memory_space<vmem>>) semaphore(%arg8 : memref<!tpu.dma_semaphore, #tpu.memory_space<semaphore_mem>>) {add = true}
    %dma_start3A_434 = arith.constant 53 : i32
    %dma_start3A_435 = arith.constant 0 : i32
    %dma_start3A_436 = tpu.memref_slice %arg4[%dma_start3A_434, %dma_start3A_435] : memref<80x128xi32, #tpu.memory_space<vmem>> -> memref<1x128xi32, #tpu.memory_space<vmem>>
    %dma_start3A_437 = tpu.memref_squeeze %dma_start3A_436 : memref<1x128xi32, #tpu.memory_space<vmem>> -> memref<128xi32, #tpu.memory_space<vmem>>
    %dma_start3A_438 = arith.constant 0 : i32
    %dma_start3A_439 = tpu.memref_slice %arg7[%dma_start3A_438] : memref<10240xf32, #tpu.memory_space<vmem_shared>> -> memref<10240xf32, #tpu.memory_space<vmem_shared>>
    tpu.enqueue_indirect_dma source(%arg5 : memref<128xf32, #tpu.memory_space<vmem>>) target(%dma_start3A_439 : memref<10240xf32, #tpu.memory_space<vmem_shared>>) offsets(%dma_start3A_437 : memref<128xi32, #tpu.memory_space<vmem>>) semaphore(%arg8 : memref<!tpu.dma_semaphore, #tpu.memory_space<semaphore_mem>>) {add = true}
    %dma_start3A_440 = arith.constant 54 : i32
    %dma_start3A_441 = arith.constant 0 : i32
    %dma_start3A_442 = tpu.memref_slice %arg4[%dma_start3A_440, %dma_start3A_441] : memref<80x128xi32, #tpu.memory_space<vmem>> -> memref<1x128xi32, #tpu.memory_space<vmem>>
    %dma_start3A_443 = tpu.memref_squeeze %dma_start3A_442 : memref<1x128xi32, #tpu.memory_space<vmem>> -> memref<128xi32, #tpu.memory_space<vmem>>
    %dma_start3A_444 = arith.constant 0 : i32
    %dma_start3A_445 = tpu.memref_slice %arg7[%dma_start3A_444] : memref<10240xf32, #tpu.memory_space<vmem_shared>> -> memref<10240xf32, #tpu.memory_space<vmem_shared>>
    tpu.enqueue_indirect_dma source(%arg5 : memref<128xf32, #tpu.memory_space<vmem>>) target(%dma_start3A_445 : memref<10240xf32, #tpu.memory_space<vmem_shared>>) offsets(%dma_start3A_443 : memref<128xi32, #tpu.memory_space<vmem>>) semaphore(%arg8 : memref<!tpu.dma_semaphore, #tpu.memory_space<semaphore_mem>>) {add = true}
    %dma_start3A_446 = arith.constant 55 : i32
    %dma_start3A_447 = arith.constant 0 : i32
    %dma_start3A_448 = tpu.memref_slice %arg4[%dma_start3A_446, %dma_start3A_447] : memref<80x128xi32, #tpu.memory_space<vmem>> -> memref<1x128xi32, #tpu.memory_space<vmem>>
    %dma_start3A_449 = tpu.memref_squeeze %dma_start3A_448 : memref<1x128xi32, #tpu.memory_space<vmem>> -> memref<128xi32, #tpu.memory_space<vmem>>
    %dma_start3A_450 = arith.constant 0 : i32
    %dma_start3A_451 = tpu.memref_slice %arg7[%dma_start3A_450] : memref<10240xf32, #tpu.memory_space<vmem_shared>> -> memref<10240xf32, #tpu.memory_space<vmem_shared>>
    tpu.enqueue_indirect_dma source(%arg5 : memref<128xf32, #tpu.memory_space<vmem>>) target(%dma_start3A_451 : memref<10240xf32, #tpu.memory_space<vmem_shared>>) offsets(%dma_start3A_449 : memref<128xi32, #tpu.memory_space<vmem>>) semaphore(%arg8 : memref<!tpu.dma_semaphore, #tpu.memory_space<semaphore_mem>>) {add = true}
    %dma_start3A_452 = arith.constant 56 : i32
    %dma_start3A_453 = arith.constant 0 : i32
    %dma_start3A_454 = tpu.memref_slice %arg4[%dma_start3A_452, %dma_start3A_453] : memref<80x128xi32, #tpu.memory_space<vmem>> -> memref<1x128xi32, #tpu.memory_space<vmem>>
    %dma_start3A_455 = tpu.memref_squeeze %dma_start3A_454 : memref<1x128xi32, #tpu.memory_space<vmem>> -> memref<128xi32, #tpu.memory_space<vmem>>
    %dma_start3A_456 = arith.constant 0 : i32
    %dma_start3A_457 = tpu.memref_slice %arg7[%dma_start3A_456] : memref<10240xf32, #tpu.memory_space<vmem_shared>> -> memref<10240xf32, #tpu.memory_space<vmem_shared>>
    tpu.enqueue_indirect_dma source(%arg5 : memref<128xf32, #tpu.memory_space<vmem>>) target(%dma_start3A_457 : memref<10240xf32, #tpu.memory_space<vmem_shared>>) offsets(%dma_start3A_455 : memref<128xi32, #tpu.memory_space<vmem>>) semaphore(%arg8 : memref<!tpu.dma_semaphore, #tpu.memory_space<semaphore_mem>>) {add = true}
    %dma_start3A_458 = arith.constant 57 : i32
    %dma_start3A_459 = arith.constant 0 : i32
    %dma_start3A_460 = tpu.memref_slice %arg4[%dma_start3A_458, %dma_start3A_459] : memref<80x128xi32, #tpu.memory_space<vmem>> -> memref<1x128xi32, #tpu.memory_space<vmem>>
    %dma_start3A_461 = tpu.memref_squeeze %dma_start3A_460 : memref<1x128xi32, #tpu.memory_space<vmem>> -> memref<128xi32, #tpu.memory_space<vmem>>
    %dma_start3A_462 = arith.constant 0 : i32
    %dma_start3A_463 = tpu.memref_slice %arg7[%dma_start3A_462] : memref<10240xf32, #tpu.memory_space<vmem_shared>> -> memref<10240xf32, #tpu.memory_space<vmem_shared>>
    tpu.enqueue_indirect_dma source(%arg5 : memref<128xf32, #tpu.memory_space<vmem>>) target(%dma_start3A_463 : memref<10240xf32, #tpu.memory_space<vmem_shared>>) offsets(%dma_start3A_461 : memref<128xi32, #tpu.memory_space<vmem>>) semaphore(%arg8 : memref<!tpu.dma_semaphore, #tpu.memory_space<semaphore_mem>>) {add = true}
    %dma_start3A_464 = arith.constant 58 : i32
    %dma_start3A_465 = arith.constant 0 : i32
    %dma_start3A_466 = tpu.memref_slice %arg4[%dma_start3A_464, %dma_start3A_465] : memref<80x128xi32, #tpu.memory_space<vmem>> -> memref<1x128xi32, #tpu.memory_space<vmem>>
    %dma_start3A_467 = tpu.memref_squeeze %dma_start3A_466 : memref<1x128xi32, #tpu.memory_space<vmem>> -> memref<128xi32, #tpu.memory_space<vmem>>
    %dma_start3A_468 = arith.constant 0 : i32
    %dma_start3A_469 = tpu.memref_slice %arg7[%dma_start3A_468] : memref<10240xf32, #tpu.memory_space<vmem_shared>> -> memref<10240xf32, #tpu.memory_space<vmem_shared>>
    tpu.enqueue_indirect_dma source(%arg5 : memref<128xf32, #tpu.memory_space<vmem>>) target(%dma_start3A_469 : memref<10240xf32, #tpu.memory_space<vmem_shared>>) offsets(%dma_start3A_467 : memref<128xi32, #tpu.memory_space<vmem>>) semaphore(%arg8 : memref<!tpu.dma_semaphore, #tpu.memory_space<semaphore_mem>>) {add = true}
    %dma_start3A_470 = arith.constant 59 : i32
    %dma_start3A_471 = arith.constant 0 : i32
    %dma_start3A_472 = tpu.memref_slice %arg4[%dma_start3A_470, %dma_start3A_471] : memref<80x128xi32, #tpu.memory_space<vmem>> -> memref<1x128xi32, #tpu.memory_space<vmem>>
    %dma_start3A_473 = tpu.memref_squeeze %dma_start3A_472 : memref<1x128xi32, #tpu.memory_space<vmem>> -> memref<128xi32, #tpu.memory_space<vmem>>
    %dma_start3A_474 = arith.constant 0 : i32
    %dma_start3A_475 = tpu.memref_slice %arg7[%dma_start3A_474] : memref<10240xf32, #tpu.memory_space<vmem_shared>> -> memref<10240xf32, #tpu.memory_space<vmem_shared>>
    tpu.enqueue_indirect_dma source(%arg5 : memref<128xf32, #tpu.memory_space<vmem>>) target(%dma_start3A_475 : memref<10240xf32, #tpu.memory_space<vmem_shared>>) offsets(%dma_start3A_473 : memref<128xi32, #tpu.memory_space<vmem>>) semaphore(%arg8 : memref<!tpu.dma_semaphore, #tpu.memory_space<semaphore_mem>>) {add = true}
    %dma_start3A_476 = arith.constant 60 : i32
    %dma_start3A_477 = arith.constant 0 : i32
    %dma_start3A_478 = tpu.memref_slice %arg4[%dma_start3A_476, %dma_start3A_477] : memref<80x128xi32, #tpu.memory_space<vmem>> -> memref<1x128xi32, #tpu.memory_space<vmem>>
    %dma_start3A_479 = tpu.memref_squeeze %dma_start3A_478 : memref<1x128xi32, #tpu.memory_space<vmem>> -> memref<128xi32, #tpu.memory_space<vmem>>
    %dma_start3A_480 = arith.constant 0 : i32
    %dma_start3A_481 = tpu.memref_slice %arg7[%dma_start3A_480] : memref<10240xf32, #tpu.memory_space<vmem_shared>> -> memref<10240xf32, #tpu.memory_space<vmem_shared>>
    tpu.enqueue_indirect_dma source(%arg5 : memref<128xf32, #tpu.memory_space<vmem>>) target(%dma_start3A_481 : memref<10240xf32, #tpu.memory_space<vmem_shared>>) offsets(%dma_start3A_479 : memref<128xi32, #tpu.memory_space<vmem>>) semaphore(%arg8 : memref<!tpu.dma_semaphore, #tpu.memory_space<semaphore_mem>>) {add = true}
    %dma_start3A_482 = arith.constant 61 : i32
    %dma_start3A_483 = arith.constant 0 : i32
    %dma_start3A_484 = tpu.memref_slice %arg4[%dma_start3A_482, %dma_start3A_483] : memref<80x128xi32, #tpu.memory_space<vmem>> -> memref<1x128xi32, #tpu.memory_space<vmem>>
    %dma_start3A_485 = tpu.memref_squeeze %dma_start3A_484 : memref<1x128xi32, #tpu.memory_space<vmem>> -> memref<128xi32, #tpu.memory_space<vmem>>
    %dma_start3A_486 = arith.constant 0 : i32
    %dma_start3A_487 = tpu.memref_slice %arg7[%dma_start3A_486] : memref<10240xf32, #tpu.memory_space<vmem_shared>> -> memref<10240xf32, #tpu.memory_space<vmem_shared>>
    tpu.enqueue_indirect_dma source(%arg5 : memref<128xf32, #tpu.memory_space<vmem>>) target(%dma_start3A_487 : memref<10240xf32, #tpu.memory_space<vmem_shared>>) offsets(%dma_start3A_485 : memref<128xi32, #tpu.memory_space<vmem>>) semaphore(%arg8 : memref<!tpu.dma_semaphore, #tpu.memory_space<semaphore_mem>>) {add = true}
    %dma_start3A_488 = arith.constant 62 : i32
    %dma_start3A_489 = arith.constant 0 : i32
    %dma_start3A_490 = tpu.memref_slice %arg4[%dma_start3A_488, %dma_start3A_489] : memref<80x128xi32, #tpu.memory_space<vmem>> -> memref<1x128xi32, #tpu.memory_space<vmem>>
    %dma_start3A_491 = tpu.memref_squeeze %dma_start3A_490 : memref<1x128xi32, #tpu.memory_space<vmem>> -> memref<128xi32, #tpu.memory_space<vmem>>
    %dma_start3A_492 = arith.constant 0 : i32
    %dma_start3A_493 = tpu.memref_slice %arg7[%dma_start3A_492] : memref<10240xf32, #tpu.memory_space<vmem_shared>> -> memref<10240xf32, #tpu.memory_space<vmem_shared>>
    tpu.enqueue_indirect_dma source(%arg5 : memref<128xf32, #tpu.memory_space<vmem>>) target(%dma_start3A_493 : memref<10240xf32, #tpu.memory_space<vmem_shared>>) offsets(%dma_start3A_491 : memref<128xi32, #tpu.memory_space<vmem>>) semaphore(%arg8 : memref<!tpu.dma_semaphore, #tpu.memory_space<semaphore_mem>>) {add = true}
    %dma_start3A_494 = arith.constant 63 : i32
    %dma_start3A_495 = arith.constant 0 : i32
    %dma_start3A_496 = tpu.memref_slice %arg4[%dma_start3A_494, %dma_start3A_495] : memref<80x128xi32, #tpu.memory_space<vmem>> -> memref<1x128xi32, #tpu.memory_space<vmem>>
    %dma_start3A_497 = tpu.memref_squeeze %dma_start3A_496 : memref<1x128xi32, #tpu.memory_space<vmem>> -> memref<128xi32, #tpu.memory_space<vmem>>
    %dma_start3A_498 = arith.constant 0 : i32
    %dma_start3A_499 = tpu.memref_slice %arg7[%dma_start3A_498] : memref<10240xf32, #tpu.memory_space<vmem_shared>> -> memref<10240xf32, #tpu.memory_space<vmem_shared>>
    tpu.enqueue_indirect_dma source(%arg5 : memref<128xf32, #tpu.memory_space<vmem>>) target(%dma_start3A_499 : memref<10240xf32, #tpu.memory_space<vmem_shared>>) offsets(%dma_start3A_497 : memref<128xi32, #tpu.memory_space<vmem>>) semaphore(%arg8 : memref<!tpu.dma_semaphore, #tpu.memory_space<semaphore_mem>>) {add = true}
    %dma_start3A_500 = arith.constant 64 : i32
    %dma_start3A_501 = arith.constant 0 : i32
    %dma_start3A_502 = tpu.memref_slice %arg4[%dma_start3A_500, %dma_start3A_501] : memref<80x128xi32, #tpu.memory_space<vmem>> -> memref<1x128xi32, #tpu.memory_space<vmem>>
    %dma_start3A_503 = tpu.memref_squeeze %dma_start3A_502 : memref<1x128xi32, #tpu.memory_space<vmem>> -> memref<128xi32, #tpu.memory_space<vmem>>
    %dma_start3A_504 = arith.constant 0 : i32
    %dma_start3A_505 = tpu.memref_slice %arg7[%dma_start3A_504] : memref<10240xf32, #tpu.memory_space<vmem_shared>> -> memref<10240xf32, #tpu.memory_space<vmem_shared>>
    tpu.enqueue_indirect_dma source(%arg5 : memref<128xf32, #tpu.memory_space<vmem>>) target(%dma_start3A_505 : memref<10240xf32, #tpu.memory_space<vmem_shared>>) offsets(%dma_start3A_503 : memref<128xi32, #tpu.memory_space<vmem>>) semaphore(%arg8 : memref<!tpu.dma_semaphore, #tpu.memory_space<semaphore_mem>>) {add = true}
    %dma_start3A_506 = arith.constant 65 : i32
    %dma_start3A_507 = arith.constant 0 : i32
    %dma_start3A_508 = tpu.memref_slice %arg4[%dma_start3A_506, %dma_start3A_507] : memref<80x128xi32, #tpu.memory_space<vmem>> -> memref<1x128xi32, #tpu.memory_space<vmem>>
    %dma_start3A_509 = tpu.memref_squeeze %dma_start3A_508 : memref<1x128xi32, #tpu.memory_space<vmem>> -> memref<128xi32, #tpu.memory_space<vmem>>
    %dma_start3A_510 = arith.constant 0 : i32
    %dma_start3A_511 = tpu.memref_slice %arg7[%dma_start3A_510] : memref<10240xf32, #tpu.memory_space<vmem_shared>> -> memref<10240xf32, #tpu.memory_space<vmem_shared>>
    tpu.enqueue_indirect_dma source(%arg5 : memref<128xf32, #tpu.memory_space<vmem>>) target(%dma_start3A_511 : memref<10240xf32, #tpu.memory_space<vmem_shared>>) offsets(%dma_start3A_509 : memref<128xi32, #tpu.memory_space<vmem>>) semaphore(%arg8 : memref<!tpu.dma_semaphore, #tpu.memory_space<semaphore_mem>>) {add = true}
    %dma_start3A_512 = arith.constant 66 : i32
    %dma_start3A_513 = arith.constant 0 : i32
    %dma_start3A_514 = tpu.memref_slice %arg4[%dma_start3A_512, %dma_start3A_513] : memref<80x128xi32, #tpu.memory_space<vmem>> -> memref<1x128xi32, #tpu.memory_space<vmem>>
    %dma_start3A_515 = tpu.memref_squeeze %dma_start3A_514 : memref<1x128xi32, #tpu.memory_space<vmem>> -> memref<128xi32, #tpu.memory_space<vmem>>
    %dma_start3A_516 = arith.constant 0 : i32
    %dma_start3A_517 = tpu.memref_slice %arg7[%dma_start3A_516] : memref<10240xf32, #tpu.memory_space<vmem_shared>> -> memref<10240xf32, #tpu.memory_space<vmem_shared>>
    tpu.enqueue_indirect_dma source(%arg5 : memref<128xf32, #tpu.memory_space<vmem>>) target(%dma_start3A_517 : memref<10240xf32, #tpu.memory_space<vmem_shared>>) offsets(%dma_start3A_515 : memref<128xi32, #tpu.memory_space<vmem>>) semaphore(%arg8 : memref<!tpu.dma_semaphore, #tpu.memory_space<semaphore_mem>>) {add = true}
    %dma_start3A_518 = arith.constant 67 : i32
    %dma_start3A_519 = arith.constant 0 : i32
    %dma_start3A_520 = tpu.memref_slice %arg4[%dma_start3A_518, %dma_start3A_519] : memref<80x128xi32, #tpu.memory_space<vmem>> -> memref<1x128xi32, #tpu.memory_space<vmem>>
    %dma_start3A_521 = tpu.memref_squeeze %dma_start3A_520 : memref<1x128xi32, #tpu.memory_space<vmem>> -> memref<128xi32, #tpu.memory_space<vmem>>
    %dma_start3A_522 = arith.constant 0 : i32
    %dma_start3A_523 = tpu.memref_slice %arg7[%dma_start3A_522] : memref<10240xf32, #tpu.memory_space<vmem_shared>> -> memref<10240xf32, #tpu.memory_space<vmem_shared>>
    tpu.enqueue_indirect_dma source(%arg5 : memref<128xf32, #tpu.memory_space<vmem>>) target(%dma_start3A_523 : memref<10240xf32, #tpu.memory_space<vmem_shared>>) offsets(%dma_start3A_521 : memref<128xi32, #tpu.memory_space<vmem>>) semaphore(%arg8 : memref<!tpu.dma_semaphore, #tpu.memory_space<semaphore_mem>>) {add = true}
    %dma_start3A_524 = arith.constant 68 : i32
    %dma_start3A_525 = arith.constant 0 : i32
    %dma_start3A_526 = tpu.memref_slice %arg4[%dma_start3A_524, %dma_start3A_525] : memref<80x128xi32, #tpu.memory_space<vmem>> -> memref<1x128xi32, #tpu.memory_space<vmem>>
    %dma_start3A_527 = tpu.memref_squeeze %dma_start3A_526 : memref<1x128xi32, #tpu.memory_space<vmem>> -> memref<128xi32, #tpu.memory_space<vmem>>
    %dma_start3A_528 = arith.constant 0 : i32
    %dma_start3A_529 = tpu.memref_slice %arg7[%dma_start3A_528] : memref<10240xf32, #tpu.memory_space<vmem_shared>> -> memref<10240xf32, #tpu.memory_space<vmem_shared>>
    tpu.enqueue_indirect_dma source(%arg5 : memref<128xf32, #tpu.memory_space<vmem>>) target(%dma_start3A_529 : memref<10240xf32, #tpu.memory_space<vmem_shared>>) offsets(%dma_start3A_527 : memref<128xi32, #tpu.memory_space<vmem>>) semaphore(%arg8 : memref<!tpu.dma_semaphore, #tpu.memory_space<semaphore_mem>>) {add = true}
    %dma_start3A_530 = arith.constant 69 : i32
    %dma_start3A_531 = arith.constant 0 : i32
    %dma_start3A_532 = tpu.memref_slice %arg4[%dma_start3A_530, %dma_start3A_531] : memref<80x128xi32, #tpu.memory_space<vmem>> -> memref<1x128xi32, #tpu.memory_space<vmem>>
    %dma_start3A_533 = tpu.memref_squeeze %dma_start3A_532 : memref<1x128xi32, #tpu.memory_space<vmem>> -> memref<128xi32, #tpu.memory_space<vmem>>
    %dma_start3A_534 = arith.constant 0 : i32
    %dma_start3A_535 = tpu.memref_slice %arg7[%dma_start3A_534] : memref<10240xf32, #tpu.memory_space<vmem_shared>> -> memref<10240xf32, #tpu.memory_space<vmem_shared>>
    tpu.enqueue_indirect_dma source(%arg5 : memref<128xf32, #tpu.memory_space<vmem>>) target(%dma_start3A_535 : memref<10240xf32, #tpu.memory_space<vmem_shared>>) offsets(%dma_start3A_533 : memref<128xi32, #tpu.memory_space<vmem>>) semaphore(%arg8 : memref<!tpu.dma_semaphore, #tpu.memory_space<semaphore_mem>>) {add = true}
    %dma_start3A_536 = arith.constant 70 : i32
    %dma_start3A_537 = arith.constant 0 : i32
    %dma_start3A_538 = tpu.memref_slice %arg4[%dma_start3A_536, %dma_start3A_537] : memref<80x128xi32, #tpu.memory_space<vmem>> -> memref<1x128xi32, #tpu.memory_space<vmem>>
    %dma_start3A_539 = tpu.memref_squeeze %dma_start3A_538 : memref<1x128xi32, #tpu.memory_space<vmem>> -> memref<128xi32, #tpu.memory_space<vmem>>
    %dma_start3A_540 = arith.constant 0 : i32
    %dma_start3A_541 = tpu.memref_slice %arg7[%dma_start3A_540] : memref<10240xf32, #tpu.memory_space<vmem_shared>> -> memref<10240xf32, #tpu.memory_space<vmem_shared>>
    tpu.enqueue_indirect_dma source(%arg5 : memref<128xf32, #tpu.memory_space<vmem>>) target(%dma_start3A_541 : memref<10240xf32, #tpu.memory_space<vmem_shared>>) offsets(%dma_start3A_539 : memref<128xi32, #tpu.memory_space<vmem>>) semaphore(%arg8 : memref<!tpu.dma_semaphore, #tpu.memory_space<semaphore_mem>>) {add = true}
    %dma_start3A_542 = arith.constant 71 : i32
    %dma_start3A_543 = arith.constant 0 : i32
    %dma_start3A_544 = tpu.memref_slice %arg4[%dma_start3A_542, %dma_start3A_543] : memref<80x128xi32, #tpu.memory_space<vmem>> -> memref<1x128xi32, #tpu.memory_space<vmem>>
    %dma_start3A_545 = tpu.memref_squeeze %dma_start3A_544 : memref<1x128xi32, #tpu.memory_space<vmem>> -> memref<128xi32, #tpu.memory_space<vmem>>
    %dma_start3A_546 = arith.constant 0 : i32
    %dma_start3A_547 = tpu.memref_slice %arg7[%dma_start3A_546] : memref<10240xf32, #tpu.memory_space<vmem_shared>> -> memref<10240xf32, #tpu.memory_space<vmem_shared>>
    tpu.enqueue_indirect_dma source(%arg5 : memref<128xf32, #tpu.memory_space<vmem>>) target(%dma_start3A_547 : memref<10240xf32, #tpu.memory_space<vmem_shared>>) offsets(%dma_start3A_545 : memref<128xi32, #tpu.memory_space<vmem>>) semaphore(%arg8 : memref<!tpu.dma_semaphore, #tpu.memory_space<semaphore_mem>>) {add = true}
    %dma_start3A_548 = arith.constant 72 : i32
    %dma_start3A_549 = arith.constant 0 : i32
    %dma_start3A_550 = tpu.memref_slice %arg4[%dma_start3A_548, %dma_start3A_549] : memref<80x128xi32, #tpu.memory_space<vmem>> -> memref<1x128xi32, #tpu.memory_space<vmem>>
    %dma_start3A_551 = tpu.memref_squeeze %dma_start3A_550 : memref<1x128xi32, #tpu.memory_space<vmem>> -> memref<128xi32, #tpu.memory_space<vmem>>
    %dma_start3A_552 = arith.constant 0 : i32
    %dma_start3A_553 = tpu.memref_slice %arg7[%dma_start3A_552] : memref<10240xf32, #tpu.memory_space<vmem_shared>> -> memref<10240xf32, #tpu.memory_space<vmem_shared>>
    tpu.enqueue_indirect_dma source(%arg5 : memref<128xf32, #tpu.memory_space<vmem>>) target(%dma_start3A_553 : memref<10240xf32, #tpu.memory_space<vmem_shared>>) offsets(%dma_start3A_551 : memref<128xi32, #tpu.memory_space<vmem>>) semaphore(%arg8 : memref<!tpu.dma_semaphore, #tpu.memory_space<semaphore_mem>>) {add = true}
    %dma_start3A_554 = arith.constant 73 : i32
    %dma_start3A_555 = arith.constant 0 : i32
    %dma_start3A_556 = tpu.memref_slice %arg4[%dma_start3A_554, %dma_start3A_555] : memref<80x128xi32, #tpu.memory_space<vmem>> -> memref<1x128xi32, #tpu.memory_space<vmem>>
    %dma_start3A_557 = tpu.memref_squeeze %dma_start3A_556 : memref<1x128xi32, #tpu.memory_space<vmem>> -> memref<128xi32, #tpu.memory_space<vmem>>
    %dma_start3A_558 = arith.constant 0 : i32
    %dma_start3A_559 = tpu.memref_slice %arg7[%dma_start3A_558] : memref<10240xf32, #tpu.memory_space<vmem_shared>> -> memref<10240xf32, #tpu.memory_space<vmem_shared>>
    tpu.enqueue_indirect_dma source(%arg5 : memref<128xf32, #tpu.memory_space<vmem>>) target(%dma_start3A_559 : memref<10240xf32, #tpu.memory_space<vmem_shared>>) offsets(%dma_start3A_557 : memref<128xi32, #tpu.memory_space<vmem>>) semaphore(%arg8 : memref<!tpu.dma_semaphore, #tpu.memory_space<semaphore_mem>>) {add = true}
    %dma_start3A_560 = arith.constant 74 : i32
    %dma_start3A_561 = arith.constant 0 : i32
    %dma_start3A_562 = tpu.memref_slice %arg4[%dma_start3A_560, %dma_start3A_561] : memref<80x128xi32, #tpu.memory_space<vmem>> -> memref<1x128xi32, #tpu.memory_space<vmem>>
    %dma_start3A_563 = tpu.memref_squeeze %dma_start3A_562 : memref<1x128xi32, #tpu.memory_space<vmem>> -> memref<128xi32, #tpu.memory_space<vmem>>
    %dma_start3A_564 = arith.constant 0 : i32
    %dma_start3A_565 = tpu.memref_slice %arg7[%dma_start3A_564] : memref<10240xf32, #tpu.memory_space<vmem_shared>> -> memref<10240xf32, #tpu.memory_space<vmem_shared>>
    tpu.enqueue_indirect_dma source(%arg5 : memref<128xf32, #tpu.memory_space<vmem>>) target(%dma_start3A_565 : memref<10240xf32, #tpu.memory_space<vmem_shared>>) offsets(%dma_start3A_563 : memref<128xi32, #tpu.memory_space<vmem>>) semaphore(%arg8 : memref<!tpu.dma_semaphore, #tpu.memory_space<semaphore_mem>>) {add = true}
    %dma_start3A_566 = arith.constant 75 : i32
    %dma_start3A_567 = arith.constant 0 : i32
    %dma_start3A_568 = tpu.memref_slice %arg4[%dma_start3A_566, %dma_start3A_567] : memref<80x128xi32, #tpu.memory_space<vmem>> -> memref<1x128xi32, #tpu.memory_space<vmem>>
    %dma_start3A_569 = tpu.memref_squeeze %dma_start3A_568 : memref<1x128xi32, #tpu.memory_space<vmem>> -> memref<128xi32, #tpu.memory_space<vmem>>
    %dma_start3A_570 = arith.constant 0 : i32
    %dma_start3A_571 = tpu.memref_slice %arg7[%dma_start3A_570] : memref<10240xf32, #tpu.memory_space<vmem_shared>> -> memref<10240xf32, #tpu.memory_space<vmem_shared>>
    tpu.enqueue_indirect_dma source(%arg5 : memref<128xf32, #tpu.memory_space<vmem>>) target(%dma_start3A_571 : memref<10240xf32, #tpu.memory_space<vmem_shared>>) offsets(%dma_start3A_569 : memref<128xi32, #tpu.memory_space<vmem>>) semaphore(%arg8 : memref<!tpu.dma_semaphore, #tpu.memory_space<semaphore_mem>>) {add = true}
    %dma_start3A_572 = arith.constant 76 : i32
    %dma_start3A_573 = arith.constant 0 : i32
    %dma_start3A_574 = tpu.memref_slice %arg4[%dma_start3A_572, %dma_start3A_573] : memref<80x128xi32, #tpu.memory_space<vmem>> -> memref<1x128xi32, #tpu.memory_space<vmem>>
    %dma_start3A_575 = tpu.memref_squeeze %dma_start3A_574 : memref<1x128xi32, #tpu.memory_space<vmem>> -> memref<128xi32, #tpu.memory_space<vmem>>
    %dma_start3A_576 = arith.constant 0 : i32
    %dma_start3A_577 = tpu.memref_slice %arg7[%dma_start3A_576] : memref<10240xf32, #tpu.memory_space<vmem_shared>> -> memref<10240xf32, #tpu.memory_space<vmem_shared>>
    tpu.enqueue_indirect_dma source(%arg5 : memref<128xf32, #tpu.memory_space<vmem>>) target(%dma_start3A_577 : memref<10240xf32, #tpu.memory_space<vmem_shared>>) offsets(%dma_start3A_575 : memref<128xi32, #tpu.memory_space<vmem>>) semaphore(%arg8 : memref<!tpu.dma_semaphore, #tpu.memory_space<semaphore_mem>>) {add = true}
    %dma_start3A_578 = arith.constant 77 : i32
    %dma_start3A_579 = arith.constant 0 : i32
    %dma_start3A_580 = tpu.memref_slice %arg4[%dma_start3A_578, %dma_start3A_579] : memref<80x128xi32, #tpu.memory_space<vmem>> -> memref<1x128xi32, #tpu.memory_space<vmem>>
    %dma_start3A_581 = tpu.memref_squeeze %dma_start3A_580 : memref<1x128xi32, #tpu.memory_space<vmem>> -> memref<128xi32, #tpu.memory_space<vmem>>
    %dma_start3A_582 = arith.constant 0 : i32
    %dma_start3A_583 = tpu.memref_slice %arg7[%dma_start3A_582] : memref<10240xf32, #tpu.memory_space<vmem_shared>> -> memref<10240xf32, #tpu.memory_space<vmem_shared>>
    tpu.enqueue_indirect_dma source(%arg5 : memref<128xf32, #tpu.memory_space<vmem>>) target(%dma_start3A_583 : memref<10240xf32, #tpu.memory_space<vmem_shared>>) offsets(%dma_start3A_581 : memref<128xi32, #tpu.memory_space<vmem>>) semaphore(%arg8 : memref<!tpu.dma_semaphore, #tpu.memory_space<semaphore_mem>>) {add = true}
    %dma_start3A_584 = arith.constant 78 : i32
    %dma_start3A_585 = arith.constant 0 : i32
    %dma_start3A_586 = tpu.memref_slice %arg4[%dma_start3A_584, %dma_start3A_585] : memref<80x128xi32, #tpu.memory_space<vmem>> -> memref<1x128xi32, #tpu.memory_space<vmem>>
    %dma_start3A_587 = tpu.memref_squeeze %dma_start3A_586 : memref<1x128xi32, #tpu.memory_space<vmem>> -> memref<128xi32, #tpu.memory_space<vmem>>
    %dma_start3A_588 = arith.constant 0 : i32
    %dma_start3A_589 = tpu.memref_slice %arg7[%dma_start3A_588] : memref<10240xf32, #tpu.memory_space<vmem_shared>> -> memref<10240xf32, #tpu.memory_space<vmem_shared>>
    tpu.enqueue_indirect_dma source(%arg5 : memref<128xf32, #tpu.memory_space<vmem>>) target(%dma_start3A_589 : memref<10240xf32, #tpu.memory_space<vmem_shared>>) offsets(%dma_start3A_587 : memref<128xi32, #tpu.memory_space<vmem>>) semaphore(%arg8 : memref<!tpu.dma_semaphore, #tpu.memory_space<semaphore_mem>>) {add = true}
    %dma_start3A_590 = arith.constant 79 : i32
    %dma_start3A_591 = arith.constant 0 : i32
    %dma_start3A_592 = tpu.memref_slice %arg4[%dma_start3A_590, %dma_start3A_591] : memref<80x128xi32, #tpu.memory_space<vmem>> -> memref<1x128xi32, #tpu.memory_space<vmem>>
    %dma_start3A_593 = tpu.memref_squeeze %dma_start3A_592 : memref<1x128xi32, #tpu.memory_space<vmem>> -> memref<128xi32, #tpu.memory_space<vmem>>
    %dma_start3A_594 = arith.constant 0 : i32
    %dma_start3A_595 = tpu.memref_slice %arg7[%dma_start3A_594] : memref<10240xf32, #tpu.memory_space<vmem_shared>> -> memref<10240xf32, #tpu.memory_space<vmem_shared>>
    tpu.enqueue_indirect_dma source(%arg5 : memref<128xf32, #tpu.memory_space<vmem>>) target(%dma_start3A_595 : memref<10240xf32, #tpu.memory_space<vmem_shared>>) offsets(%dma_start3A_593 : memref<128xi32, #tpu.memory_space<vmem>>) semaphore(%arg8 : memref<!tpu.dma_semaphore, #tpu.memory_space<semaphore_mem>>) {add = true}
    %dma_wait3A = arith.constant 0 : i32
    %dma_wait3A_596 = arith.constant 0 : i32
    %dma_wait3A_597 = tpu.memref_slice %arg4[%dma_wait3A, %dma_wait3A_596] : memref<80x128xi32, #tpu.memory_space<vmem>> -> memref<1x128xi32, #tpu.memory_space<vmem>>
    %dma_wait3A_598 = tpu.memref_squeeze %dma_wait3A_597 : memref<1x128xi32, #tpu.memory_space<vmem>> -> memref<128xi32, #tpu.memory_space<vmem>>
    %dma_wait3A_599 = arith.constant 0 : i32
    %dma_wait3A_600 = tpu.memref_slice %arg7[%dma_wait3A_599] : memref<10240xf32, #tpu.memory_space<vmem_shared>> -> memref<10240xf32, #tpu.memory_space<vmem_shared>>
    tpu.wait_indirect_dma semaphore(%arg8 : memref<!tpu.dma_semaphore, #tpu.memory_space<semaphore_mem>>) src(%arg5 : memref<128xf32, #tpu.memory_space<vmem>>) dst(%dma_wait3A_600 : memref<10240xf32, #tpu.memory_space<vmem_shared>>)
    %dma_wait3A_601 = arith.constant 1 : i32
    %dma_wait3A_602 = arith.constant 0 : i32
    %dma_wait3A_603 = tpu.memref_slice %arg4[%dma_wait3A_601, %dma_wait3A_602] : memref<80x128xi32, #tpu.memory_space<vmem>> -> memref<1x128xi32, #tpu.memory_space<vmem>>
    %dma_wait3A_604 = tpu.memref_squeeze %dma_wait3A_603 : memref<1x128xi32, #tpu.memory_space<vmem>> -> memref<128xi32, #tpu.memory_space<vmem>>
    %dma_wait3A_605 = arith.constant 0 : i32
    %dma_wait3A_606 = tpu.memref_slice %arg7[%dma_wait3A_605] : memref<10240xf32, #tpu.memory_space<vmem_shared>> -> memref<10240xf32, #tpu.memory_space<vmem_shared>>
    tpu.wait_indirect_dma semaphore(%arg8 : memref<!tpu.dma_semaphore, #tpu.memory_space<semaphore_mem>>) src(%arg5 : memref<128xf32, #tpu.memory_space<vmem>>) dst(%dma_wait3A_606 : memref<10240xf32, #tpu.memory_space<vmem_shared>>)
    %dma_wait3A_607 = arith.constant 2 : i32
    %dma_wait3A_608 = arith.constant 0 : i32
    %dma_wait3A_609 = tpu.memref_slice %arg4[%dma_wait3A_607, %dma_wait3A_608] : memref<80x128xi32, #tpu.memory_space<vmem>> -> memref<1x128xi32, #tpu.memory_space<vmem>>
    %dma_wait3A_610 = tpu.memref_squeeze %dma_wait3A_609 : memref<1x128xi32, #tpu.memory_space<vmem>> -> memref<128xi32, #tpu.memory_space<vmem>>
    %dma_wait3A_611 = arith.constant 0 : i32
    %dma_wait3A_612 = tpu.memref_slice %arg7[%dma_wait3A_611] : memref<10240xf32, #tpu.memory_space<vmem_shared>> -> memref<10240xf32, #tpu.memory_space<vmem_shared>>
    tpu.wait_indirect_dma semaphore(%arg8 : memref<!tpu.dma_semaphore, #tpu.memory_space<semaphore_mem>>) src(%arg5 : memref<128xf32, #tpu.memory_space<vmem>>) dst(%dma_wait3A_612 : memref<10240xf32, #tpu.memory_space<vmem_shared>>)
    %dma_wait3A_613 = arith.constant 3 : i32
    %dma_wait3A_614 = arith.constant 0 : i32
    %dma_wait3A_615 = tpu.memref_slice %arg4[%dma_wait3A_613, %dma_wait3A_614] : memref<80x128xi32, #tpu.memory_space<vmem>> -> memref<1x128xi32, #tpu.memory_space<vmem>>
    %dma_wait3A_616 = tpu.memref_squeeze %dma_wait3A_615 : memref<1x128xi32, #tpu.memory_space<vmem>> -> memref<128xi32, #tpu.memory_space<vmem>>
    %dma_wait3A_617 = arith.constant 0 : i32
    %dma_wait3A_618 = tpu.memref_slice %arg7[%dma_wait3A_617] : memref<10240xf32, #tpu.memory_space<vmem_shared>> -> memref<10240xf32, #tpu.memory_space<vmem_shared>>
    tpu.wait_indirect_dma semaphore(%arg8 : memref<!tpu.dma_semaphore, #tpu.memory_space<semaphore_mem>>) src(%arg5 : memref<128xf32, #tpu.memory_space<vmem>>) dst(%dma_wait3A_618 : memref<10240xf32, #tpu.memory_space<vmem_shared>>)
    %dma_wait3A_619 = arith.constant 4 : i32
    %dma_wait3A_620 = arith.constant 0 : i32
    %dma_wait3A_621 = tpu.memref_slice %arg4[%dma_wait3A_619, %dma_wait3A_620] : memref<80x128xi32, #tpu.memory_space<vmem>> -> memref<1x128xi32, #tpu.memory_space<vmem>>
    %dma_wait3A_622 = tpu.memref_squeeze %dma_wait3A_621 : memref<1x128xi32, #tpu.memory_space<vmem>> -> memref<128xi32, #tpu.memory_space<vmem>>
    %dma_wait3A_623 = arith.constant 0 : i32
    %dma_wait3A_624 = tpu.memref_slice %arg7[%dma_wait3A_623] : memref<10240xf32, #tpu.memory_space<vmem_shared>> -> memref<10240xf32, #tpu.memory_space<vmem_shared>>
    tpu.wait_indirect_dma semaphore(%arg8 : memref<!tpu.dma_semaphore, #tpu.memory_space<semaphore_mem>>) src(%arg5 : memref<128xf32, #tpu.memory_space<vmem>>) dst(%dma_wait3A_624 : memref<10240xf32, #tpu.memory_space<vmem_shared>>)
    %dma_wait3A_625 = arith.constant 5 : i32
    %dma_wait3A_626 = arith.constant 0 : i32
    %dma_wait3A_627 = tpu.memref_slice %arg4[%dma_wait3A_625, %dma_wait3A_626] : memref<80x128xi32, #tpu.memory_space<vmem>> -> memref<1x128xi32, #tpu.memory_space<vmem>>
    %dma_wait3A_628 = tpu.memref_squeeze %dma_wait3A_627 : memref<1x128xi32, #tpu.memory_space<vmem>> -> memref<128xi32, #tpu.memory_space<vmem>>
    %dma_wait3A_629 = arith.constant 0 : i32
    %dma_wait3A_630 = tpu.memref_slice %arg7[%dma_wait3A_629] : memref<10240xf32, #tpu.memory_space<vmem_shared>> -> memref<10240xf32, #tpu.memory_space<vmem_shared>>
    tpu.wait_indirect_dma semaphore(%arg8 : memref<!tpu.dma_semaphore, #tpu.memory_space<semaphore_mem>>) src(%arg5 : memref<128xf32, #tpu.memory_space<vmem>>) dst(%dma_wait3A_630 : memref<10240xf32, #tpu.memory_space<vmem_shared>>)
    %dma_wait3A_631 = arith.constant 6 : i32
    %dma_wait3A_632 = arith.constant 0 : i32
    %dma_wait3A_633 = tpu.memref_slice %arg4[%dma_wait3A_631, %dma_wait3A_632] : memref<80x128xi32, #tpu.memory_space<vmem>> -> memref<1x128xi32, #tpu.memory_space<vmem>>
    %dma_wait3A_634 = tpu.memref_squeeze %dma_wait3A_633 : memref<1x128xi32, #tpu.memory_space<vmem>> -> memref<128xi32, #tpu.memory_space<vmem>>
    %dma_wait3A_635 = arith.constant 0 : i32
    %dma_wait3A_636 = tpu.memref_slice %arg7[%dma_wait3A_635] : memref<10240xf32, #tpu.memory_space<vmem_shared>> -> memref<10240xf32, #tpu.memory_space<vmem_shared>>
    tpu.wait_indirect_dma semaphore(%arg8 : memref<!tpu.dma_semaphore, #tpu.memory_space<semaphore_mem>>) src(%arg5 : memref<128xf32, #tpu.memory_space<vmem>>) dst(%dma_wait3A_636 : memref<10240xf32, #tpu.memory_space<vmem_shared>>)
    %dma_wait3A_637 = arith.constant 7 : i32
    %dma_wait3A_638 = arith.constant 0 : i32
    %dma_wait3A_639 = tpu.memref_slice %arg4[%dma_wait3A_637, %dma_wait3A_638] : memref<80x128xi32, #tpu.memory_space<vmem>> -> memref<1x128xi32, #tpu.memory_space<vmem>>
    %dma_wait3A_640 = tpu.memref_squeeze %dma_wait3A_639 : memref<1x128xi32, #tpu.memory_space<vmem>> -> memref<128xi32, #tpu.memory_space<vmem>>
    %dma_wait3A_641 = arith.constant 0 : i32
    %dma_wait3A_642 = tpu.memref_slice %arg7[%dma_wait3A_641] : memref<10240xf32, #tpu.memory_space<vmem_shared>> -> memref<10240xf32, #tpu.memory_space<vmem_shared>>
    tpu.wait_indirect_dma semaphore(%arg8 : memref<!tpu.dma_semaphore, #tpu.memory_space<semaphore_mem>>) src(%arg5 : memref<128xf32, #tpu.memory_space<vmem>>) dst(%dma_wait3A_642 : memref<10240xf32, #tpu.memory_space<vmem_shared>>)
    %dma_wait3A_643 = arith.constant 8 : i32
    %dma_wait3A_644 = arith.constant 0 : i32
    %dma_wait3A_645 = tpu.memref_slice %arg4[%dma_wait3A_643, %dma_wait3A_644] : memref<80x128xi32, #tpu.memory_space<vmem>> -> memref<1x128xi32, #tpu.memory_space<vmem>>
    %dma_wait3A_646 = tpu.memref_squeeze %dma_wait3A_645 : memref<1x128xi32, #tpu.memory_space<vmem>> -> memref<128xi32, #tpu.memory_space<vmem>>
    %dma_wait3A_647 = arith.constant 0 : i32
    %dma_wait3A_648 = tpu.memref_slice %arg7[%dma_wait3A_647] : memref<10240xf32, #tpu.memory_space<vmem_shared>> -> memref<10240xf32, #tpu.memory_space<vmem_shared>>
    tpu.wait_indirect_dma semaphore(%arg8 : memref<!tpu.dma_semaphore, #tpu.memory_space<semaphore_mem>>) src(%arg5 : memref<128xf32, #tpu.memory_space<vmem>>) dst(%dma_wait3A_648 : memref<10240xf32, #tpu.memory_space<vmem_shared>>)
    %dma_wait3A_649 = arith.constant 9 : i32
    %dma_wait3A_650 = arith.constant 0 : i32
    %dma_wait3A_651 = tpu.memref_slice %arg4[%dma_wait3A_649, %dma_wait3A_650] : memref<80x128xi32, #tpu.memory_space<vmem>> -> memref<1x128xi32, #tpu.memory_space<vmem>>
    %dma_wait3A_652 = tpu.memref_squeeze %dma_wait3A_651 : memref<1x128xi32, #tpu.memory_space<vmem>> -> memref<128xi32, #tpu.memory_space<vmem>>
    %dma_wait3A_653 = arith.constant 0 : i32
    %dma_wait3A_654 = tpu.memref_slice %arg7[%dma_wait3A_653] : memref<10240xf32, #tpu.memory_space<vmem_shared>> -> memref<10240xf32, #tpu.memory_space<vmem_shared>>
    tpu.wait_indirect_dma semaphore(%arg8 : memref<!tpu.dma_semaphore, #tpu.memory_space<semaphore_mem>>) src(%arg5 : memref<128xf32, #tpu.memory_space<vmem>>) dst(%dma_wait3A_654 : memref<10240xf32, #tpu.memory_space<vmem_shared>>)
    %dma_wait3A_655 = arith.constant 10 : i32
    %dma_wait3A_656 = arith.constant 0 : i32
    %dma_wait3A_657 = tpu.memref_slice %arg4[%dma_wait3A_655, %dma_wait3A_656] : memref<80x128xi32, #tpu.memory_space<vmem>> -> memref<1x128xi32, #tpu.memory_space<vmem>>
    %dma_wait3A_658 = tpu.memref_squeeze %dma_wait3A_657 : memref<1x128xi32, #tpu.memory_space<vmem>> -> memref<128xi32, #tpu.memory_space<vmem>>
    %dma_wait3A_659 = arith.constant 0 : i32
    %dma_wait3A_660 = tpu.memref_slice %arg7[%dma_wait3A_659] : memref<10240xf32, #tpu.memory_space<vmem_shared>> -> memref<10240xf32, #tpu.memory_space<vmem_shared>>
    tpu.wait_indirect_dma semaphore(%arg8 : memref<!tpu.dma_semaphore, #tpu.memory_space<semaphore_mem>>) src(%arg5 : memref<128xf32, #tpu.memory_space<vmem>>) dst(%dma_wait3A_660 : memref<10240xf32, #tpu.memory_space<vmem_shared>>)
    %dma_wait3A_661 = arith.constant 11 : i32
    %dma_wait3A_662 = arith.constant 0 : i32
    %dma_wait3A_663 = tpu.memref_slice %arg4[%dma_wait3A_661, %dma_wait3A_662] : memref<80x128xi32, #tpu.memory_space<vmem>> -> memref<1x128xi32, #tpu.memory_space<vmem>>
    %dma_wait3A_664 = tpu.memref_squeeze %dma_wait3A_663 : memref<1x128xi32, #tpu.memory_space<vmem>> -> memref<128xi32, #tpu.memory_space<vmem>>
    %dma_wait3A_665 = arith.constant 0 : i32
    %dma_wait3A_666 = tpu.memref_slice %arg7[%dma_wait3A_665] : memref<10240xf32, #tpu.memory_space<vmem_shared>> -> memref<10240xf32, #tpu.memory_space<vmem_shared>>
    tpu.wait_indirect_dma semaphore(%arg8 : memref<!tpu.dma_semaphore, #tpu.memory_space<semaphore_mem>>) src(%arg5 : memref<128xf32, #tpu.memory_space<vmem>>) dst(%dma_wait3A_666 : memref<10240xf32, #tpu.memory_space<vmem_shared>>)
    %dma_wait3A_667 = arith.constant 12 : i32
    %dma_wait3A_668 = arith.constant 0 : i32
    %dma_wait3A_669 = tpu.memref_slice %arg4[%dma_wait3A_667, %dma_wait3A_668] : memref<80x128xi32, #tpu.memory_space<vmem>> -> memref<1x128xi32, #tpu.memory_space<vmem>>
    %dma_wait3A_670 = tpu.memref_squeeze %dma_wait3A_669 : memref<1x128xi32, #tpu.memory_space<vmem>> -> memref<128xi32, #tpu.memory_space<vmem>>
    %dma_wait3A_671 = arith.constant 0 : i32
    %dma_wait3A_672 = tpu.memref_slice %arg7[%dma_wait3A_671] : memref<10240xf32, #tpu.memory_space<vmem_shared>> -> memref<10240xf32, #tpu.memory_space<vmem_shared>>
    tpu.wait_indirect_dma semaphore(%arg8 : memref<!tpu.dma_semaphore, #tpu.memory_space<semaphore_mem>>) src(%arg5 : memref<128xf32, #tpu.memory_space<vmem>>) dst(%dma_wait3A_672 : memref<10240xf32, #tpu.memory_space<vmem_shared>>)
    %dma_wait3A_673 = arith.constant 13 : i32
    %dma_wait3A_674 = arith.constant 0 : i32
    %dma_wait3A_675 = tpu.memref_slice %arg4[%dma_wait3A_673, %dma_wait3A_674] : memref<80x128xi32, #tpu.memory_space<vmem>> -> memref<1x128xi32, #tpu.memory_space<vmem>>
    %dma_wait3A_676 = tpu.memref_squeeze %dma_wait3A_675 : memref<1x128xi32, #tpu.memory_space<vmem>> -> memref<128xi32, #tpu.memory_space<vmem>>
    %dma_wait3A_677 = arith.constant 0 : i32
    %dma_wait3A_678 = tpu.memref_slice %arg7[%dma_wait3A_677] : memref<10240xf32, #tpu.memory_space<vmem_shared>> -> memref<10240xf32, #tpu.memory_space<vmem_shared>>
    tpu.wait_indirect_dma semaphore(%arg8 : memref<!tpu.dma_semaphore, #tpu.memory_space<semaphore_mem>>) src(%arg5 : memref<128xf32, #tpu.memory_space<vmem>>) dst(%dma_wait3A_678 : memref<10240xf32, #tpu.memory_space<vmem_shared>>)
    %dma_wait3A_679 = arith.constant 14 : i32
    %dma_wait3A_680 = arith.constant 0 : i32
    %dma_wait3A_681 = tpu.memref_slice %arg4[%dma_wait3A_679, %dma_wait3A_680] : memref<80x128xi32, #tpu.memory_space<vmem>> -> memref<1x128xi32, #tpu.memory_space<vmem>>
    %dma_wait3A_682 = tpu.memref_squeeze %dma_wait3A_681 : memref<1x128xi32, #tpu.memory_space<vmem>> -> memref<128xi32, #tpu.memory_space<vmem>>
    %dma_wait3A_683 = arith.constant 0 : i32
    %dma_wait3A_684 = tpu.memref_slice %arg7[%dma_wait3A_683] : memref<10240xf32, #tpu.memory_space<vmem_shared>> -> memref<10240xf32, #tpu.memory_space<vmem_shared>>
    tpu.wait_indirect_dma semaphore(%arg8 : memref<!tpu.dma_semaphore, #tpu.memory_space<semaphore_mem>>) src(%arg5 : memref<128xf32, #tpu.memory_space<vmem>>) dst(%dma_wait3A_684 : memref<10240xf32, #tpu.memory_space<vmem_shared>>)
    %dma_wait3A_685 = arith.constant 15 : i32
    %dma_wait3A_686 = arith.constant 0 : i32
    %dma_wait3A_687 = tpu.memref_slice %arg4[%dma_wait3A_685, %dma_wait3A_686] : memref<80x128xi32, #tpu.memory_space<vmem>> -> memref<1x128xi32, #tpu.memory_space<vmem>>
    %dma_wait3A_688 = tpu.memref_squeeze %dma_wait3A_687 : memref<1x128xi32, #tpu.memory_space<vmem>> -> memref<128xi32, #tpu.memory_space<vmem>>
    %dma_wait3A_689 = arith.constant 0 : i32
    %dma_wait3A_690 = tpu.memref_slice %arg7[%dma_wait3A_689] : memref<10240xf32, #tpu.memory_space<vmem_shared>> -> memref<10240xf32, #tpu.memory_space<vmem_shared>>
    tpu.wait_indirect_dma semaphore(%arg8 : memref<!tpu.dma_semaphore, #tpu.memory_space<semaphore_mem>>) src(%arg5 : memref<128xf32, #tpu.memory_space<vmem>>) dst(%dma_wait3A_690 : memref<10240xf32, #tpu.memory_space<vmem_shared>>)
    %dma_wait3A_691 = arith.constant 16 : i32
    %dma_wait3A_692 = arith.constant 0 : i32
    %dma_wait3A_693 = tpu.memref_slice %arg4[%dma_wait3A_691, %dma_wait3A_692] : memref<80x128xi32, #tpu.memory_space<vmem>> -> memref<1x128xi32, #tpu.memory_space<vmem>>
    %dma_wait3A_694 = tpu.memref_squeeze %dma_wait3A_693 : memref<1x128xi32, #tpu.memory_space<vmem>> -> memref<128xi32, #tpu.memory_space<vmem>>
    %dma_wait3A_695 = arith.constant 0 : i32
    %dma_wait3A_696 = tpu.memref_slice %arg7[%dma_wait3A_695] : memref<10240xf32, #tpu.memory_space<vmem_shared>> -> memref<10240xf32, #tpu.memory_space<vmem_shared>>
    tpu.wait_indirect_dma semaphore(%arg8 : memref<!tpu.dma_semaphore, #tpu.memory_space<semaphore_mem>>) src(%arg5 : memref<128xf32, #tpu.memory_space<vmem>>) dst(%dma_wait3A_696 : memref<10240xf32, #tpu.memory_space<vmem_shared>>)
    %dma_wait3A_697 = arith.constant 17 : i32
    %dma_wait3A_698 = arith.constant 0 : i32
    %dma_wait3A_699 = tpu.memref_slice %arg4[%dma_wait3A_697, %dma_wait3A_698] : memref<80x128xi32, #tpu.memory_space<vmem>> -> memref<1x128xi32, #tpu.memory_space<vmem>>
    %dma_wait3A_700 = tpu.memref_squeeze %dma_wait3A_699 : memref<1x128xi32, #tpu.memory_space<vmem>> -> memref<128xi32, #tpu.memory_space<vmem>>
    %dma_wait3A_701 = arith.constant 0 : i32
    %dma_wait3A_702 = tpu.memref_slice %arg7[%dma_wait3A_701] : memref<10240xf32, #tpu.memory_space<vmem_shared>> -> memref<10240xf32, #tpu.memory_space<vmem_shared>>
    tpu.wait_indirect_dma semaphore(%arg8 : memref<!tpu.dma_semaphore, #tpu.memory_space<semaphore_mem>>) src(%arg5 : memref<128xf32, #tpu.memory_space<vmem>>) dst(%dma_wait3A_702 : memref<10240xf32, #tpu.memory_space<vmem_shared>>)
    %dma_wait3A_703 = arith.constant 18 : i32
    %dma_wait3A_704 = arith.constant 0 : i32
    %dma_wait3A_705 = tpu.memref_slice %arg4[%dma_wait3A_703, %dma_wait3A_704] : memref<80x128xi32, #tpu.memory_space<vmem>> -> memref<1x128xi32, #tpu.memory_space<vmem>>
    %dma_wait3A_706 = tpu.memref_squeeze %dma_wait3A_705 : memref<1x128xi32, #tpu.memory_space<vmem>> -> memref<128xi32, #tpu.memory_space<vmem>>
    %dma_wait3A_707 = arith.constant 0 : i32
    %dma_wait3A_708 = tpu.memref_slice %arg7[%dma_wait3A_707] : memref<10240xf32, #tpu.memory_space<vmem_shared>> -> memref<10240xf32, #tpu.memory_space<vmem_shared>>
    tpu.wait_indirect_dma semaphore(%arg8 : memref<!tpu.dma_semaphore, #tpu.memory_space<semaphore_mem>>) src(%arg5 : memref<128xf32, #tpu.memory_space<vmem>>) dst(%dma_wait3A_708 : memref<10240xf32, #tpu.memory_space<vmem_shared>>)
    %dma_wait3A_709 = arith.constant 19 : i32
    %dma_wait3A_710 = arith.constant 0 : i32
    %dma_wait3A_711 = tpu.memref_slice %arg4[%dma_wait3A_709, %dma_wait3A_710] : memref<80x128xi32, #tpu.memory_space<vmem>> -> memref<1x128xi32, #tpu.memory_space<vmem>>
    %dma_wait3A_712 = tpu.memref_squeeze %dma_wait3A_711 : memref<1x128xi32, #tpu.memory_space<vmem>> -> memref<128xi32, #tpu.memory_space<vmem>>
    %dma_wait3A_713 = arith.constant 0 : i32
    %dma_wait3A_714 = tpu.memref_slice %arg7[%dma_wait3A_713] : memref<10240xf32, #tpu.memory_space<vmem_shared>> -> memref<10240xf32, #tpu.memory_space<vmem_shared>>
    tpu.wait_indirect_dma semaphore(%arg8 : memref<!tpu.dma_semaphore, #tpu.memory_space<semaphore_mem>>) src(%arg5 : memref<128xf32, #tpu.memory_space<vmem>>) dst(%dma_wait3A_714 : memref<10240xf32, #tpu.memory_space<vmem_shared>>)
    %dma_wait3A_715 = arith.constant 20 : i32
    %dma_wait3A_716 = arith.constant 0 : i32
    %dma_wait3A_717 = tpu.memref_slice %arg4[%dma_wait3A_715, %dma_wait3A_716] : memref<80x128xi32, #tpu.memory_space<vmem>> -> memref<1x128xi32, #tpu.memory_space<vmem>>
    %dma_wait3A_718 = tpu.memref_squeeze %dma_wait3A_717 : memref<1x128xi32, #tpu.memory_space<vmem>> -> memref<128xi32, #tpu.memory_space<vmem>>
    %dma_wait3A_719 = arith.constant 0 : i32
    %dma_wait3A_720 = tpu.memref_slice %arg7[%dma_wait3A_719] : memref<10240xf32, #tpu.memory_space<vmem_shared>> -> memref<10240xf32, #tpu.memory_space<vmem_shared>>
    tpu.wait_indirect_dma semaphore(%arg8 : memref<!tpu.dma_semaphore, #tpu.memory_space<semaphore_mem>>) src(%arg5 : memref<128xf32, #tpu.memory_space<vmem>>) dst(%dma_wait3A_720 : memref<10240xf32, #tpu.memory_space<vmem_shared>>)
    %dma_wait3A_721 = arith.constant 21 : i32
    %dma_wait3A_722 = arith.constant 0 : i32
    %dma_wait3A_723 = tpu.memref_slice %arg4[%dma_wait3A_721, %dma_wait3A_722] : memref<80x128xi32, #tpu.memory_space<vmem>> -> memref<1x128xi32, #tpu.memory_space<vmem>>
    %dma_wait3A_724 = tpu.memref_squeeze %dma_wait3A_723 : memref<1x128xi32, #tpu.memory_space<vmem>> -> memref<128xi32, #tpu.memory_space<vmem>>
    %dma_wait3A_725 = arith.constant 0 : i32
    %dma_wait3A_726 = tpu.memref_slice %arg7[%dma_wait3A_725] : memref<10240xf32, #tpu.memory_space<vmem_shared>> -> memref<10240xf32, #tpu.memory_space<vmem_shared>>
    tpu.wait_indirect_dma semaphore(%arg8 : memref<!tpu.dma_semaphore, #tpu.memory_space<semaphore_mem>>) src(%arg5 : memref<128xf32, #tpu.memory_space<vmem>>) dst(%dma_wait3A_726 : memref<10240xf32, #tpu.memory_space<vmem_shared>>)
    %dma_wait3A_727 = arith.constant 22 : i32
    %dma_wait3A_728 = arith.constant 0 : i32
    %dma_wait3A_729 = tpu.memref_slice %arg4[%dma_wait3A_727, %dma_wait3A_728] : memref<80x128xi32, #tpu.memory_space<vmem>> -> memref<1x128xi32, #tpu.memory_space<vmem>>
    %dma_wait3A_730 = tpu.memref_squeeze %dma_wait3A_729 : memref<1x128xi32, #tpu.memory_space<vmem>> -> memref<128xi32, #tpu.memory_space<vmem>>
    %dma_wait3A_731 = arith.constant 0 : i32
    %dma_wait3A_732 = tpu.memref_slice %arg7[%dma_wait3A_731] : memref<10240xf32, #tpu.memory_space<vmem_shared>> -> memref<10240xf32, #tpu.memory_space<vmem_shared>>
    tpu.wait_indirect_dma semaphore(%arg8 : memref<!tpu.dma_semaphore, #tpu.memory_space<semaphore_mem>>) src(%arg5 : memref<128xf32, #tpu.memory_space<vmem>>) dst(%dma_wait3A_732 : memref<10240xf32, #tpu.memory_space<vmem_shared>>)
    %dma_wait3A_733 = arith.constant 23 : i32
    %dma_wait3A_734 = arith.constant 0 : i32
    %dma_wait3A_735 = tpu.memref_slice %arg4[%dma_wait3A_733, %dma_wait3A_734] : memref<80x128xi32, #tpu.memory_space<vmem>> -> memref<1x128xi32, #tpu.memory_space<vmem>>
    %dma_wait3A_736 = tpu.memref_squeeze %dma_wait3A_735 : memref<1x128xi32, #tpu.memory_space<vmem>> -> memref<128xi32, #tpu.memory_space<vmem>>
    %dma_wait3A_737 = arith.constant 0 : i32
    %dma_wait3A_738 = tpu.memref_slice %arg7[%dma_wait3A_737] : memref<10240xf32, #tpu.memory_space<vmem_shared>> -> memref<10240xf32, #tpu.memory_space<vmem_shared>>
    tpu.wait_indirect_dma semaphore(%arg8 : memref<!tpu.dma_semaphore, #tpu.memory_space<semaphore_mem>>) src(%arg5 : memref<128xf32, #tpu.memory_space<vmem>>) dst(%dma_wait3A_738 : memref<10240xf32, #tpu.memory_space<vmem_shared>>)
    %dma_wait3A_739 = arith.constant 24 : i32
    %dma_wait3A_740 = arith.constant 0 : i32
    %dma_wait3A_741 = tpu.memref_slice %arg4[%dma_wait3A_739, %dma_wait3A_740] : memref<80x128xi32, #tpu.memory_space<vmem>> -> memref<1x128xi32, #tpu.memory_space<vmem>>
    %dma_wait3A_742 = tpu.memref_squeeze %dma_wait3A_741 : memref<1x128xi32, #tpu.memory_space<vmem>> -> memref<128xi32, #tpu.memory_space<vmem>>
    %dma_wait3A_743 = arith.constant 0 : i32
    %dma_wait3A_744 = tpu.memref_slice %arg7[%dma_wait3A_743] : memref<10240xf32, #tpu.memory_space<vmem_shared>> -> memref<10240xf32, #tpu.memory_space<vmem_shared>>
    tpu.wait_indirect_dma semaphore(%arg8 : memref<!tpu.dma_semaphore, #tpu.memory_space<semaphore_mem>>) src(%arg5 : memref<128xf32, #tpu.memory_space<vmem>>) dst(%dma_wait3A_744 : memref<10240xf32, #tpu.memory_space<vmem_shared>>)
    %dma_wait3A_745 = arith.constant 25 : i32
    %dma_wait3A_746 = arith.constant 0 : i32
    %dma_wait3A_747 = tpu.memref_slice %arg4[%dma_wait3A_745, %dma_wait3A_746] : memref<80x128xi32, #tpu.memory_space<vmem>> -> memref<1x128xi32, #tpu.memory_space<vmem>>
    %dma_wait3A_748 = tpu.memref_squeeze %dma_wait3A_747 : memref<1x128xi32, #tpu.memory_space<vmem>> -> memref<128xi32, #tpu.memory_space<vmem>>
    %dma_wait3A_749 = arith.constant 0 : i32
    %dma_wait3A_750 = tpu.memref_slice %arg7[%dma_wait3A_749] : memref<10240xf32, #tpu.memory_space<vmem_shared>> -> memref<10240xf32, #tpu.memory_space<vmem_shared>>
    tpu.wait_indirect_dma semaphore(%arg8 : memref<!tpu.dma_semaphore, #tpu.memory_space<semaphore_mem>>) src(%arg5 : memref<128xf32, #tpu.memory_space<vmem>>) dst(%dma_wait3A_750 : memref<10240xf32, #tpu.memory_space<vmem_shared>>)
    %dma_wait3A_751 = arith.constant 26 : i32
    %dma_wait3A_752 = arith.constant 0 : i32
    %dma_wait3A_753 = tpu.memref_slice %arg4[%dma_wait3A_751, %dma_wait3A_752] : memref<80x128xi32, #tpu.memory_space<vmem>> -> memref<1x128xi32, #tpu.memory_space<vmem>>
    %dma_wait3A_754 = tpu.memref_squeeze %dma_wait3A_753 : memref<1x128xi32, #tpu.memory_space<vmem>> -> memref<128xi32, #tpu.memory_space<vmem>>
    %dma_wait3A_755 = arith.constant 0 : i32
    %dma_wait3A_756 = tpu.memref_slice %arg7[%dma_wait3A_755] : memref<10240xf32, #tpu.memory_space<vmem_shared>> -> memref<10240xf32, #tpu.memory_space<vmem_shared>>
    tpu.wait_indirect_dma semaphore(%arg8 : memref<!tpu.dma_semaphore, #tpu.memory_space<semaphore_mem>>) src(%arg5 : memref<128xf32, #tpu.memory_space<vmem>>) dst(%dma_wait3A_756 : memref<10240xf32, #tpu.memory_space<vmem_shared>>)
    %dma_wait3A_757 = arith.constant 27 : i32
    %dma_wait3A_758 = arith.constant 0 : i32
    %dma_wait3A_759 = tpu.memref_slice %arg4[%dma_wait3A_757, %dma_wait3A_758] : memref<80x128xi32, #tpu.memory_space<vmem>> -> memref<1x128xi32, #tpu.memory_space<vmem>>
    %dma_wait3A_760 = tpu.memref_squeeze %dma_wait3A_759 : memref<1x128xi32, #tpu.memory_space<vmem>> -> memref<128xi32, #tpu.memory_space<vmem>>
    %dma_wait3A_761 = arith.constant 0 : i32
    %dma_wait3A_762 = tpu.memref_slice %arg7[%dma_wait3A_761] : memref<10240xf32, #tpu.memory_space<vmem_shared>> -> memref<10240xf32, #tpu.memory_space<vmem_shared>>
    tpu.wait_indirect_dma semaphore(%arg8 : memref<!tpu.dma_semaphore, #tpu.memory_space<semaphore_mem>>) src(%arg5 : memref<128xf32, #tpu.memory_space<vmem>>) dst(%dma_wait3A_762 : memref<10240xf32, #tpu.memory_space<vmem_shared>>)
    %dma_wait3A_763 = arith.constant 28 : i32
    %dma_wait3A_764 = arith.constant 0 : i32
    %dma_wait3A_765 = tpu.memref_slice %arg4[%dma_wait3A_763, %dma_wait3A_764] : memref<80x128xi32, #tpu.memory_space<vmem>> -> memref<1x128xi32, #tpu.memory_space<vmem>>
    %dma_wait3A_766 = tpu.memref_squeeze %dma_wait3A_765 : memref<1x128xi32, #tpu.memory_space<vmem>> -> memref<128xi32, #tpu.memory_space<vmem>>
    %dma_wait3A_767 = arith.constant 0 : i32
    %dma_wait3A_768 = tpu.memref_slice %arg7[%dma_wait3A_767] : memref<10240xf32, #tpu.memory_space<vmem_shared>> -> memref<10240xf32, #tpu.memory_space<vmem_shared>>
    tpu.wait_indirect_dma semaphore(%arg8 : memref<!tpu.dma_semaphore, #tpu.memory_space<semaphore_mem>>) src(%arg5 : memref<128xf32, #tpu.memory_space<vmem>>) dst(%dma_wait3A_768 : memref<10240xf32, #tpu.memory_space<vmem_shared>>)
    %dma_wait3A_769 = arith.constant 29 : i32
    %dma_wait3A_770 = arith.constant 0 : i32
    %dma_wait3A_771 = tpu.memref_slice %arg4[%dma_wait3A_769, %dma_wait3A_770] : memref<80x128xi32, #tpu.memory_space<vmem>> -> memref<1x128xi32, #tpu.memory_space<vmem>>
    %dma_wait3A_772 = tpu.memref_squeeze %dma_wait3A_771 : memref<1x128xi32, #tpu.memory_space<vmem>> -> memref<128xi32, #tpu.memory_space<vmem>>
    %dma_wait3A_773 = arith.constant 0 : i32
    %dma_wait3A_774 = tpu.memref_slice %arg7[%dma_wait3A_773] : memref<10240xf32, #tpu.memory_space<vmem_shared>> -> memref<10240xf32, #tpu.memory_space<vmem_shared>>
    tpu.wait_indirect_dma semaphore(%arg8 : memref<!tpu.dma_semaphore, #tpu.memory_space<semaphore_mem>>) src(%arg5 : memref<128xf32, #tpu.memory_space<vmem>>) dst(%dma_wait3A_774 : memref<10240xf32, #tpu.memory_space<vmem_shared>>)
    %dma_wait3A_775 = arith.constant 30 : i32
    %dma_wait3A_776 = arith.constant 0 : i32
    %dma_wait3A_777 = tpu.memref_slice %arg4[%dma_wait3A_775, %dma_wait3A_776] : memref<80x128xi32, #tpu.memory_space<vmem>> -> memref<1x128xi32, #tpu.memory_space<vmem>>
    %dma_wait3A_778 = tpu.memref_squeeze %dma_wait3A_777 : memref<1x128xi32, #tpu.memory_space<vmem>> -> memref<128xi32, #tpu.memory_space<vmem>>
    %dma_wait3A_779 = arith.constant 0 : i32
    %dma_wait3A_780 = tpu.memref_slice %arg7[%dma_wait3A_779] : memref<10240xf32, #tpu.memory_space<vmem_shared>> -> memref<10240xf32, #tpu.memory_space<vmem_shared>>
    tpu.wait_indirect_dma semaphore(%arg8 : memref<!tpu.dma_semaphore, #tpu.memory_space<semaphore_mem>>) src(%arg5 : memref<128xf32, #tpu.memory_space<vmem>>) dst(%dma_wait3A_780 : memref<10240xf32, #tpu.memory_space<vmem_shared>>)
    %dma_wait3A_781 = arith.constant 31 : i32
    %dma_wait3A_782 = arith.constant 0 : i32
    %dma_wait3A_783 = tpu.memref_slice %arg4[%dma_wait3A_781, %dma_wait3A_782] : memref<80x128xi32, #tpu.memory_space<vmem>> -> memref<1x128xi32, #tpu.memory_space<vmem>>
    %dma_wait3A_784 = tpu.memref_squeeze %dma_wait3A_783 : memref<1x128xi32, #tpu.memory_space<vmem>> -> memref<128xi32, #tpu.memory_space<vmem>>
    %dma_wait3A_785 = arith.constant 0 : i32
    %dma_wait3A_786 = tpu.memref_slice %arg7[%dma_wait3A_785] : memref<10240xf32, #tpu.memory_space<vmem_shared>> -> memref<10240xf32, #tpu.memory_space<vmem_shared>>
    tpu.wait_indirect_dma semaphore(%arg8 : memref<!tpu.dma_semaphore, #tpu.memory_space<semaphore_mem>>) src(%arg5 : memref<128xf32, #tpu.memory_space<vmem>>) dst(%dma_wait3A_786 : memref<10240xf32, #tpu.memory_space<vmem_shared>>)
    %dma_wait3A_787 = arith.constant 32 : i32
    %dma_wait3A_788 = arith.constant 0 : i32
    %dma_wait3A_789 = tpu.memref_slice %arg4[%dma_wait3A_787, %dma_wait3A_788] : memref<80x128xi32, #tpu.memory_space<vmem>> -> memref<1x128xi32, #tpu.memory_space<vmem>>
    %dma_wait3A_790 = tpu.memref_squeeze %dma_wait3A_789 : memref<1x128xi32, #tpu.memory_space<vmem>> -> memref<128xi32, #tpu.memory_space<vmem>>
    %dma_wait3A_791 = arith.constant 0 : i32
    %dma_wait3A_792 = tpu.memref_slice %arg7[%dma_wait3A_791] : memref<10240xf32, #tpu.memory_space<vmem_shared>> -> memref<10240xf32, #tpu.memory_space<vmem_shared>>
    tpu.wait_indirect_dma semaphore(%arg8 : memref<!tpu.dma_semaphore, #tpu.memory_space<semaphore_mem>>) src(%arg5 : memref<128xf32, #tpu.memory_space<vmem>>) dst(%dma_wait3A_792 : memref<10240xf32, #tpu.memory_space<vmem_shared>>)
    %dma_wait3A_793 = arith.constant 33 : i32
    %dma_wait3A_794 = arith.constant 0 : i32
    %dma_wait3A_795 = tpu.memref_slice %arg4[%dma_wait3A_793, %dma_wait3A_794] : memref<80x128xi32, #tpu.memory_space<vmem>> -> memref<1x128xi32, #tpu.memory_space<vmem>>
    %dma_wait3A_796 = tpu.memref_squeeze %dma_wait3A_795 : memref<1x128xi32, #tpu.memory_space<vmem>> -> memref<128xi32, #tpu.memory_space<vmem>>
    %dma_wait3A_797 = arith.constant 0 : i32
    %dma_wait3A_798 = tpu.memref_slice %arg7[%dma_wait3A_797] : memref<10240xf32, #tpu.memory_space<vmem_shared>> -> memref<10240xf32, #tpu.memory_space<vmem_shared>>
    tpu.wait_indirect_dma semaphore(%arg8 : memref<!tpu.dma_semaphore, #tpu.memory_space<semaphore_mem>>) src(%arg5 : memref<128xf32, #tpu.memory_space<vmem>>) dst(%dma_wait3A_798 : memref<10240xf32, #tpu.memory_space<vmem_shared>>)
    %dma_wait3A_799 = arith.constant 34 : i32
    %dma_wait3A_800 = arith.constant 0 : i32
    %dma_wait3A_801 = tpu.memref_slice %arg4[%dma_wait3A_799, %dma_wait3A_800] : memref<80x128xi32, #tpu.memory_space<vmem>> -> memref<1x128xi32, #tpu.memory_space<vmem>>
    %dma_wait3A_802 = tpu.memref_squeeze %dma_wait3A_801 : memref<1x128xi32, #tpu.memory_space<vmem>> -> memref<128xi32, #tpu.memory_space<vmem>>
    %dma_wait3A_803 = arith.constant 0 : i32
    %dma_wait3A_804 = tpu.memref_slice %arg7[%dma_wait3A_803] : memref<10240xf32, #tpu.memory_space<vmem_shared>> -> memref<10240xf32, #tpu.memory_space<vmem_shared>>
    tpu.wait_indirect_dma semaphore(%arg8 : memref<!tpu.dma_semaphore, #tpu.memory_space<semaphore_mem>>) src(%arg5 : memref<128xf32, #tpu.memory_space<vmem>>) dst(%dma_wait3A_804 : memref<10240xf32, #tpu.memory_space<vmem_shared>>)
    %dma_wait3A_805 = arith.constant 35 : i32
    %dma_wait3A_806 = arith.constant 0 : i32
    %dma_wait3A_807 = tpu.memref_slice %arg4[%dma_wait3A_805, %dma_wait3A_806] : memref<80x128xi32, #tpu.memory_space<vmem>> -> memref<1x128xi32, #tpu.memory_space<vmem>>
    %dma_wait3A_808 = tpu.memref_squeeze %dma_wait3A_807 : memref<1x128xi32, #tpu.memory_space<vmem>> -> memref<128xi32, #tpu.memory_space<vmem>>
    %dma_wait3A_809 = arith.constant 0 : i32
    %dma_wait3A_810 = tpu.memref_slice %arg7[%dma_wait3A_809] : memref<10240xf32, #tpu.memory_space<vmem_shared>> -> memref<10240xf32, #tpu.memory_space<vmem_shared>>
    tpu.wait_indirect_dma semaphore(%arg8 : memref<!tpu.dma_semaphore, #tpu.memory_space<semaphore_mem>>) src(%arg5 : memref<128xf32, #tpu.memory_space<vmem>>) dst(%dma_wait3A_810 : memref<10240xf32, #tpu.memory_space<vmem_shared>>)
    %dma_wait3A_811 = arith.constant 36 : i32
    %dma_wait3A_812 = arith.constant 0 : i32
    %dma_wait3A_813 = tpu.memref_slice %arg4[%dma_wait3A_811, %dma_wait3A_812] : memref<80x128xi32, #tpu.memory_space<vmem>> -> memref<1x128xi32, #tpu.memory_space<vmem>>
    %dma_wait3A_814 = tpu.memref_squeeze %dma_wait3A_813 : memref<1x128xi32, #tpu.memory_space<vmem>> -> memref<128xi32, #tpu.memory_space<vmem>>
    %dma_wait3A_815 = arith.constant 0 : i32
    %dma_wait3A_816 = tpu.memref_slice %arg7[%dma_wait3A_815] : memref<10240xf32, #tpu.memory_space<vmem_shared>> -> memref<10240xf32, #tpu.memory_space<vmem_shared>>
    tpu.wait_indirect_dma semaphore(%arg8 : memref<!tpu.dma_semaphore, #tpu.memory_space<semaphore_mem>>) src(%arg5 : memref<128xf32, #tpu.memory_space<vmem>>) dst(%dma_wait3A_816 : memref<10240xf32, #tpu.memory_space<vmem_shared>>)
    %dma_wait3A_817 = arith.constant 37 : i32
    %dma_wait3A_818 = arith.constant 0 : i32
    %dma_wait3A_819 = tpu.memref_slice %arg4[%dma_wait3A_817, %dma_wait3A_818] : memref<80x128xi32, #tpu.memory_space<vmem>> -> memref<1x128xi32, #tpu.memory_space<vmem>>
    %dma_wait3A_820 = tpu.memref_squeeze %dma_wait3A_819 : memref<1x128xi32, #tpu.memory_space<vmem>> -> memref<128xi32, #tpu.memory_space<vmem>>
    %dma_wait3A_821 = arith.constant 0 : i32
    %dma_wait3A_822 = tpu.memref_slice %arg7[%dma_wait3A_821] : memref<10240xf32, #tpu.memory_space<vmem_shared>> -> memref<10240xf32, #tpu.memory_space<vmem_shared>>
    tpu.wait_indirect_dma semaphore(%arg8 : memref<!tpu.dma_semaphore, #tpu.memory_space<semaphore_mem>>) src(%arg5 : memref<128xf32, #tpu.memory_space<vmem>>) dst(%dma_wait3A_822 : memref<10240xf32, #tpu.memory_space<vmem_shared>>)
    %dma_wait3A_823 = arith.constant 38 : i32
    %dma_wait3A_824 = arith.constant 0 : i32
    %dma_wait3A_825 = tpu.memref_slice %arg4[%dma_wait3A_823, %dma_wait3A_824] : memref<80x128xi32, #tpu.memory_space<vmem>> -> memref<1x128xi32, #tpu.memory_space<vmem>>
    %dma_wait3A_826 = tpu.memref_squeeze %dma_wait3A_825 : memref<1x128xi32, #tpu.memory_space<vmem>> -> memref<128xi32, #tpu.memory_space<vmem>>
    %dma_wait3A_827 = arith.constant 0 : i32
    %dma_wait3A_828 = tpu.memref_slice %arg7[%dma_wait3A_827] : memref<10240xf32, #tpu.memory_space<vmem_shared>> -> memref<10240xf32, #tpu.memory_space<vmem_shared>>
    tpu.wait_indirect_dma semaphore(%arg8 : memref<!tpu.dma_semaphore, #tpu.memory_space<semaphore_mem>>) src(%arg5 : memref<128xf32, #tpu.memory_space<vmem>>) dst(%dma_wait3A_828 : memref<10240xf32, #tpu.memory_space<vmem_shared>>)
    %dma_wait3A_829 = arith.constant 39 : i32
    %dma_wait3A_830 = arith.constant 0 : i32
    %dma_wait3A_831 = tpu.memref_slice %arg4[%dma_wait3A_829, %dma_wait3A_830] : memref<80x128xi32, #tpu.memory_space<vmem>> -> memref<1x128xi32, #tpu.memory_space<vmem>>
    %dma_wait3A_832 = tpu.memref_squeeze %dma_wait3A_831 : memref<1x128xi32, #tpu.memory_space<vmem>> -> memref<128xi32, #tpu.memory_space<vmem>>
    %dma_wait3A_833 = arith.constant 0 : i32
    %dma_wait3A_834 = tpu.memref_slice %arg7[%dma_wait3A_833] : memref<10240xf32, #tpu.memory_space<vmem_shared>> -> memref<10240xf32, #tpu.memory_space<vmem_shared>>
    tpu.wait_indirect_dma semaphore(%arg8 : memref<!tpu.dma_semaphore, #tpu.memory_space<semaphore_mem>>) src(%arg5 : memref<128xf32, #tpu.memory_space<vmem>>) dst(%dma_wait3A_834 : memref<10240xf32, #tpu.memory_space<vmem_shared>>)
    %dma_wait3A_835 = arith.constant 40 : i32
    %dma_wait3A_836 = arith.constant 0 : i32
    %dma_wait3A_837 = tpu.memref_slice %arg4[%dma_wait3A_835, %dma_wait3A_836] : memref<80x128xi32, #tpu.memory_space<vmem>> -> memref<1x128xi32, #tpu.memory_space<vmem>>
    %dma_wait3A_838 = tpu.memref_squeeze %dma_wait3A_837 : memref<1x128xi32, #tpu.memory_space<vmem>> -> memref<128xi32, #tpu.memory_space<vmem>>
    %dma_wait3A_839 = arith.constant 0 : i32
    %dma_wait3A_840 = tpu.memref_slice %arg7[%dma_wait3A_839] : memref<10240xf32, #tpu.memory_space<vmem_shared>> -> memref<10240xf32, #tpu.memory_space<vmem_shared>>
    tpu.wait_indirect_dma semaphore(%arg8 : memref<!tpu.dma_semaphore, #tpu.memory_space<semaphore_mem>>) src(%arg5 : memref<128xf32, #tpu.memory_space<vmem>>) dst(%dma_wait3A_840 : memref<10240xf32, #tpu.memory_space<vmem_shared>>)
    %dma_wait3A_841 = arith.constant 41 : i32
    %dma_wait3A_842 = arith.constant 0 : i32
    %dma_wait3A_843 = tpu.memref_slice %arg4[%dma_wait3A_841, %dma_wait3A_842] : memref<80x128xi32, #tpu.memory_space<vmem>> -> memref<1x128xi32, #tpu.memory_space<vmem>>
    %dma_wait3A_844 = tpu.memref_squeeze %dma_wait3A_843 : memref<1x128xi32, #tpu.memory_space<vmem>> -> memref<128xi32, #tpu.memory_space<vmem>>
    %dma_wait3A_845 = arith.constant 0 : i32
    %dma_wait3A_846 = tpu.memref_slice %arg7[%dma_wait3A_845] : memref<10240xf32, #tpu.memory_space<vmem_shared>> -> memref<10240xf32, #tpu.memory_space<vmem_shared>>
    tpu.wait_indirect_dma semaphore(%arg8 : memref<!tpu.dma_semaphore, #tpu.memory_space<semaphore_mem>>) src(%arg5 : memref<128xf32, #tpu.memory_space<vmem>>) dst(%dma_wait3A_846 : memref<10240xf32, #tpu.memory_space<vmem_shared>>)
    %dma_wait3A_847 = arith.constant 42 : i32
    %dma_wait3A_848 = arith.constant 0 : i32
    %dma_wait3A_849 = tpu.memref_slice %arg4[%dma_wait3A_847, %dma_wait3A_848] : memref<80x128xi32, #tpu.memory_space<vmem>> -> memref<1x128xi32, #tpu.memory_space<vmem>>
    %dma_wait3A_850 = tpu.memref_squeeze %dma_wait3A_849 : memref<1x128xi32, #tpu.memory_space<vmem>> -> memref<128xi32, #tpu.memory_space<vmem>>
    %dma_wait3A_851 = arith.constant 0 : i32
    %dma_wait3A_852 = tpu.memref_slice %arg7[%dma_wait3A_851] : memref<10240xf32, #tpu.memory_space<vmem_shared>> -> memref<10240xf32, #tpu.memory_space<vmem_shared>>
    tpu.wait_indirect_dma semaphore(%arg8 : memref<!tpu.dma_semaphore, #tpu.memory_space<semaphore_mem>>) src(%arg5 : memref<128xf32, #tpu.memory_space<vmem>>) dst(%dma_wait3A_852 : memref<10240xf32, #tpu.memory_space<vmem_shared>>)
    %dma_wait3A_853 = arith.constant 43 : i32
    %dma_wait3A_854 = arith.constant 0 : i32
    %dma_wait3A_855 = tpu.memref_slice %arg4[%dma_wait3A_853, %dma_wait3A_854] : memref<80x128xi32, #tpu.memory_space<vmem>> -> memref<1x128xi32, #tpu.memory_space<vmem>>
    %dma_wait3A_856 = tpu.memref_squeeze %dma_wait3A_855 : memref<1x128xi32, #tpu.memory_space<vmem>> -> memref<128xi32, #tpu.memory_space<vmem>>
    %dma_wait3A_857 = arith.constant 0 : i32
    %dma_wait3A_858 = tpu.memref_slice %arg7[%dma_wait3A_857] : memref<10240xf32, #tpu.memory_space<vmem_shared>> -> memref<10240xf32, #tpu.memory_space<vmem_shared>>
    tpu.wait_indirect_dma semaphore(%arg8 : memref<!tpu.dma_semaphore, #tpu.memory_space<semaphore_mem>>) src(%arg5 : memref<128xf32, #tpu.memory_space<vmem>>) dst(%dma_wait3A_858 : memref<10240xf32, #tpu.memory_space<vmem_shared>>)
    %dma_wait3A_859 = arith.constant 44 : i32
    %dma_wait3A_860 = arith.constant 0 : i32
    %dma_wait3A_861 = tpu.memref_slice %arg4[%dma_wait3A_859, %dma_wait3A_860] : memref<80x128xi32, #tpu.memory_space<vmem>> -> memref<1x128xi32, #tpu.memory_space<vmem>>
    %dma_wait3A_862 = tpu.memref_squeeze %dma_wait3A_861 : memref<1x128xi32, #tpu.memory_space<vmem>> -> memref<128xi32, #tpu.memory_space<vmem>>
    %dma_wait3A_863 = arith.constant 0 : i32
    %dma_wait3A_864 = tpu.memref_slice %arg7[%dma_wait3A_863] : memref<10240xf32, #tpu.memory_space<vmem_shared>> -> memref<10240xf32, #tpu.memory_space<vmem_shared>>
    tpu.wait_indirect_dma semaphore(%arg8 : memref<!tpu.dma_semaphore, #tpu.memory_space<semaphore_mem>>) src(%arg5 : memref<128xf32, #tpu.memory_space<vmem>>) dst(%dma_wait3A_864 : memref<10240xf32, #tpu.memory_space<vmem_shared>>)
    %dma_wait3A_865 = arith.constant 45 : i32
    %dma_wait3A_866 = arith.constant 0 : i32
    %dma_wait3A_867 = tpu.memref_slice %arg4[%dma_wait3A_865, %dma_wait3A_866] : memref<80x128xi32, #tpu.memory_space<vmem>> -> memref<1x128xi32, #tpu.memory_space<vmem>>
    %dma_wait3A_868 = tpu.memref_squeeze %dma_wait3A_867 : memref<1x128xi32, #tpu.memory_space<vmem>> -> memref<128xi32, #tpu.memory_space<vmem>>
    %dma_wait3A_869 = arith.constant 0 : i32
    %dma_wait3A_870 = tpu.memref_slice %arg7[%dma_wait3A_869] : memref<10240xf32, #tpu.memory_space<vmem_shared>> -> memref<10240xf32, #tpu.memory_space<vmem_shared>>
    tpu.wait_indirect_dma semaphore(%arg8 : memref<!tpu.dma_semaphore, #tpu.memory_space<semaphore_mem>>) src(%arg5 : memref<128xf32, #tpu.memory_space<vmem>>) dst(%dma_wait3A_870 : memref<10240xf32, #tpu.memory_space<vmem_shared>>)
    %dma_wait3A_871 = arith.constant 46 : i32
    %dma_wait3A_872 = arith.constant 0 : i32
    %dma_wait3A_873 = tpu.memref_slice %arg4[%dma_wait3A_871, %dma_wait3A_872] : memref<80x128xi32, #tpu.memory_space<vmem>> -> memref<1x128xi32, #tpu.memory_space<vmem>>
    %dma_wait3A_874 = tpu.memref_squeeze %dma_wait3A_873 : memref<1x128xi32, #tpu.memory_space<vmem>> -> memref<128xi32, #tpu.memory_space<vmem>>
    %dma_wait3A_875 = arith.constant 0 : i32
    %dma_wait3A_876 = tpu.memref_slice %arg7[%dma_wait3A_875] : memref<10240xf32, #tpu.memory_space<vmem_shared>> -> memref<10240xf32, #tpu.memory_space<vmem_shared>>
    tpu.wait_indirect_dma semaphore(%arg8 : memref<!tpu.dma_semaphore, #tpu.memory_space<semaphore_mem>>) src(%arg5 : memref<128xf32, #tpu.memory_space<vmem>>) dst(%dma_wait3A_876 : memref<10240xf32, #tpu.memory_space<vmem_shared>>)
    %dma_wait3A_877 = arith.constant 47 : i32
    %dma_wait3A_878 = arith.constant 0 : i32
    %dma_wait3A_879 = tpu.memref_slice %arg4[%dma_wait3A_877, %dma_wait3A_878] : memref<80x128xi32, #tpu.memory_space<vmem>> -> memref<1x128xi32, #tpu.memory_space<vmem>>
    %dma_wait3A_880 = tpu.memref_squeeze %dma_wait3A_879 : memref<1x128xi32, #tpu.memory_space<vmem>> -> memref<128xi32, #tpu.memory_space<vmem>>
    %dma_wait3A_881 = arith.constant 0 : i32
    %dma_wait3A_882 = tpu.memref_slice %arg7[%dma_wait3A_881] : memref<10240xf32, #tpu.memory_space<vmem_shared>> -> memref<10240xf32, #tpu.memory_space<vmem_shared>>
    tpu.wait_indirect_dma semaphore(%arg8 : memref<!tpu.dma_semaphore, #tpu.memory_space<semaphore_mem>>) src(%arg5 : memref<128xf32, #tpu.memory_space<vmem>>) dst(%dma_wait3A_882 : memref<10240xf32, #tpu.memory_space<vmem_shared>>)
    %dma_wait3A_883 = arith.constant 48 : i32
    %dma_wait3A_884 = arith.constant 0 : i32
    %dma_wait3A_885 = tpu.memref_slice %arg4[%dma_wait3A_883, %dma_wait3A_884] : memref<80x128xi32, #tpu.memory_space<vmem>> -> memref<1x128xi32, #tpu.memory_space<vmem>>
    %dma_wait3A_886 = tpu.memref_squeeze %dma_wait3A_885 : memref<1x128xi32, #tpu.memory_space<vmem>> -> memref<128xi32, #tpu.memory_space<vmem>>
    %dma_wait3A_887 = arith.constant 0 : i32
    %dma_wait3A_888 = tpu.memref_slice %arg7[%dma_wait3A_887] : memref<10240xf32, #tpu.memory_space<vmem_shared>> -> memref<10240xf32, #tpu.memory_space<vmem_shared>>
    tpu.wait_indirect_dma semaphore(%arg8 : memref<!tpu.dma_semaphore, #tpu.memory_space<semaphore_mem>>) src(%arg5 : memref<128xf32, #tpu.memory_space<vmem>>) dst(%dma_wait3A_888 : memref<10240xf32, #tpu.memory_space<vmem_shared>>)
    %dma_wait3A_889 = arith.constant 49 : i32
    %dma_wait3A_890 = arith.constant 0 : i32
    %dma_wait3A_891 = tpu.memref_slice %arg4[%dma_wait3A_889, %dma_wait3A_890] : memref<80x128xi32, #tpu.memory_space<vmem>> -> memref<1x128xi32, #tpu.memory_space<vmem>>
    %dma_wait3A_892 = tpu.memref_squeeze %dma_wait3A_891 : memref<1x128xi32, #tpu.memory_space<vmem>> -> memref<128xi32, #tpu.memory_space<vmem>>
    %dma_wait3A_893 = arith.constant 0 : i32
    %dma_wait3A_894 = tpu.memref_slice %arg7[%dma_wait3A_893] : memref<10240xf32, #tpu.memory_space<vmem_shared>> -> memref<10240xf32, #tpu.memory_space<vmem_shared>>
    tpu.wait_indirect_dma semaphore(%arg8 : memref<!tpu.dma_semaphore, #tpu.memory_space<semaphore_mem>>) src(%arg5 : memref<128xf32, #tpu.memory_space<vmem>>) dst(%dma_wait3A_894 : memref<10240xf32, #tpu.memory_space<vmem_shared>>)
    %dma_wait3A_895 = arith.constant 50 : i32
    %dma_wait3A_896 = arith.constant 0 : i32
    %dma_wait3A_897 = tpu.memref_slice %arg4[%dma_wait3A_895, %dma_wait3A_896] : memref<80x128xi32, #tpu.memory_space<vmem>> -> memref<1x128xi32, #tpu.memory_space<vmem>>
    %dma_wait3A_898 = tpu.memref_squeeze %dma_wait3A_897 : memref<1x128xi32, #tpu.memory_space<vmem>> -> memref<128xi32, #tpu.memory_space<vmem>>
    %dma_wait3A_899 = arith.constant 0 : i32
    %dma_wait3A_900 = tpu.memref_slice %arg7[%dma_wait3A_899] : memref<10240xf32, #tpu.memory_space<vmem_shared>> -> memref<10240xf32, #tpu.memory_space<vmem_shared>>
    tpu.wait_indirect_dma semaphore(%arg8 : memref<!tpu.dma_semaphore, #tpu.memory_space<semaphore_mem>>) src(%arg5 : memref<128xf32, #tpu.memory_space<vmem>>) dst(%dma_wait3A_900 : memref<10240xf32, #tpu.memory_space<vmem_shared>>)
    %dma_wait3A_901 = arith.constant 51 : i32
    %dma_wait3A_902 = arith.constant 0 : i32
    %dma_wait3A_903 = tpu.memref_slice %arg4[%dma_wait3A_901, %dma_wait3A_902] : memref<80x128xi32, #tpu.memory_space<vmem>> -> memref<1x128xi32, #tpu.memory_space<vmem>>
    %dma_wait3A_904 = tpu.memref_squeeze %dma_wait3A_903 : memref<1x128xi32, #tpu.memory_space<vmem>> -> memref<128xi32, #tpu.memory_space<vmem>>
    %dma_wait3A_905 = arith.constant 0 : i32
    %dma_wait3A_906 = tpu.memref_slice %arg7[%dma_wait3A_905] : memref<10240xf32, #tpu.memory_space<vmem_shared>> -> memref<10240xf32, #tpu.memory_space<vmem_shared>>
    tpu.wait_indirect_dma semaphore(%arg8 : memref<!tpu.dma_semaphore, #tpu.memory_space<semaphore_mem>>) src(%arg5 : memref<128xf32, #tpu.memory_space<vmem>>) dst(%dma_wait3A_906 : memref<10240xf32, #tpu.memory_space<vmem_shared>>)
    %dma_wait3A_907 = arith.constant 52 : i32
    %dma_wait3A_908 = arith.constant 0 : i32
    %dma_wait3A_909 = tpu.memref_slice %arg4[%dma_wait3A_907, %dma_wait3A_908] : memref<80x128xi32, #tpu.memory_space<vmem>> -> memref<1x128xi32, #tpu.memory_space<vmem>>
    %dma_wait3A_910 = tpu.memref_squeeze %dma_wait3A_909 : memref<1x128xi32, #tpu.memory_space<vmem>> -> memref<128xi32, #tpu.memory_space<vmem>>
    %dma_wait3A_911 = arith.constant 0 : i32
    %dma_wait3A_912 = tpu.memref_slice %arg7[%dma_wait3A_911] : memref<10240xf32, #tpu.memory_space<vmem_shared>> -> memref<10240xf32, #tpu.memory_space<vmem_shared>>
    tpu.wait_indirect_dma semaphore(%arg8 : memref<!tpu.dma_semaphore, #tpu.memory_space<semaphore_mem>>) src(%arg5 : memref<128xf32, #tpu.memory_space<vmem>>) dst(%dma_wait3A_912 : memref<10240xf32, #tpu.memory_space<vmem_shared>>)
    %dma_wait3A_913 = arith.constant 53 : i32
    %dma_wait3A_914 = arith.constant 0 : i32
    %dma_wait3A_915 = tpu.memref_slice %arg4[%dma_wait3A_913, %dma_wait3A_914] : memref<80x128xi32, #tpu.memory_space<vmem>> -> memref<1x128xi32, #tpu.memory_space<vmem>>
    %dma_wait3A_916 = tpu.memref_squeeze %dma_wait3A_915 : memref<1x128xi32, #tpu.memory_space<vmem>> -> memref<128xi32, #tpu.memory_space<vmem>>
    %dma_wait3A_917 = arith.constant 0 : i32
    %dma_wait3A_918 = tpu.memref_slice %arg7[%dma_wait3A_917] : memref<10240xf32, #tpu.memory_space<vmem_shared>> -> memref<10240xf32, #tpu.memory_space<vmem_shared>>
    tpu.wait_indirect_dma semaphore(%arg8 : memref<!tpu.dma_semaphore, #tpu.memory_space<semaphore_mem>>) src(%arg5 : memref<128xf32, #tpu.memory_space<vmem>>) dst(%dma_wait3A_918 : memref<10240xf32, #tpu.memory_space<vmem_shared>>)
    %dma_wait3A_919 = arith.constant 54 : i32
    %dma_wait3A_920 = arith.constant 0 : i32
    %dma_wait3A_921 = tpu.memref_slice %arg4[%dma_wait3A_919, %dma_wait3A_920] : memref<80x128xi32, #tpu.memory_space<vmem>> -> memref<1x128xi32, #tpu.memory_space<vmem>>
    %dma_wait3A_922 = tpu.memref_squeeze %dma_wait3A_921 : memref<1x128xi32, #tpu.memory_space<vmem>> -> memref<128xi32, #tpu.memory_space<vmem>>
    %dma_wait3A_923 = arith.constant 0 : i32
    %dma_wait3A_924 = tpu.memref_slice %arg7[%dma_wait3A_923] : memref<10240xf32, #tpu.memory_space<vmem_shared>> -> memref<10240xf32, #tpu.memory_space<vmem_shared>>
    tpu.wait_indirect_dma semaphore(%arg8 : memref<!tpu.dma_semaphore, #tpu.memory_space<semaphore_mem>>) src(%arg5 : memref<128xf32, #tpu.memory_space<vmem>>) dst(%dma_wait3A_924 : memref<10240xf32, #tpu.memory_space<vmem_shared>>)
    %dma_wait3A_925 = arith.constant 55 : i32
    %dma_wait3A_926 = arith.constant 0 : i32
    %dma_wait3A_927 = tpu.memref_slice %arg4[%dma_wait3A_925, %dma_wait3A_926] : memref<80x128xi32, #tpu.memory_space<vmem>> -> memref<1x128xi32, #tpu.memory_space<vmem>>
    %dma_wait3A_928 = tpu.memref_squeeze %dma_wait3A_927 : memref<1x128xi32, #tpu.memory_space<vmem>> -> memref<128xi32, #tpu.memory_space<vmem>>
    %dma_wait3A_929 = arith.constant 0 : i32
    %dma_wait3A_930 = tpu.memref_slice %arg7[%dma_wait3A_929] : memref<10240xf32, #tpu.memory_space<vmem_shared>> -> memref<10240xf32, #tpu.memory_space<vmem_shared>>
    tpu.wait_indirect_dma semaphore(%arg8 : memref<!tpu.dma_semaphore, #tpu.memory_space<semaphore_mem>>) src(%arg5 : memref<128xf32, #tpu.memory_space<vmem>>) dst(%dma_wait3A_930 : memref<10240xf32, #tpu.memory_space<vmem_shared>>)
    %dma_wait3A_931 = arith.constant 56 : i32
    %dma_wait3A_932 = arith.constant 0 : i32
    %dma_wait3A_933 = tpu.memref_slice %arg4[%dma_wait3A_931, %dma_wait3A_932] : memref<80x128xi32, #tpu.memory_space<vmem>> -> memref<1x128xi32, #tpu.memory_space<vmem>>
    %dma_wait3A_934 = tpu.memref_squeeze %dma_wait3A_933 : memref<1x128xi32, #tpu.memory_space<vmem>> -> memref<128xi32, #tpu.memory_space<vmem>>
    %dma_wait3A_935 = arith.constant 0 : i32
    %dma_wait3A_936 = tpu.memref_slice %arg7[%dma_wait3A_935] : memref<10240xf32, #tpu.memory_space<vmem_shared>> -> memref<10240xf32, #tpu.memory_space<vmem_shared>>
    tpu.wait_indirect_dma semaphore(%arg8 : memref<!tpu.dma_semaphore, #tpu.memory_space<semaphore_mem>>) src(%arg5 : memref<128xf32, #tpu.memory_space<vmem>>) dst(%dma_wait3A_936 : memref<10240xf32, #tpu.memory_space<vmem_shared>>)
    %dma_wait3A_937 = arith.constant 57 : i32
    %dma_wait3A_938 = arith.constant 0 : i32
    %dma_wait3A_939 = tpu.memref_slice %arg4[%dma_wait3A_937, %dma_wait3A_938] : memref<80x128xi32, #tpu.memory_space<vmem>> -> memref<1x128xi32, #tpu.memory_space<vmem>>
    %dma_wait3A_940 = tpu.memref_squeeze %dma_wait3A_939 : memref<1x128xi32, #tpu.memory_space<vmem>> -> memref<128xi32, #tpu.memory_space<vmem>>
    %dma_wait3A_941 = arith.constant 0 : i32
    %dma_wait3A_942 = tpu.memref_slice %arg7[%dma_wait3A_941] : memref<10240xf32, #tpu.memory_space<vmem_shared>> -> memref<10240xf32, #tpu.memory_space<vmem_shared>>
    tpu.wait_indirect_dma semaphore(%arg8 : memref<!tpu.dma_semaphore, #tpu.memory_space<semaphore_mem>>) src(%arg5 : memref<128xf32, #tpu.memory_space<vmem>>) dst(%dma_wait3A_942 : memref<10240xf32, #tpu.memory_space<vmem_shared>>)
    %dma_wait3A_943 = arith.constant 58 : i32
    %dma_wait3A_944 = arith.constant 0 : i32
    %dma_wait3A_945 = tpu.memref_slice %arg4[%dma_wait3A_943, %dma_wait3A_944] : memref<80x128xi32, #tpu.memory_space<vmem>> -> memref<1x128xi32, #tpu.memory_space<vmem>>
    %dma_wait3A_946 = tpu.memref_squeeze %dma_wait3A_945 : memref<1x128xi32, #tpu.memory_space<vmem>> -> memref<128xi32, #tpu.memory_space<vmem>>
    %dma_wait3A_947 = arith.constant 0 : i32
    %dma_wait3A_948 = tpu.memref_slice %arg7[%dma_wait3A_947] : memref<10240xf32, #tpu.memory_space<vmem_shared>> -> memref<10240xf32, #tpu.memory_space<vmem_shared>>
    tpu.wait_indirect_dma semaphore(%arg8 : memref<!tpu.dma_semaphore, #tpu.memory_space<semaphore_mem>>) src(%arg5 : memref<128xf32, #tpu.memory_space<vmem>>) dst(%dma_wait3A_948 : memref<10240xf32, #tpu.memory_space<vmem_shared>>)
    %dma_wait3A_949 = arith.constant 59 : i32
    %dma_wait3A_950 = arith.constant 0 : i32
    %dma_wait3A_951 = tpu.memref_slice %arg4[%dma_wait3A_949, %dma_wait3A_950] : memref<80x128xi32, #tpu.memory_space<vmem>> -> memref<1x128xi32, #tpu.memory_space<vmem>>
    %dma_wait3A_952 = tpu.memref_squeeze %dma_wait3A_951 : memref<1x128xi32, #tpu.memory_space<vmem>> -> memref<128xi32, #tpu.memory_space<vmem>>
    %dma_wait3A_953 = arith.constant 0 : i32
    %dma_wait3A_954 = tpu.memref_slice %arg7[%dma_wait3A_953] : memref<10240xf32, #tpu.memory_space<vmem_shared>> -> memref<10240xf32, #tpu.memory_space<vmem_shared>>
    tpu.wait_indirect_dma semaphore(%arg8 : memref<!tpu.dma_semaphore, #tpu.memory_space<semaphore_mem>>) src(%arg5 : memref<128xf32, #tpu.memory_space<vmem>>) dst(%dma_wait3A_954 : memref<10240xf32, #tpu.memory_space<vmem_shared>>)
    %dma_wait3A_955 = arith.constant 60 : i32
    %dma_wait3A_956 = arith.constant 0 : i32
    %dma_wait3A_957 = tpu.memref_slice %arg4[%dma_wait3A_955, %dma_wait3A_956] : memref<80x128xi32, #tpu.memory_space<vmem>> -> memref<1x128xi32, #tpu.memory_space<vmem>>
    %dma_wait3A_958 = tpu.memref_squeeze %dma_wait3A_957 : memref<1x128xi32, #tpu.memory_space<vmem>> -> memref<128xi32, #tpu.memory_space<vmem>>
    %dma_wait3A_959 = arith.constant 0 : i32
    %dma_wait3A_960 = tpu.memref_slice %arg7[%dma_wait3A_959] : memref<10240xf32, #tpu.memory_space<vmem_shared>> -> memref<10240xf32, #tpu.memory_space<vmem_shared>>
    tpu.wait_indirect_dma semaphore(%arg8 : memref<!tpu.dma_semaphore, #tpu.memory_space<semaphore_mem>>) src(%arg5 : memref<128xf32, #tpu.memory_space<vmem>>) dst(%dma_wait3A_960 : memref<10240xf32, #tpu.memory_space<vmem_shared>>)
    %dma_wait3A_961 = arith.constant 61 : i32
    %dma_wait3A_962 = arith.constant 0 : i32
    %dma_wait3A_963 = tpu.memref_slice %arg4[%dma_wait3A_961, %dma_wait3A_962] : memref<80x128xi32, #tpu.memory_space<vmem>> -> memref<1x128xi32, #tpu.memory_space<vmem>>
    %dma_wait3A_964 = tpu.memref_squeeze %dma_wait3A_963 : memref<1x128xi32, #tpu.memory_space<vmem>> -> memref<128xi32, #tpu.memory_space<vmem>>
    %dma_wait3A_965 = arith.constant 0 : i32
    %dma_wait3A_966 = tpu.memref_slice %arg7[%dma_wait3A_965] : memref<10240xf32, #tpu.memory_space<vmem_shared>> -> memref<10240xf32, #tpu.memory_space<vmem_shared>>
    tpu.wait_indirect_dma semaphore(%arg8 : memref<!tpu.dma_semaphore, #tpu.memory_space<semaphore_mem>>) src(%arg5 : memref<128xf32, #tpu.memory_space<vmem>>) dst(%dma_wait3A_966 : memref<10240xf32, #tpu.memory_space<vmem_shared>>)
    %dma_wait3A_967 = arith.constant 62 : i32
    %dma_wait3A_968 = arith.constant 0 : i32
    %dma_wait3A_969 = tpu.memref_slice %arg4[%dma_wait3A_967, %dma_wait3A_968] : memref<80x128xi32, #tpu.memory_space<vmem>> -> memref<1x128xi32, #tpu.memory_space<vmem>>
    %dma_wait3A_970 = tpu.memref_squeeze %dma_wait3A_969 : memref<1x128xi32, #tpu.memory_space<vmem>> -> memref<128xi32, #tpu.memory_space<vmem>>
    %dma_wait3A_971 = arith.constant 0 : i32
    %dma_wait3A_972 = tpu.memref_slice %arg7[%dma_wait3A_971] : memref<10240xf32, #tpu.memory_space<vmem_shared>> -> memref<10240xf32, #tpu.memory_space<vmem_shared>>
    tpu.wait_indirect_dma semaphore(%arg8 : memref<!tpu.dma_semaphore, #tpu.memory_space<semaphore_mem>>) src(%arg5 : memref<128xf32, #tpu.memory_space<vmem>>) dst(%dma_wait3A_972 : memref<10240xf32, #tpu.memory_space<vmem_shared>>)
    %dma_wait3A_973 = arith.constant 63 : i32
    %dma_wait3A_974 = arith.constant 0 : i32
    %dma_wait3A_975 = tpu.memref_slice %arg4[%dma_wait3A_973, %dma_wait3A_974] : memref<80x128xi32, #tpu.memory_space<vmem>> -> memref<1x128xi32, #tpu.memory_space<vmem>>
    %dma_wait3A_976 = tpu.memref_squeeze %dma_wait3A_975 : memref<1x128xi32, #tpu.memory_space<vmem>> -> memref<128xi32, #tpu.memory_space<vmem>>
    %dma_wait3A_977 = arith.constant 0 : i32
    %dma_wait3A_978 = tpu.memref_slice %arg7[%dma_wait3A_977] : memref<10240xf32, #tpu.memory_space<vmem_shared>> -> memref<10240xf32, #tpu.memory_space<vmem_shared>>
    tpu.wait_indirect_dma semaphore(%arg8 : memref<!tpu.dma_semaphore, #tpu.memory_space<semaphore_mem>>) src(%arg5 : memref<128xf32, #tpu.memory_space<vmem>>) dst(%dma_wait3A_978 : memref<10240xf32, #tpu.memory_space<vmem_shared>>)
    %dma_wait3A_979 = arith.constant 64 : i32
    %dma_wait3A_980 = arith.constant 0 : i32
    %dma_wait3A_981 = tpu.memref_slice %arg4[%dma_wait3A_979, %dma_wait3A_980] : memref<80x128xi32, #tpu.memory_space<vmem>> -> memref<1x128xi32, #tpu.memory_space<vmem>>
    %dma_wait3A_982 = tpu.memref_squeeze %dma_wait3A_981 : memref<1x128xi32, #tpu.memory_space<vmem>> -> memref<128xi32, #tpu.memory_space<vmem>>
    %dma_wait3A_983 = arith.constant 0 : i32
    %dma_wait3A_984 = tpu.memref_slice %arg7[%dma_wait3A_983] : memref<10240xf32, #tpu.memory_space<vmem_shared>> -> memref<10240xf32, #tpu.memory_space<vmem_shared>>
    tpu.wait_indirect_dma semaphore(%arg8 : memref<!tpu.dma_semaphore, #tpu.memory_space<semaphore_mem>>) src(%arg5 : memref<128xf32, #tpu.memory_space<vmem>>) dst(%dma_wait3A_984 : memref<10240xf32, #tpu.memory_space<vmem_shared>>)
    %dma_wait3A_985 = arith.constant 65 : i32
    %dma_wait3A_986 = arith.constant 0 : i32
    %dma_wait3A_987 = tpu.memref_slice %arg4[%dma_wait3A_985, %dma_wait3A_986] : memref<80x128xi32, #tpu.memory_space<vmem>> -> memref<1x128xi32, #tpu.memory_space<vmem>>
    %dma_wait3A_988 = tpu.memref_squeeze %dma_wait3A_987 : memref<1x128xi32, #tpu.memory_space<vmem>> -> memref<128xi32, #tpu.memory_space<vmem>>
    %dma_wait3A_989 = arith.constant 0 : i32
    %dma_wait3A_990 = tpu.memref_slice %arg7[%dma_wait3A_989] : memref<10240xf32, #tpu.memory_space<vmem_shared>> -> memref<10240xf32, #tpu.memory_space<vmem_shared>>
    tpu.wait_indirect_dma semaphore(%arg8 : memref<!tpu.dma_semaphore, #tpu.memory_space<semaphore_mem>>) src(%arg5 : memref<128xf32, #tpu.memory_space<vmem>>) dst(%dma_wait3A_990 : memref<10240xf32, #tpu.memory_space<vmem_shared>>)
    %dma_wait3A_991 = arith.constant 66 : i32
    %dma_wait3A_992 = arith.constant 0 : i32
    %dma_wait3A_993 = tpu.memref_slice %arg4[%dma_wait3A_991, %dma_wait3A_992] : memref<80x128xi32, #tpu.memory_space<vmem>> -> memref<1x128xi32, #tpu.memory_space<vmem>>
    %dma_wait3A_994 = tpu.memref_squeeze %dma_wait3A_993 : memref<1x128xi32, #tpu.memory_space<vmem>> -> memref<128xi32, #tpu.memory_space<vmem>>
    %dma_wait3A_995 = arith.constant 0 : i32
    %dma_wait3A_996 = tpu.memref_slice %arg7[%dma_wait3A_995] : memref<10240xf32, #tpu.memory_space<vmem_shared>> -> memref<10240xf32, #tpu.memory_space<vmem_shared>>
    tpu.wait_indirect_dma semaphore(%arg8 : memref<!tpu.dma_semaphore, #tpu.memory_space<semaphore_mem>>) src(%arg5 : memref<128xf32, #tpu.memory_space<vmem>>) dst(%dma_wait3A_996 : memref<10240xf32, #tpu.memory_space<vmem_shared>>)
    %dma_wait3A_997 = arith.constant 67 : i32
    %dma_wait3A_998 = arith.constant 0 : i32
    %dma_wait3A_999 = tpu.memref_slice %arg4[%dma_wait3A_997, %dma_wait3A_998] : memref<80x128xi32, #tpu.memory_space<vmem>> -> memref<1x128xi32, #tpu.memory_space<vmem>>
    %dma_wait3A_1000 = tpu.memref_squeeze %dma_wait3A_999 : memref<1x128xi32, #tpu.memory_space<vmem>> -> memref<128xi32, #tpu.memory_space<vmem>>
    %dma_wait3A_1001 = arith.constant 0 : i32
    %dma_wait3A_1002 = tpu.memref_slice %arg7[%dma_wait3A_1001] : memref<10240xf32, #tpu.memory_space<vmem_shared>> -> memref<10240xf32, #tpu.memory_space<vmem_shared>>
    tpu.wait_indirect_dma semaphore(%arg8 : memref<!tpu.dma_semaphore, #tpu.memory_space<semaphore_mem>>) src(%arg5 : memref<128xf32, #tpu.memory_space<vmem>>) dst(%dma_wait3A_1002 : memref<10240xf32, #tpu.memory_space<vmem_shared>>)
    %dma_wait3A_1003 = arith.constant 68 : i32
    %dma_wait3A_1004 = arith.constant 0 : i32
    %dma_wait3A_1005 = tpu.memref_slice %arg4[%dma_wait3A_1003, %dma_wait3A_1004] : memref<80x128xi32, #tpu.memory_space<vmem>> -> memref<1x128xi32, #tpu.memory_space<vmem>>
    %dma_wait3A_1006 = tpu.memref_squeeze %dma_wait3A_1005 : memref<1x128xi32, #tpu.memory_space<vmem>> -> memref<128xi32, #tpu.memory_space<vmem>>
    %dma_wait3A_1007 = arith.constant 0 : i32
    %dma_wait3A_1008 = tpu.memref_slice %arg7[%dma_wait3A_1007] : memref<10240xf32, #tpu.memory_space<vmem_shared>> -> memref<10240xf32, #tpu.memory_space<vmem_shared>>
    tpu.wait_indirect_dma semaphore(%arg8 : memref<!tpu.dma_semaphore, #tpu.memory_space<semaphore_mem>>) src(%arg5 : memref<128xf32, #tpu.memory_space<vmem>>) dst(%dma_wait3A_1008 : memref<10240xf32, #tpu.memory_space<vmem_shared>>)
    %dma_wait3A_1009 = arith.constant 69 : i32
    %dma_wait3A_1010 = arith.constant 0 : i32
    %dma_wait3A_1011 = tpu.memref_slice %arg4[%dma_wait3A_1009, %dma_wait3A_1010] : memref<80x128xi32, #tpu.memory_space<vmem>> -> memref<1x128xi32, #tpu.memory_space<vmem>>
    %dma_wait3A_1012 = tpu.memref_squeeze %dma_wait3A_1011 : memref<1x128xi32, #tpu.memory_space<vmem>> -> memref<128xi32, #tpu.memory_space<vmem>>
    %dma_wait3A_1013 = arith.constant 0 : i32
    %dma_wait3A_1014 = tpu.memref_slice %arg7[%dma_wait3A_1013] : memref<10240xf32, #tpu.memory_space<vmem_shared>> -> memref<10240xf32, #tpu.memory_space<vmem_shared>>
    tpu.wait_indirect_dma semaphore(%arg8 : memref<!tpu.dma_semaphore, #tpu.memory_space<semaphore_mem>>) src(%arg5 : memref<128xf32, #tpu.memory_space<vmem>>) dst(%dma_wait3A_1014 : memref<10240xf32, #tpu.memory_space<vmem_shared>>)
    %dma_wait3A_1015 = arith.constant 70 : i32
    %dma_wait3A_1016 = arith.constant 0 : i32
    %dma_wait3A_1017 = tpu.memref_slice %arg4[%dma_wait3A_1015, %dma_wait3A_1016] : memref<80x128xi32, #tpu.memory_space<vmem>> -> memref<1x128xi32, #tpu.memory_space<vmem>>
    %dma_wait3A_1018 = tpu.memref_squeeze %dma_wait3A_1017 : memref<1x128xi32, #tpu.memory_space<vmem>> -> memref<128xi32, #tpu.memory_space<vmem>>
    %dma_wait3A_1019 = arith.constant 0 : i32
    %dma_wait3A_1020 = tpu.memref_slice %arg7[%dma_wait3A_1019] : memref<10240xf32, #tpu.memory_space<vmem_shared>> -> memref<10240xf32, #tpu.memory_space<vmem_shared>>
    tpu.wait_indirect_dma semaphore(%arg8 : memref<!tpu.dma_semaphore, #tpu.memory_space<semaphore_mem>>) src(%arg5 : memref<128xf32, #tpu.memory_space<vmem>>) dst(%dma_wait3A_1020 : memref<10240xf32, #tpu.memory_space<vmem_shared>>)
    %dma_wait3A_1021 = arith.constant 71 : i32
    %dma_wait3A_1022 = arith.constant 0 : i32
    %dma_wait3A_1023 = tpu.memref_slice %arg4[%dma_wait3A_1021, %dma_wait3A_1022] : memref<80x128xi32, #tpu.memory_space<vmem>> -> memref<1x128xi32, #tpu.memory_space<vmem>>
    %dma_wait3A_1024 = tpu.memref_squeeze %dma_wait3A_1023 : memref<1x128xi32, #tpu.memory_space<vmem>> -> memref<128xi32, #tpu.memory_space<vmem>>
    %dma_wait3A_1025 = arith.constant 0 : i32
    %dma_wait3A_1026 = tpu.memref_slice %arg7[%dma_wait3A_1025] : memref<10240xf32, #tpu.memory_space<vmem_shared>> -> memref<10240xf32, #tpu.memory_space<vmem_shared>>
    tpu.wait_indirect_dma semaphore(%arg8 : memref<!tpu.dma_semaphore, #tpu.memory_space<semaphore_mem>>) src(%arg5 : memref<128xf32, #tpu.memory_space<vmem>>) dst(%dma_wait3A_1026 : memref<10240xf32, #tpu.memory_space<vmem_shared>>)
    %dma_wait3A_1027 = arith.constant 72 : i32
    %dma_wait3A_1028 = arith.constant 0 : i32
    %dma_wait3A_1029 = tpu.memref_slice %arg4[%dma_wait3A_1027, %dma_wait3A_1028] : memref<80x128xi32, #tpu.memory_space<vmem>> -> memref<1x128xi32, #tpu.memory_space<vmem>>
    %dma_wait3A_1030 = tpu.memref_squeeze %dma_wait3A_1029 : memref<1x128xi32, #tpu.memory_space<vmem>> -> memref<128xi32, #tpu.memory_space<vmem>>
    %dma_wait3A_1031 = arith.constant 0 : i32
    %dma_wait3A_1032 = tpu.memref_slice %arg7[%dma_wait3A_1031] : memref<10240xf32, #tpu.memory_space<vmem_shared>> -> memref<10240xf32, #tpu.memory_space<vmem_shared>>
    tpu.wait_indirect_dma semaphore(%arg8 : memref<!tpu.dma_semaphore, #tpu.memory_space<semaphore_mem>>) src(%arg5 : memref<128xf32, #tpu.memory_space<vmem>>) dst(%dma_wait3A_1032 : memref<10240xf32, #tpu.memory_space<vmem_shared>>)
    %dma_wait3A_1033 = arith.constant 73 : i32
    %dma_wait3A_1034 = arith.constant 0 : i32
    %dma_wait3A_1035 = tpu.memref_slice %arg4[%dma_wait3A_1033, %dma_wait3A_1034] : memref<80x128xi32, #tpu.memory_space<vmem>> -> memref<1x128xi32, #tpu.memory_space<vmem>>
    %dma_wait3A_1036 = tpu.memref_squeeze %dma_wait3A_1035 : memref<1x128xi32, #tpu.memory_space<vmem>> -> memref<128xi32, #tpu.memory_space<vmem>>
    %dma_wait3A_1037 = arith.constant 0 : i32
    %dma_wait3A_1038 = tpu.memref_slice %arg7[%dma_wait3A_1037] : memref<10240xf32, #tpu.memory_space<vmem_shared>> -> memref<10240xf32, #tpu.memory_space<vmem_shared>>
    tpu.wait_indirect_dma semaphore(%arg8 : memref<!tpu.dma_semaphore, #tpu.memory_space<semaphore_mem>>) src(%arg5 : memref<128xf32, #tpu.memory_space<vmem>>) dst(%dma_wait3A_1038 : memref<10240xf32, #tpu.memory_space<vmem_shared>>)
    %dma_wait3A_1039 = arith.constant 74 : i32
    %dma_wait3A_1040 = arith.constant 0 : i32
    %dma_wait3A_1041 = tpu.memref_slice %arg4[%dma_wait3A_1039, %dma_wait3A_1040] : memref<80x128xi32, #tpu.memory_space<vmem>> -> memref<1x128xi32, #tpu.memory_space<vmem>>
    %dma_wait3A_1042 = tpu.memref_squeeze %dma_wait3A_1041 : memref<1x128xi32, #tpu.memory_space<vmem>> -> memref<128xi32, #tpu.memory_space<vmem>>
    %dma_wait3A_1043 = arith.constant 0 : i32
    %dma_wait3A_1044 = tpu.memref_slice %arg7[%dma_wait3A_1043] : memref<10240xf32, #tpu.memory_space<vmem_shared>> -> memref<10240xf32, #tpu.memory_space<vmem_shared>>
    tpu.wait_indirect_dma semaphore(%arg8 : memref<!tpu.dma_semaphore, #tpu.memory_space<semaphore_mem>>) src(%arg5 : memref<128xf32, #tpu.memory_space<vmem>>) dst(%dma_wait3A_1044 : memref<10240xf32, #tpu.memory_space<vmem_shared>>)
    %dma_wait3A_1045 = arith.constant 75 : i32
    %dma_wait3A_1046 = arith.constant 0 : i32
    %dma_wait3A_1047 = tpu.memref_slice %arg4[%dma_wait3A_1045, %dma_wait3A_1046] : memref<80x128xi32, #tpu.memory_space<vmem>> -> memref<1x128xi32, #tpu.memory_space<vmem>>
    %dma_wait3A_1048 = tpu.memref_squeeze %dma_wait3A_1047 : memref<1x128xi32, #tpu.memory_space<vmem>> -> memref<128xi32, #tpu.memory_space<vmem>>
    %dma_wait3A_1049 = arith.constant 0 : i32
    %dma_wait3A_1050 = tpu.memref_slice %arg7[%dma_wait3A_1049] : memref<10240xf32, #tpu.memory_space<vmem_shared>> -> memref<10240xf32, #tpu.memory_space<vmem_shared>>
    tpu.wait_indirect_dma semaphore(%arg8 : memref<!tpu.dma_semaphore, #tpu.memory_space<semaphore_mem>>) src(%arg5 : memref<128xf32, #tpu.memory_space<vmem>>) dst(%dma_wait3A_1050 : memref<10240xf32, #tpu.memory_space<vmem_shared>>)
    %dma_wait3A_1051 = arith.constant 76 : i32
    %dma_wait3A_1052 = arith.constant 0 : i32
    %dma_wait3A_1053 = tpu.memref_slice %arg4[%dma_wait3A_1051, %dma_wait3A_1052] : memref<80x128xi32, #tpu.memory_space<vmem>> -> memref<1x128xi32, #tpu.memory_space<vmem>>
    %dma_wait3A_1054 = tpu.memref_squeeze %dma_wait3A_1053 : memref<1x128xi32, #tpu.memory_space<vmem>> -> memref<128xi32, #tpu.memory_space<vmem>>
    %dma_wait3A_1055 = arith.constant 0 : i32
    %dma_wait3A_1056 = tpu.memref_slice %arg7[%dma_wait3A_1055] : memref<10240xf32, #tpu.memory_space<vmem_shared>> -> memref<10240xf32, #tpu.memory_space<vmem_shared>>
    tpu.wait_indirect_dma semaphore(%arg8 : memref<!tpu.dma_semaphore, #tpu.memory_space<semaphore_mem>>) src(%arg5 : memref<128xf32, #tpu.memory_space<vmem>>) dst(%dma_wait3A_1056 : memref<10240xf32, #tpu.memory_space<vmem_shared>>)
    %dma_wait3A_1057 = arith.constant 77 : i32
    %dma_wait3A_1058 = arith.constant 0 : i32
    %dma_wait3A_1059 = tpu.memref_slice %arg4[%dma_wait3A_1057, %dma_wait3A_1058] : memref<80x128xi32, #tpu.memory_space<vmem>> -> memref<1x128xi32, #tpu.memory_space<vmem>>
    %dma_wait3A_1060 = tpu.memref_squeeze %dma_wait3A_1059 : memref<1x128xi32, #tpu.memory_space<vmem>> -> memref<128xi32, #tpu.memory_space<vmem>>
    %dma_wait3A_1061 = arith.constant 0 : i32
    %dma_wait3A_1062 = tpu.memref_slice %arg7[%dma_wait3A_1061] : memref<10240xf32, #tpu.memory_space<vmem_shared>> -> memref<10240xf32, #tpu.memory_space<vmem_shared>>
    tpu.wait_indirect_dma semaphore(%arg8 : memref<!tpu.dma_semaphore, #tpu.memory_space<semaphore_mem>>) src(%arg5 : memref<128xf32, #tpu.memory_space<vmem>>) dst(%dma_wait3A_1062 : memref<10240xf32, #tpu.memory_space<vmem_shared>>)
    %dma_wait3A_1063 = arith.constant 78 : i32
    %dma_wait3A_1064 = arith.constant 0 : i32
    %dma_wait3A_1065 = tpu.memref_slice %arg4[%dma_wait3A_1063, %dma_wait3A_1064] : memref<80x128xi32, #tpu.memory_space<vmem>> -> memref<1x128xi32, #tpu.memory_space<vmem>>
    %dma_wait3A_1066 = tpu.memref_squeeze %dma_wait3A_1065 : memref<1x128xi32, #tpu.memory_space<vmem>> -> memref<128xi32, #tpu.memory_space<vmem>>
    %dma_wait3A_1067 = arith.constant 0 : i32
    %dma_wait3A_1068 = tpu.memref_slice %arg7[%dma_wait3A_1067] : memref<10240xf32, #tpu.memory_space<vmem_shared>> -> memref<10240xf32, #tpu.memory_space<vmem_shared>>
    tpu.wait_indirect_dma semaphore(%arg8 : memref<!tpu.dma_semaphore, #tpu.memory_space<semaphore_mem>>) src(%arg5 : memref<128xf32, #tpu.memory_space<vmem>>) dst(%dma_wait3A_1068 : memref<10240xf32, #tpu.memory_space<vmem_shared>>)
    %dma_wait3A_1069 = arith.constant 79 : i32
    %dma_wait3A_1070 = arith.constant 0 : i32
    %dma_wait3A_1071 = tpu.memref_slice %arg4[%dma_wait3A_1069, %dma_wait3A_1070] : memref<80x128xi32, #tpu.memory_space<vmem>> -> memref<1x128xi32, #tpu.memory_space<vmem>>
    %dma_wait3A_1072 = tpu.memref_squeeze %dma_wait3A_1071 : memref<1x128xi32, #tpu.memory_space<vmem>> -> memref<128xi32, #tpu.memory_space<vmem>>
    %dma_wait3A_1073 = arith.constant 0 : i32
    %dma_wait3A_1074 = tpu.memref_slice %arg7[%dma_wait3A_1073] : memref<10240xf32, #tpu.memory_space<vmem_shared>> -> memref<10240xf32, #tpu.memory_space<vmem_shared>>
    tpu.wait_indirect_dma semaphore(%arg8 : memref<!tpu.dma_semaphore, #tpu.memory_space<semaphore_mem>>) src(%arg5 : memref<128xf32, #tpu.memory_space<vmem>>) dst(%dma_wait3A_1074 : memref<10240xf32, #tpu.memory_space<vmem_shared>>)
    %barrier3A_1075 = arith.constant 0 : index
    tpu.barrier barrier_id(%barrier3A_1075)
    %mul3A_1076 = arith.constant 640 : i32
    %mul3A_1077 = arith.muli %arg1, %mul3A_1076 : i32
    %mul3A_1078 = arith.constant 10240 : i32
    %mul3A_1079 = arith.muli %arg0, %mul3A_1078 : i32
    %mul3A_1080 = arith.constant 640 : i32
    %mul3A_1081 = arith.muli %arg1, %mul3A_1080 : i32
    %add3A_1082 = arith.addi %mul3A_1079, %mul3A_1081 : i32
    "tpu.region"() ({
      %run_scoped3A = tpu.sem_alloc : memref<!tpu.dma_semaphore, #tpu.memory_space<semaphore_mem>>
      %dma_start3A_1083 = tpu.memref_slice %arg3[%add3A_1082] : memref<20480xf32, #tpu.memory_space<hbm>> -> memref<640xf32, #tpu.memory_space<hbm>>
      %dma_start3A_1084 = tpu.memref_slice %arg7[%mul3A_1077] : memref<10240xf32, #tpu.memory_space<vmem_shared>> -> memref<640xf32, #tpu.memory_space<vmem_shared>>
      tpu.enqueue_dma source(%dma_start3A_1084 : memref<640xf32, #tpu.memory_space<vmem_shared>>) target(%dma_start3A_1083 : memref<640xf32, #tpu.memory_space<hbm>>) target_semaphore(%run_scoped3A : memref<!tpu.dma_semaphore, #tpu.memory_space<semaphore_mem>>)
      %dma_wait3A_1085 = tpu.memref_slice %arg3[%add3A_1082] : memref<20480xf32, #tpu.memory_space<hbm>> -> memref<640xf32, #tpu.memory_space<hbm>>
      %dma_wait3A_1086 = tpu.memref_slice %arg7[%mul3A_1077] : memref<10240xf32, #tpu.memory_space<vmem_shared>> -> memref<640xf32, #tpu.memory_space<vmem_shared>>
      tpu.wait_dma2 semaphore(%run_scoped3A : memref<!tpu.dma_semaphore, #tpu.memory_space<semaphore_mem>>) src(%dma_wait3A_1086 : memref<640xf32, #tpu.memory_space<vmem_shared>>) dst(%dma_wait3A_1085 : memref<640xf32, #tpu.memory_space<hbm>>)
      tpu.yield
    }) : () -> ()
    return
  }
}

module attributes {stable_mosaic.version = 14 : i64} {
  func.func @_bias_body(%arg0: i32, %arg1: memref<1x128xf32, #tpu.memory_space<vmem>>, %arg2: memref<1x10000x128xf32, #tpu.memory_space<vmem>>) attributes {dimension_semantics = [#tpu.dimension_semantics<arbitrary>], iteration_bounds = array<i64: 2>, scalar_prefetch = 0 : i64, scratch_operands = 0 : i64, tpu.core_type = #tpu.core_type<tc>, window_params = [{pipeline_mode = #tpu.pipeline_mode<synchronous>, transform_indices = @transform_0, window_bounds = array<i64: 1, 128>}, {transform_indices = @transform_1, window_bounds = array<i64: 1, 10000, 128>}]} {
    %get3A = arith.constant 0 : index
    %get3A_0 = arith.constant 0 : index
    %get3A_1 = vector.load %arg1[%get3A, %get3A_0] : memref<1x128xf32, #tpu.memory_space<vmem>>, vector<1x128xf32>
    %broadcast_in_dim3A = vector.shape_cast %get3A_1 : vector<1x128xf32> to vector<1x1x128xf32>
    %broadcast_in_dim3A_2 = vector.broadcast %broadcast_in_dim3A : vector<1x1x128xf32> to vector<1x10000x128xf32>
    %swap3A = arith.constant 0 : index
    %swap3A_3 = arith.constant 0 : index
    %swap3A_4 = arith.constant 0 : index
    %swap3A_5 = vector.load %arg2[%swap3A, %swap3A_3, %swap3A_4] : memref<1x10000x128xf32, #tpu.memory_space<vmem>>, vector<1x10000x128xf32>
    tpu.vector_store %arg2[%swap3A, %swap3A_3, %swap3A_4], %broadcast_in_dim3A_2 {strides = array<i32>} : memref<1x10000x128xf32, #tpu.memory_space<vmem>>, vector<1x10000x128xf32>,
    return
  }
  func.func @transform_0(%arg0: i32) -> (i32, i32) {
    %c0_i32 = arith.constant 0 : i32
    %c0_i32_0 = arith.constant 0 : i32
    %c0_i32_1 = arith.constant 0 : i32
    return %c0_i32, %c0_i32_0 : i32, i32
  }
  func.func @transform_1(%arg0: i32) -> (i32, i32, i32) {
    %c0_i32 = arith.constant 0 : i32
    %c0_i32_0 = arith.constant 0 : i32
    %c0_i32_1 = arith.constant 0 : i32
    return %arg0, %c0_i32, %c0_i32_0 : i32, i32, i32
  }
}

module attributes {stable_mosaic.version = 14 : i64} {
  func.func @_matmul_body(%arg0: i32, %arg1: memref<1x10000x128xf32, #tpu.memory_space<vmem>>, %arg2: memref<128x128xf32, #tpu.memory_space<vmem>>, %arg3: memref<1x128xf32, #tpu.memory_space<vmem>>, %arg4: memref<1x128xf32, #tpu.memory_space<vmem>>, %arg5: memref<10000x1xi32, #tpu.memory_space<vmem>>, %arg6: memref<4x10000x128xf32, #tpu.memory_space<hbm>>, %arg7: memref<1x10000x128xf32, #tpu.memory_space<vmem>>) attributes {dimension_semantics = [#tpu.dimension_semantics<arbitrary>], iteration_bounds = array<i64: 2>, scalar_prefetch = 0 : i64, scratch_operands = 0 : i64, tpu.core_type = #tpu.core_type<tc>, window_params = [{transform_indices = @transform_0, window_bounds = array<i64: 1, 10000, 128>}, {pipeline_mode = #tpu.pipeline_mode<synchronous>, transform_indices = @transform_1, window_bounds = array<i64: 128, 128>}, {pipeline_mode = #tpu.pipeline_mode<synchronous>, transform_indices = @transform_2, window_bounds = array<i64: 1, 128>}, {pipeline_mode = #tpu.pipeline_mode<synchronous>, transform_indices = @transform_3, window_bounds = array<i64: 1, 128>}, {pipeline_mode = #tpu.pipeline_mode<synchronous>, transform_indices = @transform_4, window_bounds = array<i64: 10000, 1>}, {}, {transform_indices = @transform_6, window_bounds = array<i64: 1, 10000, 128>}]} {
    %get3A = arith.constant 0 : index
    %get3A_0 = arith.constant 0 : index
    %get3A_1 = arith.constant 0 : index
    %get3A_2 = vector.load %arg1[%get3A, %get3A_0, %get3A_1] : memref<1x10000x128xf32, #tpu.memory_space<vmem>>, vector<1x10000x128xf32>
    %get3A_3 = vector.shape_cast %get3A_2 : vector<1x10000x128xf32> to vector<10000x128xf32>
    %get3A_4 = arith.constant 0 : index
    %get3A_5 = arith.constant 0 : index
    %get3A_6 = vector.load %arg2[%get3A_4, %get3A_5] : memref<128x128xf32, #tpu.memory_space<vmem>>, vector<128x128xf32>
    %dot_general3A = arith.constant dense<0.000000e+00> : vector<10000x128xf32>
    %dot_general3A_7 = tpu.matmul %get3A_3, %get3A_6, %dot_general3A {dimension_numbers = #tpu.dot_dimension_numbers<[1], [0], [0], [1], [0, 0, 1, 1], [], []>, transpose_lhs_hint = false} : vector<10000x128xf32>, vector<128x128xf32>, vector<10000x128xf32> -> vector<10000x128xf32>
    %get3A_8 = arith.constant 0 : index
    %get3A_9 = arith.constant 0 : index
    %get3A_10 = vector.load %arg3[%get3A_8, %get3A_9] : memref<1x128xf32, #tpu.memory_space<vmem>>, vector<1x128xf32>
    %get3A_11 = vector.shape_cast %get3A_10 : vector<1x128xf32> to vector<128xf32>
    %broadcast_in_dim3A = vector.shape_cast %get3A_11 : vector<128xf32> to vector<1x128xf32>
    %add3A = vector.broadcast %broadcast_in_dim3A : vector<1x128xf32> to vector<10000x128xf32>
    %add3A_12 = arith.addf %dot_general3A_7, %add3A : vector<10000x128xf32>
    %get3A_13 = arith.constant 0 : index
    %get3A_14 = arith.constant 0 : index
    %get3A_15 = vector.load %arg5[%get3A_13, %get3A_14] : memref<10000x1xi32, #tpu.memory_space<vmem>>, vector<10000x1xi32>
    %get3A_16 = arith.constant dense<0> : vector<10000x1xi32>
    %get3A_17 = arith.cmpi ne, %get3A_15, %get3A_16 : vector<10000x1xi32>
    %jit3A = arith.constant 0.000000e+00 : f32
    %broadcast_in_dim3A_18 = vector.shape_cast %get3A_17 : vector<10000x1xi1> to vector<10000x1xi1>
    %broadcast_in_dim3A_19 = vector.broadcast %broadcast_in_dim3A_18 : vector<10000x1xi1> to vector<10000x128xi1>
    %broadcast_in_dim3A_20 = vector.broadcast %jit3A : f32 to vector<10000x128xf32>
    %select_n3A = arith.select %broadcast_in_dim3A_19, %add3A_12, %broadcast_in_dim3A_20 : vector<10000x128xi1>, vector<10000x128xf32>
    %get3A_21 = arith.constant 0 : index
    %get3A_22 = arith.constant 0 : index
    %get3A_23 = vector.load %arg4[%get3A_21, %get3A_22] : memref<1x128xf32, #tpu.memory_space<vmem>>, vector<1x128xf32>
    %get3A_24 = vector.shape_cast %get3A_23 : vector<1x128xf32> to vector<128xf32>
    %broadcast_in_dim3A_25 = vector.shape_cast %get3A_24 : vector<128xf32> to vector<1x128xf32>
    %add3A_26 = vector.broadcast %broadcast_in_dim3A_25 : vector<1x128xf32> to vector<10000x128xf32>
    %add3A_27 = arith.addf %select_n3A, %add3A_26 : vector<10000x128xf32>
    %swap3A = arith.constant 0 : index
    %swap3A_28 = arith.constant 0 : index
    %swap3A_29 = arith.constant 0 : index
    %swap3A_30 = vector.load %arg7[%swap3A, %swap3A_28, %swap3A_29] : memref<1x10000x128xf32, #tpu.memory_space<vmem>>, vector<1x10000x128xf32>
    %swap3A_31 = vector.shape_cast %swap3A_30 : vector<1x10000x128xf32> to vector<10000x128xf32>
    %swap3A_32 = vector.shape_cast %add3A_27 : vector<10000x128xf32> to vector<1x10000x128xf32>
    tpu.vector_store %arg7[%swap3A, %swap3A_28, %swap3A_29], %swap3A_32 {strides = array<i32>} : memref<1x10000x128xf32, #tpu.memory_space<vmem>>, vector<1x10000x128xf32>,
    return
  }
  func.func @transform_0(%arg0: i32) -> (i32, i32, i32) {
    %c0_i32 = arith.constant 0 : i32
    %c0_i32_0 = arith.constant 0 : i32
    %c0_i32_1 = arith.constant 0 : i32
    return %arg0, %c0_i32, %c0_i32_0 : i32, i32, i32
  }
  func.func @transform_1(%arg0: i32) -> (i32, i32) {
    %c0_i32 = arith.constant 0 : i32
    %c0_i32_0 = arith.constant 0 : i32
    %c0_i32_1 = arith.constant 0 : i32
    return %c0_i32, %c0_i32_0 : i32, i32
  }
  func.func @transform_2(%arg0: i32) -> (i32, i32) {
    %c0_i32 = arith.constant 0 : i32
    %c0_i32_0 = arith.constant 0 : i32
    %c0_i32_1 = arith.constant 0 : i32
    return %c0_i32, %c0_i32_0 : i32, i32
  }
  func.func @transform_3(%arg0: i32) -> (i32, i32) {
    %c0_i32 = arith.constant 0 : i32
    %c0_i32_0 = arith.constant 0 : i32
    %c0_i32_1 = arith.constant 0 : i32
    return %c0_i32, %c0_i32_0 : i32, i32
  }
  func.func @transform_4(%arg0: i32) -> (i32, i32) {
    %c0_i32 = arith.constant 0 : i32
    %c0_i32_0 = arith.constant 0 : i32
    %c0_i32_1 = arith.constant 0 : i32
    return %c0_i32, %c0_i32_0 : i32, i32
  }
  func.func @transform_6(%arg0: i32) -> (i32, i32, i32) {
    %add3A = arith.constant 2 : i32
    %add3A_0 = arith.addi %arg0, %add3A : i32
    %c0_i32 = arith.constant 0 : i32
    %c0_i32_1 = arith.constant 0 : i32
    %c0_i32_2 = arith.constant 0 : i32
    return %add3A_0, %c0_i32, %c0_i32_1 : i32, i32, i32
  }
}

</mosaic_0001>

<sc_bundles>
// kernel: kernel.5.cloned.1.call-start
scs
__scs_entry_jumppad:
0x0: {  	(pc) =	sbr.rel $0x88, $3  }
0x1: {  	(tag) =	ssettag $0x0;
	lr =	simm.s32 $0x1  }
0x2: {  	[smem:$0x3F9C] =	sst lr;
	_ =	strace $0xD0000000  }
0x3: {  	_ = 	snop  }
0x4: {  	_ = 	snop  }
0x5: {  	_ = 	snop  }
0x6: {  	_ = 	snop  }
0x7: {  	_ = 	snop  }
__scs_overlays_trampoline_lowered:
0x8: {  	[smem:$0x3FAB] =	sst s0  }
0x9: {  	[smem:$0x3FAC] =	sst s1  }
0xa: {  	[smem:$0x3FAD] =	sst s2  }
0xb: {  	[smem:$0x3FAE] =	sst s3  }
0xc: {  	[smem:$0x3FAF] =	sst s4  }
0xd: {  	[smem:$0x3FB0] =	sst s5  }
0xe: {  	[smem:$0x3FB1] =	sst s6  }
0xf: {  	[smem:$0x3FB2] =	sst s7  }
0x10: {  	[smem:$0x3FB3] =	sst s8  }
0x11: {  	[smem:$0x3FB4] =	sst s9;
	s0 =	simm.s32 @!p0 $0x0  }
0x12: {  	s1 =	sld [smem:$0x3F9A];
	s0 =	simm.s32 @p0 $0x1  }
0x13: {  	[smem:$0x3FB5] =	sst s0;
	s0 =	simm.s32 @!p1 $0x0  }
0x14: {  	s2 =	sld [smem:$0x3F99];
	s0 =	simm.s32 @p1 $0x1  }
0x15: {  	[smem:$0x3FB6] =	sst s0;
	s0 =	simm.s32 @!p2 $0x0  }
0x16: {  	s3 =	sld [smem:$0x3FDB];
	s0 =	simm.s32 @p2 $0x1  }
0x17: {  	s4 =	simm.s32 $0x1BF5;
	[smem:$0x3FB8] =	sst s0  }
0x18: {  	s0 =	sld [smem:$0x3F9B];
	_ =	swait.ge [sflag:s4], $0x0  }
0x19: {  	s7 =	sld [smem:$0x3F9C]  }
0x1a: {  	s8 =	sadd.s32 $0xFFFFE003, lr  }
0x1b: {  	s9 =	sadd.s32 $0xFFFFFEF7, lr;
	s5 =	simm.s32 $0xFFFFFFFF;
	p2 =	slt.u32 s8, $0xFFFFF086  }
0x1c: {  	p1 =	slt.u32 s9, $0xF7A;
	s5 =	simm.s32 @!p2 $0x0  }
0x1d: {  	s5 =	simm.s32 @p1 $0x1;
	p0 =	seq.s32 s7, s2  }
0x1e: {  	s7 =	smul.u32 @!p0 $0xF7A, s2;
	p2 =	seq.s32 @!p0 s5, $0x0  }
0x1f: {  	s9 =	smul.u32 $0xF7A, s1;
	s8 =	simm.s32 @!p0 $0x1BF5;
	p2 =	por !p2, p0  }
0x20: {  	[sflag:s8] =	ssyncset.s32 @!p0 $0xFFFFF086;
	s6 =	sadd.s32 @!p0 s3, s7;
	s7 =	simm.s32 @!p0 $0x108  }
0x21: {  	s3 =	sadd.s32 s3, s9;
	s6 =	sadd.s32 @!p0 $0x88, s6;
	s7 =	simm.s32 @p2 $0x1082  }
0x22: {  	[simem:s7], [sflag:s8] =	dma.local @!p0 [hbm:s6], $0xF7A  }
0x23: {  	s9 =	sor.u32 $0xD0000000, s2;
	s6 =	simm.s32 $0x108;
	_ =	swait.ge @!p0 [sflag:s8], $0x0  }
0x24: {  	s3 =	sadd.s32 $0x88, s3;
	s6 =	simm.s32 @!p1 $0x1082;
	[sflag:s4] =	ssyncset.s32 $0xFFFFF086  }
0x25: {  	[simem:s6], [sflag:s4] =	dma.local [hbm:s3], $0xF7A  }
0x26: {  	[smem:$0x3F9C] =	sst s1;
	(tag) =	ssettag s2;
	_ =	strace s9  }
0x27: {  	s1 =	sld [smem:$0x3FAC]  }
0x28: {  	s2 =	sld [smem:$0x3FAD]  }
0x29: {  	s4 =	sld [smem:$0x3FAF]  }
0x2a: {  	p0 =	seq.s32 s5, $0x0;
	s5 =	sld [smem:$0x3FB0]  }
0x2b: {  	s6 =	sld [smem:$0x3FB1]  }
0x2c: {  	s7 =	sld [smem:$0x3FB2]  }
0x2d: {  	s3 =	simm.s32 $0x108;
	s8 =	sld [smem:$0x3FB3]  }
0x2e: {  	s3 =	simm.s32 @!p0 $0x1082;
	s9 =	sld [smem:$0x3FB4]  }
0x2f: {  	lr =	sadd.s32 s0, s3;
	s0 =	sld [smem:$0x3FAB]  }
0x30: {  	s3 =	sld [smem:$0x3FAE]  }
0x31: {  	[smem:$0x3FB7] =	sst s10  }
0x32: {  	s10 =	sld [smem:$0x3FB5];
	_ =	sdelay $0x3  }
0x33: {  	p0 =	seq.s32 s10, $0x1;
	s10 =	sld [smem:$0x3FB7];
	_ =	sdelay $0x3  }
0x34: {  	[smem:$0x3FB7] =	sst s10  }
0x35: {  	s10 =	sld [smem:$0x3FB6];
	_ =	sdelay $0x3  }
0x36: {  	p1 =	seq.s32 s10, $0x1;
	s10 =	sld [smem:$0x3FB7];
	_ =	sdelay $0x3  }
0x37: {  	[smem:$0x3FB7] =	sst s10  }
0x38: {  	s10 =	sld [smem:$0x3FB8]  }
0x39: {  	_ = 	snop;
	(pc) =	sbr.ind lr, $3  }
0x3a: {  	_ = 	snop  }
0x3b: {  	_ = 	snop  }
0x3c: {  	p2 =	seq.s32 s10, $0x1;
	s10 =	sld [smem:$0x3FB7]  }
0x3d: {  	_ =	shalt  }
0x3e: {  	_ =	shalt  }
0x3f: {  	_ =	shalt  }
0x40: {  	_ =	shalt  }
0x41: {  	_ =	shalt  }
0x42: {  	_ =	shalt  }
0x43: {  	_ =	shalt  }
0x44: {  	_ =	shalt  }
0x45: {  	_ =	shalt  }
0x46: {  	_ =	shalt  }
0x47: {  	_ =	shalt  }
0x48: {  	_ =	shalt  }
0x49: {  	_ =	shalt  }
0x4a: {  	_ =	shalt  }
0x4b: {  	_ =	shalt  }
0x4c: {  	_ =	shalt  }
0x4d: {  	_ =	shalt  }
0x4e: {  	_ =	shalt  }
0x4f: {  	_ =	shalt  }
0x50: {  	_ =	shalt  }
0x51: {  	_ =	shalt  }
0x52: {  	_ =	shalt  }
0x53: {  	_ =	shalt  }
0x54: {  	_ =	shalt  }
0x55: {  	_ =	shalt  }
0x56: {  	_ =	shalt  }
0x57: {  	_ =	shalt  }
0x58: {  	_ =	shalt  }
0x59: {  	_ =	shalt  }
0x5a: {  	_ =	shalt  }
0x5b: {  	_ =	shalt  }
0x5c: {  	_ =	shalt  }
0x5d: {  	_ =	shalt  }
0x5e: {  	_ =	shalt  }
0x5f: {  	_ =	shalt  }
0x60: {  	_ =	shalt  }
0x61: {  	_ =	shalt  }
0x62: {  	_ =	shalt  }
0x63: {  	_ =	shalt  }
0x64: {  	_ =	shalt  }
0x65: {  	_ =	shalt  }
0x66: {  	_ =	shalt  }
0x67: {  	_ =	shalt  }
0x68: {  	_ =	shalt  }
0x69: {  	_ =	shalt  }
0x6a: {  	_ =	shalt  }
0x6b: {  	_ =	shalt  }
0x6c: {  	_ =	shalt  }
0x6d: {  	_ =	shalt  }
0x6e: {  	_ =	shalt  }
0x6f: {  	_ =	shalt  }
0x70: {  	_ =	shalt  }
0x71: {  	_ =	shalt  }
0x72: {  	_ =	shalt  }
0x73: {  	_ =	shalt  }
0x74: {  	_ =	shalt  }
0x75: {  	_ =	shalt  }
0x76: {  	_ =	shalt  }
0x77: {  	_ =	shalt  }
0x78: {  	_ =	shalt  }
0x79: {  	_ =	shalt  }
0x7a: {  	_ =	shalt  }
0x7b: {  	_ =	shalt  }
0x7c: {  	_ =	shalt  }
0x7d: {  	_ =	shalt  }
0x7e: {  	_ =	shalt  }
0x7f: {  	_ =	shalt  }
0x80: {  	_ =	shalt  }
0x81: {  	_ =	shalt  }
0x82: {  	_ =	shalt  }
0x83: {  	_ =	shalt  }
0x84: {  	_ =	shalt  }
0x85: {  	_ =	shalt  }
0x86: {  	_ =	shalt  }
0x87: {  	_ =	shalt  }
.Lfunc_end0:
.L_simem_size_0:
called_computation_lowered:
.L_overlay_start_0:
0x88: {  	s2 =	sld [smem:$0x3FD9]  }
0x89: {  	s3 =	sld [smem:$0x3FFE];
	_ =	sdelay $0x1  }
0x8a: {  	s1 =	srdreg.scid  }
0x8b: {  	s0 =	sand.u32 $0x1, s1  }
0x8c: {  	s16 =	sshll.u32 s0, $0xA;
	s2 =	sadd.s32 s3, s2  }
0x8d: {  	s2 =	sadd.s32 s2, s16  }
0x8e: {  	[smem:$0x3FC3] =	sst s2  }
0x8f: {  	_ = 	snop  }
0x90: {  	(tm) =	ssettm $0x1  }
0x91: {  	s17 =	sld [smem:$0x3FFB];
	_ =	sdelay $0x3  }
0x92: {  	_ =	strace s17  }
0x93: {  	s2 =	sld [smem:$0x3FFC];
	_ =	sdelay $0x3  }
0x94: {  	_ =	strace s2  }
0x95: {  	s2 =	sld [smem:$0x3FFD];
	_ =	sdelay $0x3  }
0x96: {  	_ =	strace s2  }
0x97: {  	_ =	strace $0x8FFFFFFF  }
0x98: {  	s18 =	sld [smem:$0x3FDB];
	_ =	sdelay $0x1  }
0x99: {  	s19 =	simm.s32 $_scs_section_size  }
0x9a: {  	s4 =	simm.s32 $_size__tile_overlayer_lowered;
	s5 =	simm.s32 $_tile_overlayer_lowered  }
0x9b: {  	s22 =	simm.s32 $0x1BFF;
	s21 =	sshll.u32 s5, $0x1;
	s2 =	sadd.s32 s19, s18  }
0x9c: {  	s6 =	simm.s32 $0x0;
	s20 =	sshll.u32 s4, $0x1;
	s4 =	sadd.s32 s21, s2  }
0x9d: {  	[timem:s6], [sflag:s22] =	dma.local [hbm:s4], s20  }
0x9e: {  	_ =	swait.ge [sflag:s22], s20  }
0x9f: {  	s3 =	ssub.s32 $0x0, s20;
	[sflag:s22] =	ssyncset.done $0x0  }
0xa0: {  	[sflag:s22] =	ssyncadd.s32 s3;
	_ =	sdelay $0x1  }
0xa1: {  	s23 =	simm.s32 $0x1B8B  }
0xa2: {  	_ =	swait.ge [sflag:s23], $0x1  }
0xa3: {  	[sflag:s23] =	ssyncset.done $0x0  }
0xa4: {  	s25 =	simm.s32 $0x1B8E;
	s24 =	sld [smem:$0x3FFE];
	[sflag:s23] =	ssyncadd.s32 $0xFFFFFFFF  }
0xa5: {  	s26 =	simm.s32 $execute0_lowered;
	[smem:$0x3FD2] =	sst s25  }
0xa6: {  	s4 =	sshll.u32 s26, $0x1;
	_ =	strace $0x80000046;
	[dreg:$0x1] =	wrdreg $0xFFFFFFFF  }
0xa7: {  	s28 =	simm.s32 $_size_execute0_lowered;
	s2 =	sadd.s32 s2, s4;
	[dreg:$0x0] =	wrdreg $0x0  }
0xa8: {  	s4 =	sshll.u32 s28, $0x1;
	[dreg:$0x2] =	wrdreg s2  }
0xa9: {  	[dreg:$0x3] =	wrdreg s4  }
0xaa: {  	[dreg:$0x4] =	wrdreg $0xC0  }
0xab: {  	_ =	task [dreg:s6], $0x5FFFF  }
0xac: {  	[dreg:$0x1] =	wrdreg $0xFFFFFFFF  }
0xad: {  	[dreg:$0x0] =	wrdreg $0x60  }
0xae: {  	[dreg:$0x2] =	wrdreg s24  }
0xaf: {  	[dreg:$0x3] =	wrdreg $0x29000  }
0xb0: {  	[dreg:$0x4] =	wrdreg $0x9  }
0xb1: {  	_ =	task.clear_ibuf [dreg:s6], $0x5FFFF;
	_ =	strace $0x90000046  }
0xb2: {  	s29 =	simm.s32 $0x9;
	_ =	strace $0x80000048  }
0xb3: {  	_ =	swait.ge [sflag:s29], $0x1  }
0xb4: {  	[sflag:s29] =	ssyncadd.s32 $0xFFFFFFFF  }
0xb5: {  	_ =	strace $0x90000048  }
0xb6: {  	_ =	sfence  }
0xb7: {  	s30 =	sld [smem:$0x0];
	_ =	sdelay $0x2  }
0xb8: {  	s31 =	sshll.u32 s1, $0xD;
	s1 =	sshrl.u32 s1, $0x2  }
0xb9: {  	s3 =	sand.u32 $0x4000, s31;
	s1 =	sadd.s32 s1, s30  }
0xba: {  	s0 =	sor.u32 s3, s0;
	s1 =	sshll.u32 s1, $0x11  }
0xbb: {  	s0 =	sor.u32 s1, s0  }
0xbc: {  	s0 =	sadd.s32 $0x8F2B, s0  }
0xbd: {  	[sflag:s0] =	ssyncadd.remote.s32 $0x1  }
0xbe: {  	_ =	sfence.sel $0xFFFF  }
0xbf: {  	[dreg:$0x0] =	wrdreg $0xFFFFFFFF;
	(pc) =	sbr.abs _section_cstart, $3  }
0xc0: {  	[dreg:$0x1] =	wrdreg $0xFFFFFFFF  }
0xc1: {  	_ =	task.clear_ibuf [dreg:s6], $0x2FFFF;
	_ =	strace $0x9FFFFFFF  }
0xc2: {  	(tm) =	ssettm $0x7FFFFFFF  }
0xc3: {  	_ =	shalt  }
tec
execute0_lowered:
.L_overlay_start_1:
0x0: {  	(tag) =	ssettag $0x1  }
0x1: {  	s5 =	rddreg [dreg:$0x0]  }
0x2: {  	s2 =	rddreg [dreg:$0x1];
	s3 =	simm.s32 $0x0  }
0x3: {  	s25 =	simm.s32 $0x100;
	[smem:$0x7FF] =	sst s3  }
0x4: {  	s26 =	simm.s32 $0x180;
	_ =	strace $0x80000047;
	[dreg:$0x9] =	wrdreg s25  }
0x5: {  	s1 =	srdreg.scid;
	s31 =	simm.s32 $0x200;
	[dreg:$0xa] =	wrdreg s26  }
0x6: {  	s28 =	sand.u32 $0x1, s1;
	s1 =	simm.s32 $0x280;
	[dreg:$0xb] =	wrdreg s31  }
0x7: {  	s10 =	simm.s32 $0x500;
	[dreg:$0xc] =	wrdreg s1  }
0x8: {  	s11 =	simm.s32 $0x580;
	[dreg:$0x11] =	wrdreg s10  }
0x9: {  	s12 =	simm.s32 $0x600;
	[dreg:$0x12] =	wrdreg s11  }
0xa: {  	s13 =	simm.s32 $0x680;
	[dreg:$0x13] =	wrdreg s12  }
0xb: {  	s14 =	simm.s32 $0x700;
	[dreg:$0x14] =	wrdreg s13  }
0xc: {  	s15 =	simm.s32 $0x780;
	[dreg:$0x15] =	wrdreg s14  }
0xd: {  	s16 =	simm.s32 $0x800;
	[dreg:$0x16] =	wrdreg s15  }
0xe: {  	s17 =	simm.s32 $0x880;
	[dreg:$0x17] =	wrdreg s16  }
0xf: {  	s18 =	simm.s32 $0x900;
	[dreg:$0x18] =	wrdreg s17  }
0x10: {  	s19 =	simm.s32 $0x980;
	[dreg:$0x19] =	wrdreg s18  }
0x11: {  	s20 =	simm.s32 $0xA00;
	[dreg:$0x1a] =	wrdreg s19  }
0x12: {  	[dreg:$0x1b] =	wrdreg s20;
	s25 =	simm.s32 $0xC80  }
0x13: {  	s26 =	simm.s32 $0xD00;
	[smem:$0x7D8] =	sst s25  }
0x14: {  	s31 =	simm.s32 $0xD80;
	[smem:$0x7D9] =	sst s26  }
0x15: {  	s1 =	simm.s32 $0xE00;
	[smem:$0x7DA] =	sst s31  }
0x16: {  	s10 =	simm.s32 $0x1080;
	[smem:$0x7DB] =	sst s1  }
0x17: {  	s11 =	simm.s32 $0x1100;
	[smem:$0x7E0] =	sst s10  }
0x18: {  	s12 =	simm.s32 $0x1180;
	[smem:$0x7E1] =	sst s11  }
0x19: {  	s13 =	simm.s32 $0x1200;
	[smem:$0x7E2] =	sst s12  }
0x1a: {  	s14 =	simm.s32 $0x1280;
	[smem:$0x7E3] =	sst s13  }
0x1b: {  	s15 =	simm.s32 $0x1300;
	[smem:$0x7E4] =	sst s14  }
0x1c: {  	s16 =	simm.s32 $0x1380;
	[smem:$0x7E5] =	sst s15  }
0x1d: {  	s17 =	simm.s32 $0x1400;
	[smem:$0x7E6] =	sst s16  }
0x1e: {  	s18 =	simm.s32 $0x1480;
	[smem:$0x7E7] =	sst s17  }
0x1f: {  	s19 =	simm.s32 $0x1500;
	[smem:$0x7E8] =	sst s18  }
0x20: {  	s20 =	simm.s32 $0x1580;
	[smem:$0x7E9] =	sst s19  }
0x21: {  	[smem:$0x7EA] =	sst s20;
	s25 =	simm.s32 $0x1800  }
0x22: {  	s26 =	simm.s32 $0x1880;
	[smem:$0x7EF] =	sst s25  }
0x23: {  	s31 =	simm.s32 $0x1900;
	[smem:$0x7F0] =	sst s26  }
0x24: {  	s1 =	simm.s32 $0x1980;
	[smem:$0x7F1] =	sst s31  }
0x25: {  	s10 =	simm.s32 $0x1C00;
	[smem:$0x7F2] =	sst s1  }
0x26: {  	s0 =	stileid.u32;
	s11 =	simm.s32 $0x1C80;
	[smem:$0x7F7] =	sst s10  }
0x27: {  	s4 =	sshll.u32 s0, $0x1;
	s12 =	simm.s32 $0x1D00;
	[smem:$0x7F8] =	sst s11  }
0x28: {  	s6 =	smul.u32 $0x280, s0;
	s13 =	simm.s32 $0x1D80;
	[smem:$0x7F9] =	sst s12  }
0x29: {  	s4 =	sor.u32 s28, s4;
	s14 =	simm.s32 $0x1E00;
	[smem:$0x7FA] =	sst s13  }
0x2a: {  	s7 =	smul.u32 $0x500, s4;
	s15 =	simm.s32 $0x1E80;
	[smem:$0x7FB] =	sst s14  }
0x2b: {  	s4 =	sadd.s32 s6, s2;
	s16 =	simm.s32 $0x1F00;
	[smem:$0x7FC] =	sst s15  }
0x2c: {  	s9 =	sadd.s32 $0x80, s4;
	[smem:$0x7FD] =	sst s16  }
0x2d: {  	s21 =	sadd.s32 $0x100, s4;
	[dreg:$0x3] =	wrdreg s9  }
0x2e: {  	s8 =	smul.u32 $0x2800, s28;
	s22 =	sadd.s32 $0x180, s4;
	[dreg:$0x4] =	wrdreg s21  }
0x2f: {  	s23 =	sadd.s32 $0x200, s4;
	[dreg:$0x5] =	wrdreg s22  }
0x30: {  	s6 =	sadd.s32 s6, s8;
	s8 =	simm.s32 $0x400;
	[dreg:$0x6] =	wrdreg s23  }
0x31: {  	[dreg:$0xf] =	wrdreg s8;
	s9 =	simm.s32 $0x480  }
0x32: {  	s21 =	simm.s32 $0xA80;
	[dreg:$0x10] =	wrdreg s9  }
0x33: {  	s22 =	simm.s32 $0xB00;
	[dreg:$0x1c] =	wrdreg s21  }
0x34: {  	s23 =	simm.s32 $0xB80;
	[dreg:$0x1d] =	wrdreg s22  }
0x35: {  	s7 =	sadd.s32 s7, s5;
	s8 =	simm.s32 $0xF80;
	[dreg:$0x1e] =	wrdreg s23  }
0x36: {  	v0 =	vimm.f32 $1.000000000e+00;
	s6 =	sshrl.u32 s6, $0x3;
	s24 =	sadd.s32 $0xA00, s7;
	[smem:$0x7DE] =	sst s8  }
0x37: {  	v1 =	vimm.f32 $0.0e+00;
	[tilespmem:$0x2810] =	vst v0;
	s5 =	sadd.s32 s6, s5;
	s6 =	simm.s32 $0x300;
	[dreg:$0x7] =	wrdreg s24  }
0x38: {  	[tilespmem:$0x2890] =	vst v1;
	s7 =	simm.s32 $0x380;
	[dreg:$0xd] =	wrdreg s6  }
0x39: {  	[tilespmem:$0x2820] =	vst v0;
	s9 =	simm.s32 $0x1000;
	[dreg:$0xe] =	wrdreg s7  }
0x3a: {  	[tilespmem:$0x28A0] =	vst v1;
	s21 =	simm.s32 $0x1600;
	[smem:$0x7DF] =	sst s9  }
0x3b: {  	[tilespmem:$0x2830] =	vst v0;
	s22 =	simm.s32 $0x1680;
	[smem:$0x7EB] =	sst s21  }
0x3c: {  	[tilespmem:$0x28B0] =	vst v1;
	s23 =	simm.s32 $0x1700;
	[smem:$0x7EC] =	sst s22  }
0x3d: {  	[tilespmem:$0x2840] =	vst v0;
	s8 =	simm.s32 $0x1B00;
	[smem:$0x7ED] =	sst s23  }
0x3e: {  	[tilespmem:$0x2800] =	vst v0;
	s5 =	sadd.s32 $0xAA00, s5;
	[smem:$0x7F5] =	sst s8  }
0x3f: {  	[tilespmem:$0x28F0] =	vst v1;
	s24 =	simm.s32 $0xC00;
	[dreg:$0x8] =	wrdreg s5  }
0x40: {  	[tilespmem:$0x2870] =	vst v0;
	s6 =	simm.s32 $0xE80;
	[dreg:$0x1f] =	wrdreg s24  }
0x41: {  	[tilespmem:$0x28E0] =	vst v1;
	s7 =	simm.s32 $0xF00;
	[smem:$0x7DC] =	sst s6  }
0x42: {  	[tilespmem:$0x2860] =	vst v0;
	s9 =	simm.s32 $0x1B80;
	[smem:$0x7DD] =	sst s7  }
0x43: {  	[tilespmem:$0x28D0] =	vst v1;
	s24 =	simm.s32 $0x1780;
	[smem:$0x7F6] =	sst s9  }
0x44: {  	[tilespmem:$0x2850] =	vst v0;
	s6 =	simm.s32 $0x1A00;
	[smem:$0x7EE] =	sst s24  }
0x45: {  	[tilespmem:$0x28C0] =	vst v1;
	s7 =	simm.s32 $0x1A80;
	[smem:$0x7F3] =	sst s6  }
0x46: {  	[tilespmem:$0x2880] =	vst v1;
	s5 =	simm.s32 $0x2;
	[smem:$0x7F4] =	sst s7;
	s6 =	simm.s32 $0x2880  }
0x47: {  	[spmem:s4] =	stream.linear.scatter [tilespmem:s6], [sflag:$0x2], $0x80, $0x38;
	[tilespmem:$0x2B80] =	vst v63  }
0x48: {  	_ =	swait.ge [sflag:s5], $0x80  }
0x49: {  	[sflag:s5] =	ssyncset.done $0x0  }
0x4a: {  	s17 =	rddreg [dreg:$0x3];
	[sflag:s5] =	ssyncadd.s32 $0xFFFFFF80  }
0x4b: {  	[spmem:s17] =	stream.linear.scatter [tilespmem:s6], [sflag:$0x2], $0x80, $0x38;
	[tilespmem:$0x2B80] =	vst v63  }
0x4c: {  	_ =	swait.ge [sflag:s5], $0x80  }
0x4d: {  	[sflag:s5] =	ssyncset.done $0x0  }
0x4e: {  	s18 =	rddreg [dreg:$0x4];
	[sflag:s5] =	ssyncadd.s32 $0xFFFFFF80  }
0x4f: {  	[spmem:s18] =	stream.linear.scatter [tilespmem:s6], [sflag:$0x2], $0x80, $0x38;
	[tilespmem:$0x2B80] =	vst v63  }
0x50: {  	_ =	swait.ge [sflag:s5], $0x80  }
0x51: {  	[sflag:s5] =	ssyncset.done $0x0  }
0x52: {  	s19 =	rddreg [dreg:$0x5];
	[sflag:s5] =	ssyncadd.s32 $0xFFFFFF80  }
0x53: {  	[spmem:s19] =	stream.linear.scatter [tilespmem:s6], [sflag:$0x2], $0x80, $0x38;
	[tilespmem:$0x2B80] =	vst v63  }
0x54: {  	_ =	swait.ge [sflag:s5], $0x80  }
0x55: {  	[sflag:s5] =	ssyncset.done $0x0  }
0x56: {  	s20 =	rddreg [dreg:$0x6];
	[sflag:s5] =	ssyncadd.s32 $0xFFFFFF80  }
0x57: {  	[spmem:s20] =	stream.linear.scatter [tilespmem:s6], [sflag:$0x2], $0x80, $0x38;
	[tilespmem:$0x2B80] =	vst v63  }
0x58: {  	_ =	swait.ge [sflag:s5], $0x80  }
0x59: {  	[sflag:s5] =	ssyncset.done $0x0  }
0x5a: {  	[sflag:s5] =	ssyncadd.s32 $0xFFFFFF80  }
0x5b: {  	[bflag:$0x0] =	sbarrier.arrive $0xFFFF  }
0x5c: {  	s21 =	rddreg [dreg:$0x7]  }
0x5d: {  	[tilespmem:s3], [sflag:$0x2] =	stream.linear.gather [hbm4b:s21+s3], $0x2800, $0x38;
	[tilespmem:$0x2B80] =	vst v63  }
0x5e: {  	_ =	swait.ge [sflag:s5], $0x2800  }
0x5f: {  	[sflag:s5] =	ssyncset.done $0x0  }
0x60: {  	s8 =	simm.s32 $0x2800;
	s7 =	simm.s32 $0x80;
	[sflag:s5] =	ssyncadd.s32 $0xFFFFD800  }
0x61: {  	[spmem:s2] =	stream.indirect.scatter.add.f32 [tilespmem:s8], [sflag:$0x1], $0x1, s3, s7, $0xb8;
	[tilespmem:$0x2B80] =	vst v63  }
0x62: {  	s22 =	rddreg [dreg:$0x9]  }
0x63: {  	[spmem:s2] =	stream.indirect.scatter.add.f32 [tilespmem:s8], [sflag:$0x1], $0x1, s7, s7, $0xb8;
	[tilespmem:$0x2B80] =	vst v63  }
0x64: {  	s10 =	rddreg [dreg:$0xa]  }
0x65: {  	[spmem:s2] =	stream.indirect.scatter.add.f32 [tilespmem:s8], [sflag:$0x1], $0x1, s22, s7, $0xb8;
	[tilespmem:$0x2B80] =	vst v63  }
0x66: {  	s23 =	rddreg [dreg:$0xb]  }
0x67: {  	[spmem:s2] =	stream.indirect.scatter.add.f32 [tilespmem:s8], [sflag:$0x1], $0x1, s10, s7, $0xb8;
	[tilespmem:$0x2B80] =	vst v63  }
0x68: {  	s24 =	rddreg [dreg:$0xc]  }
0x69: {  	[spmem:s2] =	stream.indirect.scatter.add.f32 [tilespmem:s8], [sflag:$0x1], $0x1, s23, s7, $0xb8;
	[tilespmem:$0x2B80] =	vst v63  }
0x6a: {  	s25 =	rddreg [dreg:$0xd]  }
0x6b: {  	[spmem:s2] =	stream.indirect.scatter.add.f32 [tilespmem:s8], [sflag:$0x1], $0x1, s24, s7, $0xb8;
	[tilespmem:$0x2B80] =	vst v63  }
0x6c: {  	s26 =	rddreg [dreg:$0xe]  }
0x6d: {  	[spmem:s2] =	stream.indirect.scatter.add.f32 [tilespmem:s8], [sflag:$0x1], $0x1, s25, s7, $0xb8;
	[tilespmem:$0x2B80] =	vst v63  }
0x6e: {  	s31 =	rddreg [dreg:$0xf]  }
0x6f: {  	[spmem:s2] =	stream.indirect.scatter.add.f32 [tilespmem:s8], [sflag:$0x1], $0x1, s26, s7, $0xb8;
	[tilespmem:$0x2B80] =	vst v63  }
0x70: {  	s1 =	rddreg [dreg:$0x10]  }
0x71: {  	[spmem:s2] =	stream.indirect.scatter.add.f32 [tilespmem:s8], [sflag:$0x1], $0x1, s31, s7, $0xb8;
	[tilespmem:$0x2B80] =	vst v63  }
0x72: {  	s11 =	rddreg [dreg:$0x11]  }
0x73: {  	[spmem:s2] =	stream.indirect.scatter.add.f32 [tilespmem:s8], [sflag:$0x1], $0x1, s1, s7, $0xb8;
	[tilespmem:$0x2B80] =	vst v63  }
0x74: {  	s12 =	rddreg [dreg:$0x12]  }
0x75: {  	[spmem:s2] =	stream.indirect.scatter.add.f32 [tilespmem:s8], [sflag:$0x1], $0x1, s11, s7, $0xb8;
	[tilespmem:$0x2B80] =	vst v63  }
0x76: {  	s13 =	rddreg [dreg:$0x13]  }
0x77: {  	[spmem:s2] =	stream.indirect.scatter.add.f32 [tilespmem:s8], [sflag:$0x1], $0x1, s12, s7, $0xb8;
	[tilespmem:$0x2B80] =	vst v63  }
0x78: {  	s14 =	rddreg [dreg:$0x14]  }
0x79: {  	[spmem:s2] =	stream.indirect.scatter.add.f32 [tilespmem:s8], [sflag:$0x1], $0x1, s13, s7, $0xb8;
	[tilespmem:$0x2B80] =	vst v63  }
0x7a: {  	s15 =	rddreg [dreg:$0x15]  }
0x7b: {  	[spmem:s2] =	stream.indirect.scatter.add.f32 [tilespmem:s8], [sflag:$0x1], $0x1, s14, s7, $0xb8;
	[tilespmem:$0x2B80] =	vst v63  }
0x7c: {  	s16 =	rddreg [dreg:$0x16]  }
0x7d: {  	[spmem:s2] =	stream.indirect.scatter.add.f32 [tilespmem:s8], [sflag:$0x1], $0x1, s15, s7, $0xb8;
	[tilespmem:$0x2B80] =	vst v63  }
0x7e: {  	s17 =	rddreg [dreg:$0x17]  }
0x7f: {  	[spmem:s2] =	stream.indirect.scatter.add.f32 [tilespmem:s8], [sflag:$0x1], $0x1, s16, s7, $0xb8;
	[tilespmem:$0x2B80] =	vst v63  }
0x80: {  	s18 =	rddreg [dreg:$0x18]  }
0x81: {  	[spmem:s2] =	stream.indirect.scatter.add.f32 [tilespmem:s8], [sflag:$0x1], $0x1, s17, s7, $0xb8;
	[tilespmem:$0x2B80] =	vst v63  }
0x82: {  	s19 =	rddreg [dreg:$0x19]  }
0x83: {  	[spmem:s2] =	stream.indirect.scatter.add.f32 [tilespmem:s8], [sflag:$0x1], $0x1, s18, s7, $0xb8;
	[tilespmem:$0x2B80] =	vst v63  }
0x84: {  	s20 =	rddreg [dreg:$0x1a]  }
0x85: {  	[spmem:s2] =	stream.indirect.scatter.add.f32 [tilespmem:s8], [sflag:$0x1], $0x1, s19, s7, $0xb8;
	[tilespmem:$0x2B80] =	vst v63  }
0x86: {  	s21 =	rddreg [dreg:$0x1b]  }
0x87: {  	[spmem:s2] =	stream.indirect.scatter.add.f32 [tilespmem:s8], [sflag:$0x1], $0x1, s20, s7, $0xb8;
	[tilespmem:$0x2B80] =	vst v63  }
0x88: {  	s22 =	rddreg [dreg:$0x1c]  }
0x89: {  	[spmem:s2] =	stream.indirect.scatter.add.f32 [tilespmem:s8], [sflag:$0x1], $0x1, s21, s7, $0xb8;
	[tilespmem:$0x2B80] =	vst v63  }
0x8a: {  	s23 =	rddreg [dreg:$0x1d]  }
0x8b: {  	[spmem:s2] =	stream.indirect.scatter.add.f32 [tilespmem:s8], [sflag:$0x1], $0x1, s22, s7, $0xb8;
	[tilespmem:$0x2B80] =	vst v63  }
0x8c: {  	s24 =	rddreg [dreg:$0x1e]  }
0x8d: {  	[spmem:s2] =	stream.indirect.scatter.add.f32 [tilespmem:s8], [sflag:$0x1], $0x1, s23, s7, $0xb8;
	[tilespmem:$0x2B80] =	vst v63  }
0x8e: {  	s25 =	rddreg [dreg:$0x1f]  }
0x8f: {  	[spmem:s2] =	stream.indirect.scatter.add.f32 [tilespmem:s8], [sflag:$0x1], $0x1, s24, s7, $0xb8;
	[tilespmem:$0x2B80] =	vst v63  }
0x90: {  	s26 =	sld [smem:$0x7D8]  }
0x91: {  	[spmem:s2] =	stream.indirect.scatter.add.f32 [tilespmem:s8], [sflag:$0x1], $0x1, s25, s7, $0xb8;
	[tilespmem:$0x2B80] =	vst v63  }
0x92: {  	s31 =	sld [smem:$0x7D9]  }
0x93: {  	[spmem:s2] =	stream.indirect.scatter.add.f32 [tilespmem:s8], [sflag:$0x1], $0x1, s26, s7, $0xb8;
	[tilespmem:$0x2B80] =	vst v63  }
0x94: {  	s1 =	sld [smem:$0x7DA]  }
0x95: {  	[spmem:s2] =	stream.indirect.scatter.add.f32 [tilespmem:s8], [sflag:$0x1], $0x1, s31, s7, $0xb8;
	[tilespmem:$0x2B80] =	vst v63  }
0x96: {  	s11 =	sld [smem:$0x7DB]  }
0x97: {  	[spmem:s2] =	stream.indirect.scatter.add.f32 [tilespmem:s8], [sflag:$0x1], $0x1, s1, s7, $0xb8;
	[tilespmem:$0x2B80] =	vst v63  }
0x98: {  	s12 =	sld [smem:$0x7DC]  }
0x99: {  	[spmem:s2] =	stream.indirect.scatter.add.f32 [tilespmem:s8], [sflag:$0x1], $0x1, s11, s7, $0xb8;
	[tilespmem:$0x2B80] =	vst v63  }
0x9a: {  	s13 =	sld [smem:$0x7DD]  }
0x9b: {  	[spmem:s2] =	stream.indirect.scatter.add.f32 [tilespmem:s8], [sflag:$0x1], $0x1, s12, s7, $0xb8;
	[tilespmem:$0x2B80] =	vst v63  }
0x9c: {  	s14 =	sld [smem:$0x7DE]  }
0x9d: {  	[spmem:s2] =	stream.indirect.scatter.add.f32 [tilespmem:s8], [sflag:$0x1], $0x1, s13, s7, $0xb8;
	[tilespmem:$0x2B80] =	vst v63  }
0x9e: {  	s15 =	sld [smem:$0x7DF]  }
0x9f: {  	[spmem:s2] =	stream.indirect.scatter.add.f32 [tilespmem:s8], [sflag:$0x1], $0x1, s14, s7, $0xb8;
	[tilespmem:$0x2B80] =	vst v63  }
0xa0: {  	s16 =	sld [smem:$0x7E0]  }
0xa1: {  	[spmem:s2] =	stream.indirect.scatter.add.f32 [tilespmem:s8], [sflag:$0x1], $0x1, s15, s7, $0xb8;
	[tilespmem:$0x2B80] =	vst v63  }
0xa2: {  	s17 =	sld [smem:$0x7E1]  }
0xa3: {  	[spmem:s2] =	stream.indirect.scatter.add.f32 [tilespmem:s8], [sflag:$0x1], $0x1, s16, s7, $0xb8;
	[tilespmem:$0x2B80] =	vst v63  }
0xa4: {  	s18 =	sld [smem:$0x7E2]  }
0xa5: {  	[spmem:s2] =	stream.indirect.scatter.add.f32 [tilespmem:s8], [sflag:$0x1], $0x1, s17, s7, $0xb8;
	[tilespmem:$0x2B80] =	vst v63  }
0xa6: {  	s19 =	sld [smem:$0x7E3]  }
0xa7: {  	[spmem:s2] =	stream.indirect.scatter.add.f32 [tilespmem:s8], [sflag:$0x1], $0x1, s18, s7, $0xb8;
	[tilespmem:$0x2B80] =	vst v63  }
0xa8: {  	s20 =	sld [smem:$0x7E4]  }
0xa9: {  	[spmem:s2] =	stream.indirect.scatter.add.f32 [tilespmem:s8], [sflag:$0x1], $0x1, s19, s7, $0xb8;
	[tilespmem:$0x2B80] =	vst v63  }
0xaa: {  	s21 =	sld [smem:$0x7E5]  }
0xab: {  	[spmem:s2] =	stream.indirect.scatter.add.f32 [tilespmem:s8], [sflag:$0x1], $0x1, s20, s7, $0xb8;
	[tilespmem:$0x2B80] =	vst v63  }
0xac: {  	s22 =	sld [smem:$0x7E6]  }
0xad: {  	[spmem:s2] =	stream.indirect.scatter.add.f32 [tilespmem:s8], [sflag:$0x1], $0x1, s21, s7, $0xb8;
	[tilespmem:$0x2B80] =	vst v63  }
0xae: {  	s23 =	sld [smem:$0x7E7]  }
0xaf: {  	[spmem:s2] =	stream.indirect.scatter.add.f32 [tilespmem:s8], [sflag:$0x1], $0x1, s22, s7, $0xb8;
	[tilespmem:$0x2B80] =	vst v63  }
0xb0: {  	s24 =	sld [smem:$0x7E8]  }
0xb1: {  	[spmem:s2] =	stream.indirect.scatter.add.f32 [tilespmem:s8], [sflag:$0x1], $0x1, s23, s7, $0xb8;
	[tilespmem:$0x2B80] =	vst v63  }
0xb2: {  	s25 =	sld [smem:$0x7E9]  }
0xb3: {  	[spmem:s2] =	stream.indirect.scatter.add.f32 [tilespmem:s8], [sflag:$0x1], $0x1, s24, s7, $0xb8;
	[tilespmem:$0x2B80] =	vst v63  }
0xb4: {  	s26 =	sld [smem:$0x7EA]  }
0xb5: {  	[spmem:s2] =	stream.indirect.scatter.add.f32 [tilespmem:s8], [sflag:$0x1], $0x1, s25, s7, $0xb8;
	[tilespmem:$0x2B80] =	vst v63  }
0xb6: {  	s31 =	sld [smem:$0x7EB]  }
0xb7: {  	[spmem:s2] =	stream.indirect.scatter.add.f32 [tilespmem:s8], [sflag:$0x1], $0x1, s26, s7, $0xb8;
	[tilespmem:$0x2B80] =	vst v63  }
0xb8: {  	s1 =	sld [smem:$0x7EC]  }
0xb9: {  	[spmem:s2] =	stream.indirect.scatter.add.f32 [tilespmem:s8], [sflag:$0x1], $0x1, s31, s7, $0xb8;
	[tilespmem:$0x2B80] =	vst v63  }
0xba: {  	s11 =	sld [smem:$0x7ED]  }
0xbb: {  	[spmem:s2] =	stream.indirect.scatter.add.f32 [tilespmem:s8], [sflag:$0x1], $0x1, s1, s7, $0xb8;
	[tilespmem:$0x2B80] =	vst v63  }
0xbc: {  	s12 =	sld [smem:$0x7EE]  }
0xbd: {  	[spmem:s2] =	stream.indirect.scatter.add.f32 [tilespmem:s8], [sflag:$0x1], $0x1, s11, s7, $0xb8;
	[tilespmem:$0x2B80] =	vst v63  }
0xbe: {  	s13 =	sld [smem:$0x7EF]  }
0xbf: {  	[spmem:s2] =	stream.indirect.scatter.add.f32 [tilespmem:s8], [sflag:$0x1], $0x1, s12, s7, $0xb8;
	[tilespmem:$0x2B80] =	vst v63  }
0xc0: {  	s14 =	sld [smem:$0x7F0]  }
0xc1: {  	[spmem:s2] =	stream.indirect.scatter.add.f32 [tilespmem:s8], [sflag:$0x1], $0x1, s13, s7, $0xb8;
	[tilespmem:$0x2B80] =	vst v63  }
0xc2: {  	s15 =	sld [smem:$0x7F1]  }
0xc3: {  	[spmem:s2] =	stream.indirect.scatter.add.f32 [tilespmem:s8], [sflag:$0x1], $0x1, s14, s7, $0xb8;
	[tilespmem:$0x2B80] =	vst v63  }
0xc4: {  	s16 =	sld [smem:$0x7F2]  }
0xc5: {  	[spmem:s2] =	stream.indirect.scatter.add.f32 [tilespmem:s8], [sflag:$0x1], $0x1, s15, s7, $0xb8;
	[tilespmem:$0x2B80] =	vst v63  }
0xc6: {  	s17 =	sld [smem:$0x7F3]  }
0xc7: {  	[spmem:s2] =	stream.indirect.scatter.add.f32 [tilespmem:s8], [sflag:$0x1], $0x1, s16, s7, $0xb8;
	[tilespmem:$0x2B80] =	vst v63  }
0xc8: {  	s18 =	sld [smem:$0x7F4]  }
0xc9: {  	[spmem:s2] =	stream.indirect.scatter.add.f32 [tilespmem:s8], [sflag:$0x1], $0x1, s17, s7, $0xb8;
	[tilespmem:$0x2B80] =	vst v63  }
0xca: {  	s19 =	sld [smem:$0x7F5]  }
0xcb: {  	[spmem:s2] =	stream.indirect.scatter.add.f32 [tilespmem:s8], [sflag:$0x1], $0x1, s18, s7, $0xb8;
	[tilespmem:$0x2B80] =	vst v63  }
0xcc: {  	s20 =	sld [smem:$0x7F6]  }
0xcd: {  	[spmem:s2] =	stream.indirect.scatter.add.f32 [tilespmem:s8], [sflag:$0x1], $0x1, s19, s7, $0xb8;
	[tilespmem:$0x2B80] =	vst v63  }
0xce: {  	s21 =	sld [smem:$0x7F7]  }
0xcf: {  	[spmem:s2] =	stream.indirect.scatter.add.f32 [tilespmem:s8], [sflag:$0x1], $0x1, s20, s7, $0xb8;
	[tilespmem:$0x2B80] =	vst v63  }
0xd0: {  	s22 =	sld [smem:$0x7F8]  }
0xd1: {  	[spmem:s2] =	stream.indirect.scatter.add.f32 [tilespmem:s8], [sflag:$0x1], $0x1, s21, s7, $0xb8;
	[tilespmem:$0x2B80] =	vst v63  }
0xd2: {  	s23 =	sld [smem:$0x7F9]  }
0xd3: {  	[spmem:s2] =	stream.indirect.scatter.add.f32 [tilespmem:s8], [sflag:$0x1], $0x1, s22, s7, $0xb8;
	[tilespmem:$0x2B80] =	vst v63  }
0xd4: {  	s24 =	sld [smem:$0x7FA]  }
0xd5: {  	[spmem:s2] =	stream.indirect.scatter.add.f32 [tilespmem:s8], [sflag:$0x1], $0x1, s23, s7, $0xb8;
	[tilespmem:$0x2B80] =	vst v63  }
0xd6: {  	s25 =	sld [smem:$0x7FB]  }
0xd7: {  	[spmem:s2] =	stream.indirect.scatter.add.f32 [tilespmem:s8], [sflag:$0x1], $0x1, s24, s7, $0xb8;
	[tilespmem:$0x2B80] =	vst v63  }
0xd8: {  	s26 =	sld [smem:$0x7FC]  }
0xd9: {  	[spmem:s2] =	stream.indirect.scatter.add.f32 [tilespmem:s8], [sflag:$0x1], $0x1, s25, s7, $0xb8;
	[tilespmem:$0x2B80] =	vst v63  }
0xda: {  	s31 =	sld [smem:$0x7FD]  }
0xdb: {  	[spmem:s2] =	stream.indirect.scatter.add.f32 [tilespmem:s8], [sflag:$0x1], $0x1, s26, s7, $0xb8;
	[tilespmem:$0x2B80] =	vst v63  }
0xdc: {  	_ = 	snop  }
0xdd: {  	[spmem:s2] =	stream.indirect.scatter.add.f32 [tilespmem:s8], [sflag:$0x1], $0x1, s31, s7, $0xb8;
	[tilespmem:$0x2B80] =	vst v63  }
0xde: {  	s9 =	simm.s32 $0x1F80  }
0xdf: {  	[spmem:s2] =	stream.indirect.scatter.add.f32 [tilespmem:s8], [sflag:$0x1], $0x1, s9, s7, $0xb8;
	[tilespmem:$0x2B80] =	vst v63  }
0xe0: {  	s10 =	simm.s32 $0x2000  }
0xe1: {  	[spmem:s2] =	stream.indirect.scatter.add.f32 [tilespmem:s8], [sflag:$0x1], $0x1, s10, s7, $0xb8;
	[tilespmem:$0x2B80] =	vst v63  }
0xe2: {  	s11 =	simm.s32 $0x2080  }
0xe3: {  	[spmem:s2] =	stream.indirect.scatter.add.f32 [tilespmem:s8], [sflag:$0x1], $0x1, s11, s7, $0xb8;
	[tilespmem:$0x2B80] =	vst v63  }
0xe4: {  	s12 =	simm.s32 $0x2100  }
0xe5: {  	[spmem:s2] =	stream.indirect.scatter.add.f32 [tilespmem:s8], [sflag:$0x1], $0x1, s12, s7, $0xb8;
	[tilespmem:$0x2B80] =	vst v63  }
0xe6: {  	s13 =	simm.s32 $0x2180  }
0xe7: {  	[spmem:s2] =	stream.indirect.scatter.add.f32 [tilespmem:s8], [sflag:$0x1], $0x1, s13, s7, $0xb8;
	[tilespmem:$0x2B80] =	vst v63  }
0xe8: {  	s14 =	simm.s32 $0x2200  }
0xe9: {  	[spmem:s2] =	stream.indirect.scatter.add.f32 [tilespmem:s8], [sflag:$0x1], $0x1, s14, s7, $0xb8;
	[tilespmem:$0x2B80] =	vst v63  }
0xea: {  	s15 =	simm.s32 $0x2280  }
0xeb: {  	[spmem:s2] =	stream.indirect.scatter.add.f32 [tilespmem:s8], [sflag:$0x1], $0x1, s15, s7, $0xb8;
	[tilespmem:$0x2B80] =	vst v63  }
0xec: {  	s16 =	simm.s32 $0x2300  }
0xed: {  	[spmem:s2] =	stream.indirect.scatter.add.f32 [tilespmem:s8], [sflag:$0x1], $0x1, s16, s7, $0xb8;
	[tilespmem:$0x2B80] =	vst v63  }
0xee: {  	s17 =	simm.s32 $0x2380  }
0xef: {  	[spmem:s2] =	stream.indirect.scatter.add.f32 [tilespmem:s8], [sflag:$0x1], $0x1, s17, s7, $0xb8;
	[tilespmem:$0x2B80] =	vst v63  }
0xf0: {  	s18 =	simm.s32 $0x2400  }
0xf1: {  	[spmem:s2] =	stream.indirect.scatter.add.f32 [tilespmem:s8], [sflag:$0x1], $0x1, s18, s7, $0xb8;
	[tilespmem:$0x2B80] =	vst v63  }
0xf2: {  	s19 =	simm.s32 $0x2480  }
0xf3: {  	[spmem:s2] =	stream.indirect.scatter.add.f32 [tilespmem:s8], [sflag:$0x1], $0x1, s19, s7, $0xb8;
	[tilespmem:$0x2B80] =	vst v63  }
0xf4: {  	s20 =	simm.s32 $0x2500  }
0xf5: {  	[spmem:s2] =	stream.indirect.scatter.add.f32 [tilespmem:s8], [sflag:$0x1], $0x1, s20, s7, $0xb8;
	[tilespmem:$0x2B80] =	vst v63  }
0xf6: {  	s21 =	simm.s32 $0x2580  }
0xf7: {  	[spmem:s2] =	stream.indirect.scatter.add.f32 [tilespmem:s8], [sflag:$0x1], $0x1, s21, s7, $0xb8;
	[tilespmem:$0x2B80] =	vst v63  }
0xf8: {  	s22 =	simm.s32 $0x2600  }
0xf9: {  	[spmem:s2] =	stream.indirect.scatter.add.f32 [tilespmem:s8], [sflag:$0x1], $0x1, s22, s7, $0xb8;
	[tilespmem:$0x2B80] =	vst v63  }
0xfa: {  	s23 =	simm.s32 $0x2680  }
0xfb: {  	[spmem:s2] =	stream.indirect.scatter.add.f32 [tilespmem:s8], [sflag:$0x1], $0x1, s23, s7, $0xb8;
	[tilespmem:$0x2B80] =	vst v63  }
0xfc: {  	s24 =	simm.s32 $0x2700  }
0xfd: {  	[spmem:s2] =	stream.indirect.scatter.add.f32 [tilespmem:s8], [sflag:$0x1], $0x1, s24, s7, $0xb8;
	[tilespmem:$0x2B80] =	vst v63  }
0xfe: {  	s25 =	simm.s32 $0x2780;
	s26 =	simm.s32 $0x1  }
0xff: {  	[spmem:s2] =	stream.indirect.scatter.add.f32 [tilespmem:s8], [sflag:$0x1], $0x1, s25, s7, $0xb8;
	[tilespmem:$0x2B80] =	vst v63  }
0x100: {  	_ =	swait.ge [sflag:s26], $0x80  }
0x101: {  	[sflag:s26] =	ssyncset.done $0x0  }
0x102: {  	[sflag:s26] =	ssyncadd.s32 $0xFFFFFF80  }
0x103: {  	_ =	swait.ge [sflag:s26], $0x80  }
0x104: {  	[sflag:s26] =	ssyncset.done $0x0  }
0x105: {  	[sflag:s26] =	ssyncadd.s32 $0xFFFFFF80  }
0x106: {  	_ =	swait.ge [sflag:s26], $0x80  }
0x107: {  	[sflag:s26] =	ssyncset.done $0x0  }
0x108: {  	[sflag:s26] =	ssyncadd.s32 $0xFFFFFF80  }
0x109: {  	_ =	swait.ge [sflag:s26], $0x80  }
0x10a: {  	[sflag:s26] =	ssyncset.done $0x0  }
0x10b: {  	[sflag:s26] =	ssyncadd.s32 $0xFFFFFF80  }
0x10c: {  	_ =	swait.ge [sflag:s26], $0x80  }
0x10d: {  	[sflag:s26] =	ssyncset.done $0x0  }
0x10e: {  	[sflag:s26] =	ssyncadd.s32 $0xFFFFFF80  }
0x10f: {  	_ =	swait.ge [sflag:s26], $0x80  }
0x110: {  	[sflag:s26] =	ssyncset.done $0x0  }
0x111: {  	[sflag:s26] =	ssyncadd.s32 $0xFFFFFF80  }
0x112: {  	_ =	swait.ge [sflag:s26], $0x80  }
0x113: {  	[sflag:s26] =	ssyncset.done $0x0  }
0x114: {  	[sflag:s26] =	ssyncadd.s32 $0xFFFFFF80  }
0x115: {  	_ =	swait.ge [sflag:s26], $0x80  }
0x116: {  	[sflag:s26] =	ssyncset.done $0x0  }
0x117: {  	[sflag:s26] =	ssyncadd.s32 $0xFFFFFF80  }
0x118: {  	_ =	swait.ge [sflag:s26], $0x80  }
0x119: {  	[sflag:s26] =	ssyncset.done $0x0  }
0x11a: {  	[sflag:s26] =	ssyncadd.s32 $0xFFFFFF80  }
0x11b: {  	_ =	swait.ge [sflag:s26], $0x80  }
0x11c: {  	[sflag:s26] =	ssyncset.done $0x0  }
0x11d: {  	[sflag:s26] =	ssyncadd.s32 $0xFFFFFF80  }
0x11e: {  	_ =	swait.ge [sflag:s26], $0x80  }
0x11f: {  	[sflag:s26] =	ssyncset.done $0x0  }
0x120: {  	[sflag:s26] =	ssyncadd.s32 $0xFFFFFF80  }
0x121: {  	_ =	swait.ge [sflag:s26], $0x80  }
0x122: {  	[sflag:s26] =	ssyncset.done $0x0  }
0x123: {  	[sflag:s26] =	ssyncadd.s32 $0xFFFFFF80  }
0x124: {  	_ =	swait.ge [sflag:s26], $0x80  }
0x125: {  	[sflag:s26] =	ssyncset.done $0x0  }
0x126: {  	[sflag:s26] =	ssyncadd.s32 $0xFFFFFF80  }
0x127: {  	_ =	swait.ge [sflag:s26], $0x80  }
0x128: {  	[sflag:s26] =	ssyncset.done $0x0  }
0x129: {  	[sflag:s26] =	ssyncadd.s32 $0xFFFFFF80  }
0x12a: {  	_ =	swait.ge [sflag:s26], $0x80  }
0x12b: {  	[sflag:s26] =	ssyncset.done $0x0  }
0x12c: {  	[sflag:s26] =	ssyncadd.s32 $0xFFFFFF80  }
0x12d: {  	_ =	swait.ge [sflag:s26], $0x80  }
0x12e: {  	[sflag:s26] =	ssyncset.done $0x0  }
0x12f: {  	[sflag:s26] =	ssyncadd.s32 $0xFFFFFF80  }
0x130: {  	_ =	swait.ge [sflag:s26], $0x80  }
0x131: {  	[sflag:s26] =	ssyncset.done $0x0  }
0x132: {  	[sflag:s26] =	ssyncadd.s32 $0xFFFFFF80  }
0x133: {  	_ =	swait.ge [sflag:s26], $0x80  }
0x134: {  	[sflag:s26] =	ssyncset.done $0x0  }
0x135: {  	[sflag:s26] =	ssyncadd.s32 $0xFFFFFF80  }
0x136: {  	_ =	swait.ge [sflag:s26], $0x80  }
0x137: {  	[sflag:s26] =	ssyncset.done $0x0  }
0x138: {  	[sflag:s26] =	ssyncadd.s32 $0xFFFFFF80  }
0x139: {  	_ =	swait.ge [sflag:s26], $0x80  }
0x13a: {  	[sflag:s26] =	ssyncset.done $0x0  }
0x13b: {  	[sflag:s26] =	ssyncadd.s32 $0xFFFFFF80  }
0x13c: {  	_ =	swait.ge [sflag:s26], $0x80  }
0x13d: {  	[sflag:s26] =	ssyncset.done $0x0  }
0x13e: {  	[sflag:s26] =	ssyncadd.s32 $0xFFFFFF80  }
0x13f: {  	_ =	swait.ge [sflag:s26], $0x80  }
0x140: {  	[sflag:s26] =	ssyncset.done $0x0  }
0x141: {  	[sflag:s26] =	ssyncadd.s32 $0xFFFFFF80  }
0x142: {  	_ =	swait.ge [sflag:s26], $0x80  }
0x143: {  	[sflag:s26] =	ssyncset.done $0x0  }
0x144: {  	[sflag:s26] =	ssyncadd.s32 $0xFFFFFF80  }
0x145: {  	_ =	swait.ge [sflag:s26], $0x80  }
0x146: {  	[sflag:s26] =	ssyncset.done $0x0  }
0x147: {  	[sflag:s26] =	ssyncadd.s32 $0xFFFFFF80  }
0x148: {  	_ =	swait.ge [sflag:s26], $0x80  }
0x149: {  	[sflag:s26] =	ssyncset.done $0x0  }
0x14a: {  	[sflag:s26] =	ssyncadd.s32 $0xFFFFFF80  }
0x14b: {  	_ =	swait.ge [sflag:s26], $0x80  }
0x14c: {  	[sflag:s26] =	ssyncset.done $0x0  }
0x14d: {  	[sflag:s26] =	ssyncadd.s32 $0xFFFFFF80  }
0x14e: {  	_ =	swait.ge [sflag:s26], $0x80  }
0x14f: {  	[sflag:s26] =	ssyncset.done $0x0  }
0x150: {  	[sflag:s26] =	ssyncadd.s32 $0xFFFFFF80  }
0x151: {  	_ =	swait.ge [sflag:s26], $0x80  }
0x152: {  	[sflag:s26] =	ssyncset.done $0x0  }
0x153: {  	[sflag:s26] =	ssyncadd.s32 $0xFFFFFF80  }
0x154: {  	_ =	swait.ge [sflag:s26], $0x80  }
0x155: {  	[sflag:s26] =	ssyncset.done $0x0  }
0x156: {  	[sflag:s26] =	ssyncadd.s32 $0xFFFFFF80  }
0x157: {  	_ =	swait.ge [sflag:s26], $0x80  }
0x158: {  	[sflag:s26] =	ssyncset.done $0x0  }
0x159: {  	[sflag:s26] =	ssyncadd.s32 $0xFFFFFF80  }
0x15a: {  	_ =	swait.ge [sflag:s26], $0x80  }
0x15b: {  	[sflag:s26] =	ssyncset.done $0x0  }
0x15c: {  	[sflag:s26] =	ssyncadd.s32 $0xFFFFFF80  }
0x15d: {  	_ =	swait.ge [sflag:s26], $0x80  }
0x15e: {  	[sflag:s26] =	ssyncset.done $0x0  }
0x15f: {  	[sflag:s26] =	ssyncadd.s32 $0xFFFFFF80  }
0x160: {  	_ =	swait.ge [sflag:s26], $0x80  }
0x161: {  	[sflag:s26] =	ssyncset.done $0x0  }
0x162: {  	[sflag:s26] =	ssyncadd.s32 $0xFFFFFF80  }
0x163: {  	_ =	swait.ge [sflag:s26], $0x80  }
0x164: {  	[sflag:s26] =	ssyncset.done $0x0  }
0x165: {  	[sflag:s26] =	ssyncadd.s32 $0xFFFFFF80  }
0x166: {  	_ =	swait.ge [sflag:s26], $0x80  }
0x167: {  	[sflag:s26] =	ssyncset.done $0x0  }
0x168: {  	[sflag:s26] =	ssyncadd.s32 $0xFFFFFF80  }
0x169: {  	_ =	swait.ge [sflag:s26], $0x80  }
0x16a: {  	[sflag:s26] =	ssyncset.done $0x0  }
0x16b: {  	[sflag:s26] =	ssyncadd.s32 $0xFFFFFF80  }
0x16c: {  	_ =	swait.ge [sflag:s26], $0x80  }
0x16d: {  	[sflag:s26] =	ssyncset.done $0x0  }
0x16e: {  	[sflag:s26] =	ssyncadd.s32 $0xFFFFFF80  }
0x16f: {  	_ =	swait.ge [sflag:s26], $0x80  }
0x170: {  	[sflag:s26] =	ssyncset.done $0x0  }
0x171: {  	[sflag:s26] =	ssyncadd.s32 $0xFFFFFF80  }
0x172: {  	_ =	swait.ge [sflag:s26], $0x80  }
0x173: {  	[sflag:s26] =	ssyncset.done $0x0  }
0x174: {  	[sflag:s26] =	ssyncadd.s32 $0xFFFFFF80  }
0x175: {  	_ =	swait.ge [sflag:s26], $0x80  }
0x176: {  	[sflag:s26] =	ssyncset.done $0x0  }
0x177: {  	[sflag:s26] =	ssyncadd.s32 $0xFFFFFF80  }
0x178: {  	_ =	swait.ge [sflag:s26], $0x80  }
0x179: {  	[sflag:s26] =	ssyncset.done $0x0  }
0x17a: {  	[sflag:s26] =	ssyncadd.s32 $0xFFFFFF80  }
0x17b: {  	_ =	swait.ge [sflag:s26], $0x80  }
0x17c: {  	[sflag:s26] =	ssyncset.done $0x0  }
0x17d: {  	[sflag:s26] =	ssyncadd.s32 $0xFFFFFF80  }
0x17e: {  	_ =	swait.ge [sflag:s26], $0x80  }
0x17f: {  	[sflag:s26] =	ssyncset.done $0x0  }
0x180: {  	[sflag:s26] =	ssyncadd.s32 $0xFFFFFF80  }
0x181: {  	_ =	swait.ge [sflag:s26], $0x80  }
0x182: {  	[sflag:s26] =	ssyncset.done $0x0  }
0x183: {  	[sflag:s26] =	ssyncadd.s32 $0xFFFFFF80  }
0x184: {  	_ =	swait.ge [sflag:s26], $0x80  }
0x185: {  	[sflag:s26] =	ssyncset.done $0x0  }
0x186: {  	[sflag:s26] =	ssyncadd.s32 $0xFFFFFF80  }
0x187: {  	_ =	swait.ge [sflag:s26], $0x80  }
0x188: {  	[sflag:s26] =	ssyncset.done $0x0  }
0x189: {  	[sflag:s26] =	ssyncadd.s32 $0xFFFFFF80  }
0x18a: {  	_ =	swait.ge [sflag:s26], $0x80  }
0x18b: {  	[sflag:s26] =	ssyncset.done $0x0  }
0x18c: {  	[sflag:s26] =	ssyncadd.s32 $0xFFFFFF80  }
0x18d: {  	_ =	swait.ge [sflag:s26], $0x80  }
0x18e: {  	[sflag:s26] =	ssyncset.done $0x0  }
0x18f: {  	[sflag:s26] =	ssyncadd.s32 $0xFFFFFF80  }
0x190: {  	_ =	swait.ge [sflag:s26], $0x80  }
0x191: {  	[sflag:s26] =	ssyncset.done $0x0  }
0x192: {  	[sflag:s26] =	ssyncadd.s32 $0xFFFFFF80  }
0x193: {  	_ =	swait.ge [sflag:s26], $0x80  }
0x194: {  	[sflag:s26] =	ssyncset.done $0x0  }
0x195: {  	[sflag:s26] =	ssyncadd.s32 $0xFFFFFF80  }
0x196: {  	_ =	swait.ge [sflag:s26], $0x80  }
0x197: {  	[sflag:s26] =	ssyncset.done $0x0  }
0x198: {  	[sflag:s26] =	ssyncadd.s32 $0xFFFFFF80  }
0x199: {  	_ =	swait.ge [sflag:s26], $0x80  }
0x19a: {  	[sflag:s26] =	ssyncset.done $0x0  }
0x19b: {  	[sflag:s26] =	ssyncadd.s32 $0xFFFFFF80  }
0x19c: {  	_ =	swait.ge [sflag:s26], $0x80  }
0x19d: {  	[sflag:s26] =	ssyncset.done $0x0  }
0x19e: {  	[sflag:s26] =	ssyncadd.s32 $0xFFFFFF80  }
0x19f: {  	_ =	swait.ge [sflag:s26], $0x80  }
0x1a0: {  	[sflag:s26] =	ssyncset.done $0x0  }
0x1a1: {  	[sflag:s26] =	ssyncadd.s32 $0xFFFFFF80  }
0x1a2: {  	_ =	swait.ge [sflag:s26], $0x80  }
0x1a3: {  	[sflag:s26] =	ssyncset.done $0x0  }
0x1a4: {  	[sflag:s26] =	ssyncadd.s32 $0xFFFFFF80  }
0x1a5: {  	_ =	swait.ge [sflag:s26], $0x80  }
0x1a6: {  	[sflag:s26] =	ssyncset.done $0x0  }
0x1a7: {  	[sflag:s26] =	ssyncadd.s32 $0xFFFFFF80  }
0x1a8: {  	_ =	swait.ge [sflag:s26], $0x80  }
0x1a9: {  	[sflag:s26] =	ssyncset.done $0x0  }
0x1aa: {  	[sflag:s26] =	ssyncadd.s32 $0xFFFFFF80  }
0x1ab: {  	_ =	swait.ge [sflag:s26], $0x80  }
0x1ac: {  	[sflag:s26] =	ssyncset.done $0x0  }
0x1ad: {  	[sflag:s26] =	ssyncadd.s32 $0xFFFFFF80  }
0x1ae: {  	_ =	swait.ge [sflag:s26], $0x80  }
0x1af: {  	[sflag:s26] =	ssyncset.done $0x0  }
0x1b0: {  	[sflag:s26] =	ssyncadd.s32 $0xFFFFFF80  }
0x1b1: {  	_ =	swait.ge [sflag:s26], $0x80  }
0x1b2: {  	[sflag:s26] =	ssyncset.done $0x0  }
0x1b3: {  	[sflag:s26] =	ssyncadd.s32 $0xFFFFFF80  }
0x1b4: {  	_ =	swait.ge [sflag:s26], $0x80  }
0x1b5: {  	[sflag:s26] =	ssyncset.done $0x0  }
0x1b6: {  	[sflag:s26] =	ssyncadd.s32 $0xFFFFFF80  }
0x1b7: {  	_ =	swait.ge [sflag:s26], $0x80  }
0x1b8: {  	[sflag:s26] =	ssyncset.done $0x0  }
0x1b9: {  	[sflag:s26] =	ssyncadd.s32 $0xFFFFFF80  }
0x1ba: {  	_ =	swait.ge [sflag:s26], $0x80  }
0x1bb: {  	[sflag:s26] =	ssyncset.done $0x0  }
0x1bc: {  	[sflag:s26] =	ssyncadd.s32 $0xFFFFFF80  }
0x1bd: {  	_ =	swait.ge [sflag:s26], $0x80  }
0x1be: {  	[sflag:s26] =	ssyncset.done $0x0  }
0x1bf: {  	[sflag:s26] =	ssyncadd.s32 $0xFFFFFF80  }
0x1c0: {  	_ =	swait.ge [sflag:s26], $0x80  }
0x1c1: {  	[sflag:s26] =	ssyncset.done $0x0  }
0x1c2: {  	[sflag:s26] =	ssyncadd.s32 $0xFFFFFF80  }
0x1c3: {  	_ =	swait.ge [sflag:s26], $0x80  }
0x1c4: {  	[sflag:s26] =	ssyncset.done $0x0  }
0x1c5: {  	[sflag:s26] =	ssyncadd.s32 $0xFFFFFF80  }
0x1c6: {  	_ =	swait.ge [sflag:s26], $0x80  }
0x1c7: {  	[sflag:s26] =	ssyncset.done $0x0  }
0x1c8: {  	[sflag:s26] =	ssyncadd.s32 $0xFFFFFF80  }
0x1c9: {  	_ =	swait.ge [sflag:s26], $0x80  }
0x1ca: {  	[sflag:s26] =	ssyncset.done $0x0  }
0x1cb: {  	[sflag:s26] =	ssyncadd.s32 $0xFFFFFF80  }
0x1cc: {  	_ =	swait.ge [sflag:s26], $0x80  }
0x1cd: {  	[sflag:s26] =	ssyncset.done $0x0  }
0x1ce: {  	[sflag:s26] =	ssyncadd.s32 $0xFFFFFF80  }
0x1cf: {  	_ =	swait.ge [sflag:s26], $0x80  }
0x1d0: {  	[sflag:s26] =	ssyncset.done $0x0  }
0x1d1: {  	[sflag:s26] =	ssyncadd.s32 $0xFFFFFF80  }
0x1d2: {  	_ =	swait.ge [sflag:s26], $0x80  }
0x1d3: {  	[sflag:s26] =	ssyncset.done $0x0  }
0x1d4: {  	[sflag:s26] =	ssyncadd.s32 $0xFFFFFF80  }
0x1d5: {  	_ =	swait.ge [sflag:s26], $0x80  }
0x1d6: {  	[sflag:s26] =	ssyncset.done $0x0  }
0x1d7: {  	[sflag:s26] =	ssyncadd.s32 $0xFFFFFF80  }
0x1d8: {  	_ =	swait.ge [sflag:s26], $0x80  }
0x1d9: {  	[sflag:s26] =	ssyncset.done $0x0  }
0x1da: {  	[sflag:s26] =	ssyncadd.s32 $0xFFFFFF80  }
0x1db: {  	_ =	swait.ge [sflag:s26], $0x80  }
0x1dc: {  	[sflag:s26] =	ssyncset.done $0x0  }
0x1dd: {  	[sflag:s26] =	ssyncadd.s32 $0xFFFFFF80  }
0x1de: {  	_ =	swait.ge [sflag:s26], $0x80  }
0x1df: {  	[sflag:s26] =	ssyncset.done $0x0  }
0x1e0: {  	[sflag:s26] =	ssyncadd.s32 $0xFFFFFF80  }
0x1e1: {  	_ =	swait.ge [sflag:s26], $0x80  }
0x1e2: {  	[sflag:s26] =	ssyncset.done $0x0  }
0x1e3: {  	[sflag:s26] =	ssyncadd.s32 $0xFFFFFF80  }
0x1e4: {  	_ =	swait.ge [sflag:s26], $0x80  }
0x1e5: {  	[sflag:s26] =	ssyncset.done $0x0  }
0x1e6: {  	[sflag:s26] =	ssyncadd.s32 $0xFFFFFF80  }
0x1e7: {  	_ =	swait.ge [sflag:s26], $0x80  }
0x1e8: {  	[sflag:s26] =	ssyncset.done $0x0  }
0x1e9: {  	[sflag:s26] =	ssyncadd.s32 $0xFFFFFF80  }
0x1ea: {  	_ =	swait.ge [sflag:s26], $0x80  }
0x1eb: {  	s28 =	ssub.s32 $0x2, s28;
	[sflag:s26] =	ssyncset.done $0x0  }
0x1ec: {  	s29 =	sshrl.u32 s28, $0x1;
	[sflag:s26] =	ssyncadd.s32 $0xFFFFFF80  }
0x1ed: {  	s1 =	ssub.s32 s28, s29;
	_ =	swait.ge [sflag:s26], $0x80  }
0x1ee: {  	s1 =	smax.u32 s1, $0x1;
	[sflag:s26] =	ssyncset.done $0x0  }
0x1ef: {  	p0 =	sne.s32 s1, $0x1;
	[sflag:s26] =	ssyncadd.s32 $0xFFFFFF80  }
.Ltmp0:
0x1f0: {  	s31 =	sshll.u32 s0, $0x6;
	[bflag:$0x0] =	sbarrier.arrive $0xFFFF;
	(pc) =	sbr.rel @!p0 .LBB2_2-.Ltmp0, $4  }
0x1f1: {  	s29 =	sshrl.u32 s4, $0x3;
	s28 =	sor.u32 $0x1C02, s31;
	s30 =	rddreg [dreg:$0x8]  }
0x1f2: {  	[hbm:s30], [sflag:s28] =	dma.local [spmem:s29], $0x50  }
0x1f3: {  	_ =	swait.ge [sflag:s5], $0x50  }
0x1f4: {  	s30 =	sadd.s32 $0xFFFFFFFF, s1;
	[sflag:s5] =	ssyncset.done $0x0  }
.LBB2_1:
0x1f5: {  	[sflag:s5] =	ssyncadd.s32 $0xFFFFFFB0  }
0x1f6: {  	[tilespmem:$0x2810] =	vst v0  }
0x1f7: {  	[tilespmem:$0x2890] =	vst v1  }
0x1f8: {  	[tilespmem:$0x2820] =	vst v0  }
0x1f9: {  	[tilespmem:$0x28A0] =	vst v1  }
0x1fa: {  	[tilespmem:$0x2830] =	vst v0  }
0x1fb: {  	[tilespmem:$0x28B0] =	vst v1  }
0x1fc: {  	[tilespmem:$0x2840] =	vst v0  }
0x1fd: {  	[tilespmem:$0x2800] =	vst v0  }
0x1fe: {  	[tilespmem:$0x28F0] =	vst v1  }
0x1ff: {  	[tilespmem:$0x2870] =	vst v0  }
0x200: {  	[tilespmem:$0x28E0] =	vst v1  }
0x201: {  	[tilespmem:$0x2860] =	vst v0  }
0x202: {  	[tilespmem:$0x28D0] =	vst v1  }
0x203: {  	[tilespmem:$0x2850] =	vst v0  }
0x204: {  	[tilespmem:$0x28C0] =	vst v1  }
0x205: {  	[tilespmem:$0x2880] =	vst v1  }
0x206: {  	[spmem:s4] =	stream.linear.scatter [tilespmem:s6], [sflag:$0x2], $0x80, $0x38;
	[tilespmem:$0x2B80] =	vst v63  }
0x207: {  	_ =	swait.ge [sflag:s5], $0x80  }
0x208: {  	[sflag:s5] =	ssyncset.done $0x0  }
0x209: {  	s1 =	rddreg [dreg:$0x3];
	[sflag:s5] =	ssyncadd.s32 $0xFFFFFF80  }
0x20a: {  	[spmem:s1] =	stream.linear.scatter [tilespmem:s6], [sflag:$0x2], $0x80, $0x38;
	[tilespmem:$0x2B80] =	vst v63  }
0x20b: {  	_ =	swait.ge [sflag:s5], $0x80  }
0x20c: {  	[sflag:s5] =	ssyncset.done $0x0  }
0x20d: {  	s31 =	rddreg [dreg:$0x4];
	[sflag:s5] =	ssyncadd.s32 $0xFFFFFF80  }
0x20e: {  	[spmem:s31] =	stream.linear.scatter [tilespmem:s6], [sflag:$0x2], $0x80, $0x38;
	[tilespmem:$0x2B80] =	vst v63  }
0x20f: {  	_ =	swait.ge [sflag:s5], $0x80  }
0x210: {  	[sflag:s5] =	ssyncset.done $0x0  }
0x211: {  	s31 =	rddreg [dreg:$0x5];
	[sflag:s5] =	ssyncadd.s32 $0xFFFFFF80  }
0x212: {  	[spmem:s31] =	stream.linear.scatter [tilespmem:s6], [sflag:$0x2], $0x80, $0x38;
	[tilespmem:$0x2B80] =	vst v63  }
0x213: {  	_ =	swait.ge [sflag:s5], $0x80  }
0x214: {  	[sflag:s5] =	ssyncset.done $0x0  }
0x215: {  	s31 =	rddreg [dreg:$0x6];
	[sflag:s5] =	ssyncadd.s32 $0xFFFFFF80  }
0x216: {  	[spmem:s31] =	stream.linear.scatter [tilespmem:s6], [sflag:$0x2], $0x80, $0x38;
	[tilespmem:$0x2B80] =	vst v63  }
0x217: {  	_ =	swait.ge [sflag:s5], $0x80  }
0x218: {  	[sflag:s5] =	ssyncset.done $0x0  }
0x219: {  	[sflag:s5] =	ssyncadd.s32 $0xFFFFFF80  }
0x21a: {  	[bflag:$0x0] =	sbarrier.arrive $0xFFFF  }
0x21b: {  	s31 =	rddreg [dreg:$0x7]  }
0x21c: {  	[tilespmem:s3], [sflag:$0x2] =	stream.linear.gather [hbm4b:s31+s3], $0x2800, $0x38;
	[tilespmem:$0x2B80] =	vst v63  }
0x21d: {  	_ =	swait.ge [sflag:s5], $0x2800  }
0x21e: {  	[sflag:s5] =	ssyncset.done $0x0  }
0x21f: {  	[sflag:s5] =	ssyncadd.s32 $0xFFFFD800  }
0x220: {  	[spmem:s2] =	stream.indirect.scatter.add.f32 [tilespmem:s8], [sflag:$0x1], $0x1, s3, s7, $0xb8;
	[tilespmem:$0x2B80] =	vst v63  }
0x221: {  	s1 =	rddreg [dreg:$0x9]  }
0x222: {  	[spmem:s2] =	stream.indirect.scatter.add.f32 [tilespmem:s8], [sflag:$0x1], $0x1, s7, s7, $0xb8;
	[tilespmem:$0x2B80] =	vst v63  }
0x223: {  	s31 =	rddreg [dreg:$0xa]  }
0x224: {  	[spmem:s2] =	stream.indirect.scatter.add.f32 [tilespmem:s8], [sflag:$0x1], $0x1, s1, s7, $0xb8;
	[tilespmem:$0x2B80] =	vst v63  }
0x225: {  	s1 =	rddreg [dreg:$0xb]  }
0x226: {  	[spmem:s2] =	stream.indirect.scatter.add.f32 [tilespmem:s8], [sflag:$0x1], $0x1, s31, s7, $0xb8;
	[tilespmem:$0x2B80] =	vst v63  }
0x227: {  	s31 =	rddreg [dreg:$0xc]  }
0x228: {  	[spmem:s2] =	stream.indirect.scatter.add.f32 [tilespmem:s8], [sflag:$0x1], $0x1, s1, s7, $0xb8;
	[tilespmem:$0x2B80] =	vst v63  }
0x229: {  	s1 =	rddreg [dreg:$0xd]  }
0x22a: {  	[spmem:s2] =	stream.indirect.scatter.add.f32 [tilespmem:s8], [sflag:$0x1], $0x1, s31, s7, $0xb8;
	[tilespmem:$0x2B80] =	vst v63  }
0x22b: {  	s31 =	rddreg [dreg:$0xe]  }
0x22c: {  	[spmem:s2] =	stream.indirect.scatter.add.f32 [tilespmem:s8], [sflag:$0x1], $0x1, s1, s7, $0xb8;
	[tilespmem:$0x2B80] =	vst v63  }
0x22d: {  	s1 =	rddreg [dreg:$0xf]  }
0x22e: {  	[spmem:s2] =	stream.indirect.scatter.add.f32 [tilespmem:s8], [sflag:$0x1], $0x1, s31, s7, $0xb8;
	[tilespmem:$0x2B80] =	vst v63  }
0x22f: {  	s31 =	rddreg [dreg:$0x10]  }
0x230: {  	[spmem:s2] =	stream.indirect.scatter.add.f32 [tilespmem:s8], [sflag:$0x1], $0x1, s1, s7, $0xb8;
	[tilespmem:$0x2B80] =	vst v63  }
0x231: {  	s1 =	rddreg [dreg:$0x11]  }
0x232: {  	[spmem:s2] =	stream.indirect.scatter.add.f32 [tilespmem:s8], [sflag:$0x1], $0x1, s31, s7, $0xb8;
	[tilespmem:$0x2B80] =	vst v63  }
0x233: {  	s31 =	rddreg [dreg:$0x12]  }
0x234: {  	[spmem:s2] =	stream.indirect.scatter.add.f32 [tilespmem:s8], [sflag:$0x1], $0x1, s1, s7, $0xb8;
	[tilespmem:$0x2B80] =	vst v63  }
0x235: {  	s1 =	rddreg [dreg:$0x13]  }
0x236: {  	[spmem:s2] =	stream.indirect.scatter.add.f32 [tilespmem:s8], [sflag:$0x1], $0x1, s31, s7, $0xb8;
	[tilespmem:$0x2B80] =	vst v63  }
0x237: {  	s31 =	rddreg [dreg:$0x14]  }
0x238: {  	[spmem:s2] =	stream.indirect.scatter.add.f32 [tilespmem:s8], [sflag:$0x1], $0x1, s1, s7, $0xb8;
	[tilespmem:$0x2B80] =	vst v63  }
0x239: {  	s1 =	rddreg [dreg:$0x15]  }
0x23a: {  	[spmem:s2] =	stream.indirect.scatter.add.f32 [tilespmem:s8], [sflag:$0x1], $0x1, s31, s7, $0xb8;
	[tilespmem:$0x2B80] =	vst v63  }
0x23b: {  	s31 =	rddreg [dreg:$0x16]  }
0x23c: {  	[spmem:s2] =	stream.indirect.scatter.add.f32 [tilespmem:s8], [sflag:$0x1], $0x1, s1, s7, $0xb8;
	[tilespmem:$0x2B80] =	vst v63  }
0x23d: {  	s1 =	rddreg [dreg:$0x17]  }
0x23e: {  	[spmem:s2] =	stream.indirect.scatter.add.f32 [tilespmem:s8], [sflag:$0x1], $0x1, s31, s7, $0xb8;
	[tilespmem:$0x2B80] =	vst v63  }
0x23f: {  	s31 =	rddreg [dreg:$0x18]  }
0x240: {  	[spmem:s2] =	stream.indirect.scatter.add.f32 [tilespmem:s8], [sflag:$0x1], $0x1, s1, s7, $0xb8;
	[tilespmem:$0x2B80] =	vst v63  }
0x241: {  	s1 =	rddreg [dreg:$0x19]  }
0x242: {  	[spmem:s2] =	stream.indirect.scatter.add.f32 [tilespmem:s8], [sflag:$0x1], $0x1, s31, s7, $0xb8;
	[tilespmem:$0x2B80] =	vst v63  }
0x243: {  	s31 =	rddreg [dreg:$0x1a]  }
0x244: {  	[spmem:s2] =	stream.indirect.scatter.add.f32 [tilespmem:s8], [sflag:$0x1], $0x1, s1, s7, $0xb8;
	[tilespmem:$0x2B80] =	vst v63  }
0x245: {  	s1 =	rddreg [dreg:$0x1b]  }
0x246: {  	[spmem:s2] =	stream.indirect.scatter.add.f32 [tilespmem:s8], [sflag:$0x1], $0x1, s31, s7, $0xb8;
	[tilespmem:$0x2B80] =	vst v63  }
0x247: {  	s31 =	rddreg [dreg:$0x1c]  }
0x248: {  	[spmem:s2] =	stream.indirect.scatter.add.f32 [tilespmem:s8], [sflag:$0x1], $0x1, s1, s7, $0xb8;
	[tilespmem:$0x2B80] =	vst v63  }
0x249: {  	s1 =	rddreg [dreg:$0x1d]  }
0x24a: {  	[spmem:s2] =	stream.indirect.scatter.add.f32 [tilespmem:s8], [sflag:$0x1], $0x1, s31, s7, $0xb8;
	[tilespmem:$0x2B80] =	vst v63  }
0x24b: {  	s31 =	rddreg [dreg:$0x1e]  }
0x24c: {  	[spmem:s2] =	stream.indirect.scatter.add.f32 [tilespmem:s8], [sflag:$0x1], $0x1, s1, s7, $0xb8;
	[tilespmem:$0x2B80] =	vst v63  }
0x24d: {  	s1 =	rddreg [dreg:$0x1f]  }
0x24e: {  	[spmem:s2] =	stream.indirect.scatter.add.f32 [tilespmem:s8], [sflag:$0x1], $0x1, s31, s7, $0xb8;
	[tilespmem:$0x2B80] =	vst v63  }
0x24f: {  	s31 =	sld [smem:$0x7D8]  }
0x250: {  	[spmem:s2] =	stream.indirect.scatter.add.f32 [tilespmem:s8], [sflag:$0x1], $0x1, s1, s7, $0xb8;
	[tilespmem:$0x2B80] =	vst v63  }
0x251: {  	s1 =	sld [smem:$0x7D9]  }
0x252: {  	[spmem:s2] =	stream.indirect.scatter.add.f32 [tilespmem:s8], [sflag:$0x1], $0x1, s31, s7, $0xb8;
	[tilespmem:$0x2B80] =	vst v63  }
0x253: {  	s31 =	sld [smem:$0x7DA]  }
0x254: {  	[spmem:s2] =	stream.indirect.scatter.add.f32 [tilespmem:s8], [sflag:$0x1], $0x1, s1, s7, $0xb8;
	[tilespmem:$0x2B80] =	vst v63  }
0x255: {  	s1 =	sld [smem:$0x7DB]  }
0x256: {  	[spmem:s2] =	stream.indirect.scatter.add.f32 [tilespmem:s8], [sflag:$0x1], $0x1, s31, s7, $0xb8;
	[tilespmem:$0x2B80] =	vst v63  }
0x257: {  	s31 =	sld [smem:$0x7DC]  }
0x258: {  	[spmem:s2] =	stream.indirect.scatter.add.f32 [tilespmem:s8], [sflag:$0x1], $0x1, s1, s7, $0xb8;
	[tilespmem:$0x2B80] =	vst v63  }
0x259: {  	s1 =	sld [smem:$0x7DD]  }
0x25a: {  	[spmem:s2] =	stream.indirect.scatter.add.f32 [tilespmem:s8], [sflag:$0x1], $0x1, s31, s7, $0xb8;
	[tilespmem:$0x2B80] =	vst v63  }
0x25b: {  	s31 =	sld [smem:$0x7DE]  }
0x25c: {  	[spmem:s2] =	stream.indirect.scatter.add.f32 [tilespmem:s8], [sflag:$0x1], $0x1, s1, s7, $0xb8;
	[tilespmem:$0x2B80] =	vst v63  }
0x25d: {  	s1 =	sld [smem:$0x7DF]  }
0x25e: {  	[spmem:s2] =	stream.indirect.scatter.add.f32 [tilespmem:s8], [sflag:$0x1], $0x1, s31, s7, $0xb8;
	[tilespmem:$0x2B80] =	vst v63  }
0x25f: {  	s31 =	sld [smem:$0x7E0]  }
0x260: {  	[spmem:s2] =	stream.indirect.scatter.add.f32 [tilespmem:s8], [sflag:$0x1], $0x1, s1, s7, $0xb8;
	[tilespmem:$0x2B80] =	vst v63  }
0x261: {  	s1 =	sld [smem:$0x7E1]  }
0x262: {  	[spmem:s2] =	stream.indirect.scatter.add.f32 [tilespmem:s8], [sflag:$0x1], $0x1, s31, s7, $0xb8;
	[tilespmem:$0x2B80] =	vst v63  }
0x263: {  	s31 =	sld [smem:$0x7E2]  }
0x264: {  	[spmem:s2] =	stream.indirect.scatter.add.f32 [tilespmem:s8], [sflag:$0x1], $0x1, s1, s7, $0xb8;
	[tilespmem:$0x2B80] =	vst v63  }
0x265: {  	s1 =	sld [smem:$0x7E3]  }
0x266: {  	[spmem:s2] =	stream.indirect.scatter.add.f32 [tilespmem:s8], [sflag:$0x1], $0x1, s31, s7, $0xb8;
	[tilespmem:$0x2B80] =	vst v63  }
0x267: {  	s31 =	sld [smem:$0x7E4]  }
0x268: {  	[spmem:s2] =	stream.indirect.scatter.add.f32 [tilespmem:s8], [sflag:$0x1], $0x1, s1, s7, $0xb8;
	[tilespmem:$0x2B80] =	vst v63  }
0x269: {  	s1 =	sld [smem:$0x7E5]  }
0x26a: {  	[spmem:s2] =	stream.indirect.scatter.add.f32 [tilespmem:s8], [sflag:$0x1], $0x1, s31, s7, $0xb8;
	[tilespmem:$0x2B80] =	vst v63  }
0x26b: {  	s31 =	sld [smem:$0x7E6]  }
0x26c: {  	[spmem:s2] =	stream.indirect.scatter.add.f32 [tilespmem:s8], [sflag:$0x1], $0x1, s1, s7, $0xb8;
	[tilespmem:$0x2B80] =	vst v63  }
0x26d: {  	s1 =	sld [smem:$0x7E7]  }
0x26e: {  	[spmem:s2] =	stream.indirect.scatter.add.f32 [tilespmem:s8], [sflag:$0x1], $0x1, s31, s7, $0xb8;
	[tilespmem:$0x2B80] =	vst v63  }
0x26f: {  	s31 =	sld [smem:$0x7E8]  }
0x270: {  	[spmem:s2] =	stream.indirect.scatter.add.f32 [tilespmem:s8], [sflag:$0x1], $0x1, s1, s7, $0xb8;
	[tilespmem:$0x2B80] =	vst v63  }
0x271: {  	s1 =	sld [smem:$0x7E9]  }
0x272: {  	[spmem:s2] =	stream.indirect.scatter.add.f32 [tilespmem:s8], [sflag:$0x1], $0x1, s31, s7, $0xb8;
	[tilespmem:$0x2B80] =	vst v63  }
0x273: {  	s31 =	sld [smem:$0x7EA]  }
0x274: {  	[spmem:s2] =	stream.indirect.scatter.add.f32 [tilespmem:s8], [sflag:$0x1], $0x1, s1, s7, $0xb8;
	[tilespmem:$0x2B80] =	vst v63  }
0x275: {  	s1 =	sld [smem:$0x7EB]  }
0x276: {  	[spmem:s2] =	stream.indirect.scatter.add.f32 [tilespmem:s8], [sflag:$0x1], $0x1, s31, s7, $0xb8;
	[tilespmem:$0x2B80] =	vst v63  }
0x277: {  	s31 =	sld [smem:$0x7EC]  }
0x278: {  	[spmem:s2] =	stream.indirect.scatter.add.f32 [tilespmem:s8], [sflag:$0x1], $0x1, s1, s7, $0xb8;
	[tilespmem:$0x2B80] =	vst v63  }
0x279: {  	s1 =	sld [smem:$0x7ED]  }
0x27a: {  	[spmem:s2] =	stream.indirect.scatter.add.f32 [tilespmem:s8], [sflag:$0x1], $0x1, s31, s7, $0xb8;
	[tilespmem:$0x2B80] =	vst v63  }
0x27b: {  	s31 =	sld [smem:$0x7EE]  }
0x27c: {  	[spmem:s2] =	stream.indirect.scatter.add.f32 [tilespmem:s8], [sflag:$0x1], $0x1, s1, s7, $0xb8;
	[tilespmem:$0x2B80] =	vst v63  }
0x27d: {  	s1 =	sld [smem:$0x7EF]  }
0x27e: {  	[spmem:s2] =	stream.indirect.scatter.add.f32 [tilespmem:s8], [sflag:$0x1], $0x1, s31, s7, $0xb8;
	[tilespmem:$0x2B80] =	vst v63  }
0x27f: {  	s31 =	sld [smem:$0x7F0]  }
0x280: {  	[spmem:s2] =	stream.indirect.scatter.add.f32 [tilespmem:s8], [sflag:$0x1], $0x1, s1, s7, $0xb8;
	[tilespmem:$0x2B80] =	vst v63  }
0x281: {  	s1 =	sld [smem:$0x7F1]  }
0x282: {  	[spmem:s2] =	stream.indirect.scatter.add.f32 [tilespmem:s8], [sflag:$0x1], $0x1, s31, s7, $0xb8;
	[tilespmem:$0x2B80] =	vst v63  }
0x283: {  	s31 =	sld [smem:$0x7F2]  }
0x284: {  	[spmem:s2] =	stream.indirect.scatter.add.f32 [tilespmem:s8], [sflag:$0x1], $0x1, s1, s7, $0xb8;
	[tilespmem:$0x2B80] =	vst v63  }
0x285: {  	s1 =	sld [smem:$0x7F3]  }
0x286: {  	[spmem:s2] =	stream.indirect.scatter.add.f32 [tilespmem:s8], [sflag:$0x1], $0x1, s31, s7, $0xb8;
	[tilespmem:$0x2B80] =	vst v63  }
0x287: {  	s31 =	sld [smem:$0x7F4]  }
0x288: {  	[spmem:s2] =	stream.indirect.scatter.add.f32 [tilespmem:s8], [sflag:$0x1], $0x1, s1, s7, $0xb8;
	[tilespmem:$0x2B80] =	vst v63  }
0x289: {  	s1 =	sld [smem:$0x7F5]  }
0x28a: {  	[spmem:s2] =	stream.indirect.scatter.add.f32 [tilespmem:s8], [sflag:$0x1], $0x1, s31, s7, $0xb8;
	[tilespmem:$0x2B80] =	vst v63  }
0x28b: {  	s31 =	sld [smem:$0x7F6]  }
0x28c: {  	[spmem:s2] =	stream.indirect.scatter.add.f32 [tilespmem:s8], [sflag:$0x1], $0x1, s1, s7, $0xb8;
	[tilespmem:$0x2B80] =	vst v63  }
0x28d: {  	s1 =	sld [smem:$0x7F7]  }
0x28e: {  	[spmem:s2] =	stream.indirect.scatter.add.f32 [tilespmem:s8], [sflag:$0x1], $0x1, s31, s7, $0xb8;
	[tilespmem:$0x2B80] =	vst v63  }
0x28f: {  	s31 =	sld [smem:$0x7F8]  }
0x290: {  	[spmem:s2] =	stream.indirect.scatter.add.f32 [tilespmem:s8], [sflag:$0x1], $0x1, s1, s7, $0xb8;
	[tilespmem:$0x2B80] =	vst v63  }
0x291: {  	s1 =	sld [smem:$0x7F9]  }
0x292: {  	[spmem:s2] =	stream.indirect.scatter.add.f32 [tilespmem:s8], [sflag:$0x1], $0x1, s31, s7, $0xb8;
	[tilespmem:$0x2B80] =	vst v63  }
0x293: {  	s31 =	sld [smem:$0x7FA]  }
0x294: {  	[spmem:s2] =	stream.indirect.scatter.add.f32 [tilespmem:s8], [sflag:$0x1], $0x1, s1, s7, $0xb8;
	[tilespmem:$0x2B80] =	vst v63  }
0x295: {  	s1 =	sld [smem:$0x7FB]  }
0x296: {  	[spmem:s2] =	stream.indirect.scatter.add.f32 [tilespmem:s8], [sflag:$0x1], $0x1, s31, s7, $0xb8;
	[tilespmem:$0x2B80] =	vst v63  }
0x297: {  	s31 =	sld [smem:$0x7FC]  }
0x298: {  	[spmem:s2] =	stream.indirect.scatter.add.f32 [tilespmem:s8], [sflag:$0x1], $0x1, s1, s7, $0xb8;
	[tilespmem:$0x2B80] =	vst v63  }
0x299: {  	s1 =	sld [smem:$0x7FD]  }
0x29a: {  	[spmem:s2] =	stream.indirect.scatter.add.f32 [tilespmem:s8], [sflag:$0x1], $0x1, s31, s7, $0xb8;
	[tilespmem:$0x2B80] =	vst v63  }
0x29b: {  	_ = 	snop  }
0x29c: {  	[spmem:s2] =	stream.indirect.scatter.add.f32 [tilespmem:s8], [sflag:$0x1], $0x1, s1, s7, $0xb8;
	[tilespmem:$0x2B80] =	vst v63  }
0x29d: {  	_ = 	snop  }
0x29e: {  	[spmem:s2] =	stream.indirect.scatter.add.f32 [tilespmem:s8], [sflag:$0x1], $0x1, s9, s7, $0xb8;
	[tilespmem:$0x2B80] =	vst v63  }
0x29f: {  	_ = 	snop  }
0x2a0: {  	[spmem:s2] =	stream.indirect.scatter.add.f32 [tilespmem:s8], [sflag:$0x1], $0x1, s10, s7, $0xb8;
	[tilespmem:$0x2B80] =	vst v63  }
0x2a1: {  	_ = 	snop  }
0x2a2: {  	[spmem:s2] =	stream.indirect.scatter.add.f32 [tilespmem:s8], [sflag:$0x1], $0x1, s11, s7, $0xb8;
	[tilespmem:$0x2B80] =	vst v63  }
0x2a3: {  	_ = 	snop  }
0x2a4: {  	[spmem:s2] =	stream.indirect.scatter.add.f32 [tilespmem:s8], [sflag:$0x1], $0x1, s12, s7, $0xb8;
	[tilespmem:$0x2B80] =	vst v63  }
0x2a5: {  	_ = 	snop  }
0x2a6: {  	[spmem:s2] =	stream.indirect.scatter.add.f32 [tilespmem:s8], [sflag:$0x1], $0x1, s13, s7, $0xb8;
	[tilespmem:$0x2B80] =	vst v63  }
0x2a7: {  	_ = 	snop  }
0x2a8: {  	[spmem:s2] =	stream.indirect.scatter.add.f32 [tilespmem:s8], [sflag:$0x1], $0x1, s14, s7, $0xb8;
	[tilespmem:$0x2B80] =	vst v63  }
0x2a9: {  	_ = 	snop  }
0x2aa: {  	[spmem:s2] =	stream.indirect.scatter.add.f32 [tilespmem:s8], [sflag:$0x1], $0x1, s15, s7, $0xb8;
	[tilespmem:$0x2B80] =	vst v63  }
0x2ab: {  	_ = 	snop  }
0x2ac: {  	[spmem:s2] =	stream.indirect.scatter.add.f32 [tilespmem:s8], [sflag:$0x1], $0x1, s16, s7, $0xb8;
	[tilespmem:$0x2B80] =	vst v63  }
0x2ad: {  	_ = 	snop  }
0x2ae: {  	[spmem:s2] =	stream.indirect.scatter.add.f32 [tilespmem:s8], [sflag:$0x1], $0x1, s17, s7, $0xb8;
	[tilespmem:$0x2B80] =	vst v63  }
0x2af: {  	_ = 	snop  }
0x2b0: {  	[spmem:s2] =	stream.indirect.scatter.add.f32 [tilespmem:s8], [sflag:$0x1], $0x1, s18, s7, $0xb8;
	[tilespmem:$0x2B80] =	vst v63  }
0x2b1: {  	_ = 	snop  }
0x2b2: {  	[spmem:s2] =	stream.indirect.scatter.add.f32 [tilespmem:s8], [sflag:$0x1], $0x1, s19, s7, $0xb8;
	[tilespmem:$0x2B80] =	vst v63  }
0x2b3: {  	_ = 	snop  }
0x2b4: {  	[spmem:s2] =	stream.indirect.scatter.add.f32 [tilespmem:s8], [sflag:$0x1], $0x1, s20, s7, $0xb8;
	[tilespmem:$0x2B80] =	vst v63  }
0x2b5: {  	_ = 	snop  }
0x2b6: {  	[spmem:s2] =	stream.indirect.scatter.add.f32 [tilespmem:s8], [sflag:$0x1], $0x1, s21, s7, $0xb8;
	[tilespmem:$0x2B80] =	vst v63  }
0x2b7: {  	_ = 	snop  }
0x2b8: {  	[spmem:s2] =	stream.indirect.scatter.add.f32 [tilespmem:s8], [sflag:$0x1], $0x1, s22, s7, $0xb8;
	[tilespmem:$0x2B80] =	vst v63  }
0x2b9: {  	_ = 	snop  }
0x2ba: {  	[spmem:s2] =	stream.indirect.scatter.add.f32 [tilespmem:s8], [sflag:$0x1], $0x1, s23, s7, $0xb8;
	[tilespmem:$0x2B80] =	vst v63  }
0x2bb: {  	_ = 	snop  }
0x2bc: {  	[spmem:s2] =	stream.indirect.scatter.add.f32 [tilespmem:s8], [sflag:$0x1], $0x1, s24, s7, $0xb8;
	[tilespmem:$0x2B80] =	vst v63  }
0x2bd: {  	_ = 	snop  }
0x2be: {  	[spmem:s2] =	stream.indirect.scatter.add.f32 [tilespmem:s8], [sflag:$0x1], $0x1, s25, s7, $0xb8;
	[tilespmem:$0x2B80] =	vst v63  }
0x2bf: {  	_ =	swait.ge [sflag:s26], $0x80  }
0x2c0: {  	[sflag:s26] =	ssyncset.done $0x0  }
0x2c1: {  	[sflag:s26] =	ssyncadd.s32 $0xFFFFFF80  }
0x2c2: {  	_ =	swait.ge [sflag:s26], $0x80  }
0x2c3: {  	[sflag:s26] =	ssyncset.done $0x0  }
0x2c4: {  	[sflag:s26] =	ssyncadd.s32 $0xFFFFFF80  }
0x2c5: {  	_ =	swait.ge [sflag:s26], $0x80  }
0x2c6: {  	[sflag:s26] =	ssyncset.done $0x0  }
0x2c7: {  	[sflag:s26] =	ssyncadd.s32 $0xFFFFFF80  }
0x2c8: {  	_ =	swait.ge [sflag:s26], $0x80  }
0x2c9: {  	[sflag:s26] =	ssyncset.done $0x0  }
0x2ca: {  	[sflag:s26] =	ssyncadd.s32 $0xFFFFFF80  }
0x2cb: {  	_ =	swait.ge [sflag:s26], $0x80  }
0x2cc: {  	[sflag:s26] =	ssyncset.done $0x0  }
0x2cd: {  	[sflag:s26] =	ssyncadd.s32 $0xFFFFFF80  }
0x2ce: {  	_ =	swait.ge [sflag:s26], $0x80  }
0x2cf: {  	[sflag:s26] =	ssyncset.done $0x0  }
0x2d0: {  	[sflag:s26] =	ssyncadd.s32 $0xFFFFFF80  }
0x2d1: {  	_ =	swait.ge [sflag:s26], $0x80  }
0x2d2: {  	[sflag:s26] =	ssyncset.done $0x0  }
0x2d3: {  	[sflag:s26] =	ssyncadd.s32 $0xFFFFFF80  }
0x2d4: {  	_ =	swait.ge [sflag:s26], $0x80  }
0x2d5: {  	[sflag:s26] =	ssyncset.done $0x0  }
0x2d6: {  	[sflag:s26] =	ssyncadd.s32 $0xFFFFFF80  }
0x2d7: {  	_ =	swait.ge [sflag:s26], $0x80  }
0x2d8: {  	[sflag:s26] =	ssyncset.done $0x0  }
0x2d9: {  	[sflag:s26] =	ssyncadd.s32 $0xFFFFFF80  }
0x2da: {  	_ =	swait.ge [sflag:s26], $0x80  }
0x2db: {  	[sflag:s26] =	ssyncset.done $0x0  }
0x2dc: {  	[sflag:s26] =	ssyncadd.s32 $0xFFFFFF80  }
0x2dd: {  	_ =	swait.ge [sflag:s26], $0x80  }
0x2de: {  	[sflag:s26] =	ssyncset.done $0x0  }
0x2df: {  	[sflag:s26] =	ssyncadd.s32 $0xFFFFFF80  }
0x2e0: {  	_ =	swait.ge [sflag:s26], $0x80  }
0x2e1: {  	[sflag:s26] =	ssyncset.done $0x0  }
0x2e2: {  	[sflag:s26] =	ssyncadd.s32 $0xFFFFFF80  }
0x2e3: {  	_ =	swait.ge [sflag:s26], $0x80  }
0x2e4: {  	[sflag:s26] =	ssyncset.done $0x0  }
0x2e5: {  	[sflag:s26] =	ssyncadd.s32 $0xFFFFFF80  }
0x2e6: {  	_ =	swait.ge [sflag:s26], $0x80  }
0x2e7: {  	[sflag:s26] =	ssyncset.done $0x0  }
0x2e8: {  	[sflag:s26] =	ssyncadd.s32 $0xFFFFFF80  }
0x2e9: {  	_ =	swait.ge [sflag:s26], $0x80  }
0x2ea: {  	[sflag:s26] =	ssyncset.done $0x0  }
0x2eb: {  	[sflag:s26] =	ssyncadd.s32 $0xFFFFFF80  }
0x2ec: {  	_ =	swait.ge [sflag:s26], $0x80  }
0x2ed: {  	[sflag:s26] =	ssyncset.done $0x0  }
0x2ee: {  	[sflag:s26] =	ssyncadd.s32 $0xFFFFFF80  }
0x2ef: {  	_ =	swait.ge [sflag:s26], $0x80  }
0x2f0: {  	[sflag:s26] =	ssyncset.done $0x0  }
0x2f1: {  	[sflag:s26] =	ssyncadd.s32 $0xFFFFFF80  }
0x2f2: {  	_ =	swait.ge [sflag:s26], $0x80  }
0x2f3: {  	[sflag:s26] =	ssyncset.done $0x0  }
0x2f4: {  	[sflag:s26] =	ssyncadd.s32 $0xFFFFFF80  }
0x2f5: {  	_ =	swait.ge [sflag:s26], $0x80  }
0x2f6: {  	[sflag:s26] =	ssyncset.done $0x0  }
0x2f7: {  	[sflag:s26] =	ssyncadd.s32 $0xFFFFFF80  }
0x2f8: {  	_ =	swait.ge [sflag:s26], $0x80  }
0x2f9: {  	[sflag:s26] =	ssyncset.done $0x0  }
0x2fa: {  	[sflag:s26] =	ssyncadd.s32 $0xFFFFFF80  }
0x2fb: {  	_ =	swait.ge [sflag:s26], $0x80  }
0x2fc: {  	[sflag:s26] =	ssyncset.done $0x0  }
0x2fd: {  	[sflag:s26] =	ssyncadd.s32 $0xFFFFFF80  }
0x2fe: {  	_ =	swait.ge [sflag:s26], $0x80  }
0x2ff: {  	[sflag:s26] =	ssyncset.done $0x0  }
0x300: {  	[sflag:s26] =	ssyncadd.s32 $0xFFFFFF80  }
0x301: {  	_ =	swait.ge [sflag:s26], $0x80  }
0x302: {  	[sflag:s26] =	ssyncset.done $0x0  }
0x303: {  	[sflag:s26] =	ssyncadd.s32 $0xFFFFFF80  }
0x304: {  	_ =	swait.ge [sflag:s26], $0x80  }
0x305: {  	[sflag:s26] =	ssyncset.done $0x0  }
0x306: {  	[sflag:s26] =	ssyncadd.s32 $0xFFFFFF80  }
0x307: {  	_ =	swait.ge [sflag:s26], $0x80  }
0x308: {  	[sflag:s26] =	ssyncset.done $0x0  }
0x309: {  	[sflag:s26] =	ssyncadd.s32 $0xFFFFFF80  }
0x30a: {  	_ =	swait.ge [sflag:s26], $0x80  }
0x30b: {  	[sflag:s26] =	ssyncset.done $0x0  }
0x30c: {  	[sflag:s26] =	ssyncadd.s32 $0xFFFFFF80  }
0x30d: {  	_ =	swait.ge [sflag:s26], $0x80  }
0x30e: {  	[sflag:s26] =	ssyncset.done $0x0  }
0x30f: {  	[sflag:s26] =	ssyncadd.s32 $0xFFFFFF80  }
0x310: {  	_ =	swait.ge [sflag:s26], $0x80  }
0x311: {  	[sflag:s26] =	ssyncset.done $0x0  }
0x312: {  	[sflag:s26] =	ssyncadd.s32 $0xFFFFFF80  }
0x313: {  	_ =	swait.ge [sflag:s26], $0x80  }
0x314: {  	[sflag:s26] =	ssyncset.done $0x0  }
0x315: {  	[sflag:s26] =	ssyncadd.s32 $0xFFFFFF80  }
0x316: {  	_ =	swait.ge [sflag:s26], $0x80  }
0x317: {  	[sflag:s26] =	ssyncset.done $0x0  }
0x318: {  	[sflag:s26] =	ssyncadd.s32 $0xFFFFFF80  }
0x319: {  	_ =	swait.ge [sflag:s26], $0x80  }
0x31a: {  	[sflag:s26] =	ssyncset.done $0x0  }
0x31b: {  	[sflag:s26] =	ssyncadd.s32 $0xFFFFFF80  }
0x31c: {  	_ =	swait.ge [sflag:s26], $0x80  }
0x31d: {  	[sflag:s26] =	ssyncset.done $0x0  }
0x31e: {  	[sflag:s26] =	ssyncadd.s32 $0xFFFFFF80  }
0x31f: {  	_ =	swait.ge [sflag:s26], $0x80  }
0x320: {  	[sflag:s26] =	ssyncset.done $0x0  }
0x321: {  	[sflag:s26] =	ssyncadd.s32 $0xFFFFFF80  }
0x322: {  	_ =	swait.ge [sflag:s26], $0x80  }
0x323: {  	[sflag:s26] =	ssyncset.done $0x0  }
0x324: {  	[sflag:s26] =	ssyncadd.s32 $0xFFFFFF80  }
0x325: {  	_ =	swait.ge [sflag:s26], $0x80  }
0x326: {  	[sflag:s26] =	ssyncset.done $0x0  }
0x327: {  	[sflag:s26] =	ssyncadd.s32 $0xFFFFFF80  }
0x328: {  	_ =	swait.ge [sflag:s26], $0x80  }
0x329: {  	[sflag:s26] =	ssyncset.done $0x0  }
0x32a: {  	[sflag:s26] =	ssyncadd.s32 $0xFFFFFF80  }
0x32b: {  	_ =	swait.ge [sflag:s26], $0x80  }
0x32c: {  	[sflag:s26] =	ssyncset.done $0x0  }
0x32d: {  	[sflag:s26] =	ssyncadd.s32 $0xFFFFFF80  }
0x32e: {  	_ =	swait.ge [sflag:s26], $0x80  }
0x32f: {  	[sflag:s26] =	ssyncset.done $0x0  }
0x330: {  	[sflag:s26] =	ssyncadd.s32 $0xFFFFFF80  }
0x331: {  	_ =	swait.ge [sflag:s26], $0x80  }
0x332: {  	[sflag:s26] =	ssyncset.done $0x0  }
0x333: {  	[sflag:s26] =	ssyncadd.s32 $0xFFFFFF80  }
0x334: {  	_ =	swait.ge [sflag:s26], $0x80  }
0x335: {  	[sflag:s26] =	ssyncset.done $0x0  }
0x336: {  	[sflag:s26] =	ssyncadd.s32 $0xFFFFFF80  }
0x337: {  	_ =	swait.ge [sflag:s26], $0x80  }
0x338: {  	[sflag:s26] =	ssyncset.done $0x0  }
0x339: {  	[sflag:s26] =	ssyncadd.s32 $0xFFFFFF80  }
0x33a: {  	_ =	swait.ge [sflag:s26], $0x80  }
0x33b: {  	[sflag:s26] =	ssyncset.done $0x0  }
0x33c: {  	[sflag:s26] =	ssyncadd.s32 $0xFFFFFF80  }
0x33d: {  	_ =	swait.ge [sflag:s26], $0x80  }
0x33e: {  	[sflag:s26] =	ssyncset.done $0x0  }
0x33f: {  	[sflag:s26] =	ssyncadd.s32 $0xFFFFFF80  }
0x340: {  	_ =	swait.ge [sflag:s26], $0x80  }
0x341: {  	[sflag:s26] =	ssyncset.done $0x0  }
0x342: {  	[sflag:s26] =	ssyncadd.s32 $0xFFFFFF80  }
0x343: {  	_ =	swait.ge [sflag:s26], $0x80  }
0x344: {  	[sflag:s26] =	ssyncset.done $0x0  }
0x345: {  	[sflag:s26] =	ssyncadd.s32 $0xFFFFFF80  }
0x346: {  	_ =	swait.ge [sflag:s26], $0x80  }
0x347: {  	[sflag:s26] =	ssyncset.done $0x0  }
0x348: {  	[sflag:s26] =	ssyncadd.s32 $0xFFFFFF80  }
0x349: {  	_ =	swait.ge [sflag:s26], $0x80  }
0x34a: {  	[sflag:s26] =	ssyncset.done $0x0  }
0x34b: {  	[sflag:s26] =	ssyncadd.s32 $0xFFFFFF80  }
0x34c: {  	_ =	swait.ge [sflag:s26], $0x80  }
0x34d: {  	[sflag:s26] =	ssyncset.done $0x0  }
0x34e: {  	[sflag:s26] =	ssyncadd.s32 $0xFFFFFF80  }
0x34f: {  	_ =	swait.ge [sflag:s26], $0x80  }
0x350: {  	[sflag:s26] =	ssyncset.done $0x0  }
0x351: {  	[sflag:s26] =	ssyncadd.s32 $0xFFFFFF80  }
0x352: {  	_ =	swait.ge [sflag:s26], $0x80  }
0x353: {  	[sflag:s26] =	ssyncset.done $0x0  }
0x354: {  	[sflag:s26] =	ssyncadd.s32 $0xFFFFFF80  }
0x355: {  	_ =	swait.ge [sflag:s26], $0x80  }
0x356: {  	[sflag:s26] =	ssyncset.done $0x0  }
0x357: {  	[sflag:s26] =	ssyncadd.s32 $0xFFFFFF80  }
0x358: {  	_ =	swait.ge [sflag:s26], $0x80  }
0x359: {  	[sflag:s26] =	ssyncset.done $0x0  }
0x35a: {  	[sflag:s26] =	ssyncadd.s32 $0xFFFFFF80  }
0x35b: {  	_ =	swait.ge [sflag:s26], $0x80  }
0x35c: {  	[sflag:s26] =	ssyncset.done $0x0  }
0x35d: {  	[sflag:s26] =	ssyncadd.s32 $0xFFFFFF80  }
0x35e: {  	_ =	swait.ge [sflag:s26], $0x80  }
0x35f: {  	[sflag:s26] =	ssyncset.done $0x0  }
0x360: {  	[sflag:s26] =	ssyncadd.s32 $0xFFFFFF80  }
0x361: {  	_ =	swait.ge [sflag:s26], $0x80  }
0x362: {  	[sflag:s26] =	ssyncset.done $0x0  }
0x363: {  	[sflag:s26] =	ssyncadd.s32 $0xFFFFFF80  }
0x364: {  	_ =	swait.ge [sflag:s26], $0x80  }
0x365: {  	[sflag:s26] =	ssyncset.done $0x0  }
0x366: {  	[sflag:s26] =	ssyncadd.s32 $0xFFFFFF80  }
0x367: {  	_ =	swait.ge [sflag:s26], $0x80  }
0x368: {  	[sflag:s26] =	ssyncset.done $0x0  }
0x369: {  	[sflag:s26] =	ssyncadd.s32 $0xFFFFFF80  }
0x36a: {  	_ =	swait.ge [sflag:s26], $0x80  }
0x36b: {  	[sflag:s26] =	ssyncset.done $0x0  }
0x36c: {  	[sflag:s26] =	ssyncadd.s32 $0xFFFFFF80  }
0x36d: {  	_ =	swait.ge [sflag:s26], $0x80  }
0x36e: {  	[sflag:s26] =	ssyncset.done $0x0  }
0x36f: {  	[sflag:s26] =	ssyncadd.s32 $0xFFFFFF80  }
0x370: {  	_ =	swait.ge [sflag:s26], $0x80  }
0x371: {  	[sflag:s26] =	ssyncset.done $0x0  }
0x372: {  	[sflag:s26] =	ssyncadd.s32 $0xFFFFFF80  }
0x373: {  	_ =	swait.ge [sflag:s26], $0x80  }
0x374: {  	[sflag:s26] =	ssyncset.done $0x0  }
0x375: {  	[sflag:s26] =	ssyncadd.s32 $0xFFFFFF80  }
0x376: {  	_ =	swait.ge [sflag:s26], $0x80  }
0x377: {  	[sflag:s26] =	ssyncset.done $0x0  }
0x378: {  	[sflag:s26] =	ssyncadd.s32 $0xFFFFFF80  }
0x379: {  	_ =	swait.ge [sflag:s26], $0x80  }
0x37a: {  	[sflag:s26] =	ssyncset.done $0x0  }
0x37b: {  	[sflag:s26] =	ssyncadd.s32 $0xFFFFFF80  }
0x37c: {  	_ =	swait.ge [sflag:s26], $0x80  }
0x37d: {  	[sflag:s26] =	ssyncset.done $0x0  }
0x37e: {  	[sflag:s26] =	ssyncadd.s32 $0xFFFFFF80  }
0x37f: {  	_ =	swait.ge [sflag:s26], $0x80  }
0x380: {  	[sflag:s26] =	ssyncset.done $0x0  }
0x381: {  	[sflag:s26] =	ssyncadd.s32 $0xFFFFFF80  }
0x382: {  	_ =	swait.ge [sflag:s26], $0x80  }
0x383: {  	[sflag:s26] =	ssyncset.done $0x0  }
0x384: {  	[sflag:s26] =	ssyncadd.s32 $0xFFFFFF80  }
0x385: {  	_ =	swait.ge [sflag:s26], $0x80  }
0x386: {  	[sflag:s26] =	ssyncset.done $0x0  }
0x387: {  	[sflag:s26] =	ssyncadd.s32 $0xFFFFFF80  }
0x388: {  	_ =	swait.ge [sflag:s26], $0x80  }
0x389: {  	[sflag:s26] =	ssyncset.done $0x0  }
0x38a: {  	[sflag:s26] =	ssyncadd.s32 $0xFFFFFF80  }
0x38b: {  	_ =	swait.ge [sflag:s26], $0x80  }
0x38c: {  	[sflag:s26] =	ssyncset.done $0x0  }
0x38d: {  	[sflag:s26] =	ssyncadd.s32 $0xFFFFFF80  }
0x38e: {  	_ =	swait.ge [sflag:s26], $0x80  }
0x38f: {  	[sflag:s26] =	ssyncset.done $0x0  }
0x390: {  	[sflag:s26] =	ssyncadd.s32 $0xFFFFFF80  }
0x391: {  	_ =	swait.ge [sflag:s26], $0x80  }
0x392: {  	[sflag:s26] =	ssyncset.done $0x0  }
0x393: {  	[sflag:s26] =	ssyncadd.s32 $0xFFFFFF80  }
0x394: {  	_ =	swait.ge [sflag:s26], $0x80  }
0x395: {  	[sflag:s26] =	ssyncset.done $0x0  }
0x396: {  	[sflag:s26] =	ssyncadd.s32 $0xFFFFFF80  }
0x397: {  	_ =	swait.ge [sflag:s26], $0x80  }
0x398: {  	[sflag:s26] =	ssyncset.done $0x0  }
0x399: {  	[sflag:s26] =	ssyncadd.s32 $0xFFFFFF80  }
0x39a: {  	_ =	swait.ge [sflag:s26], $0x80  }
0x39b: {  	[sflag:s26] =	ssyncset.done $0x0  }
0x39c: {  	[sflag:s26] =	ssyncadd.s32 $0xFFFFFF80  }
0x39d: {  	_ =	swait.ge [sflag:s26], $0x80  }
0x39e: {  	[sflag:s26] =	ssyncset.done $0x0  }
0x39f: {  	[sflag:s26] =	ssyncadd.s32 $0xFFFFFF80  }
0x3a0: {  	_ =	swait.ge [sflag:s26], $0x80  }
0x3a1: {  	[sflag:s26] =	ssyncset.done $0x0  }
0x3a2: {  	[sflag:s26] =	ssyncadd.s32 $0xFFFFFF80  }
0x3a3: {  	_ =	swait.ge [sflag:s26], $0x80  }
0x3a4: {  	[sflag:s26] =	ssyncset.done $0x0  }
0x3a5: {  	[sflag:s26] =	ssyncadd.s32 $0xFFFFFF80  }
0x3a6: {  	_ =	swait.ge [sflag:s26], $0x80  }
0x3a7: {  	[sflag:s26] =	ssyncset.done $0x0  }
0x3a8: {  	[sflag:s26] =	ssyncadd.s32 $0xFFFFFF80  }
0x3a9: {  	_ =	swait.ge [sflag:s26], $0x80  }
0x3aa: {  	[sflag:s26] =	ssyncset.done $0x0  }
0x3ab: {  	[sflag:s26] =	ssyncadd.s32 $0xFFFFFF80  }
0x3ac: {  	_ =	swait.ge [sflag:s26], $0x80  }
0x3ad: {  	[sflag:s26] =	ssyncset.done $0x0  }
0x3ae: {  	p0 =	sne.s32 s30, $0x1;
	[sflag:s26] =	ssyncadd.s32 $0xFFFFFF80  }
.Ltmp1:
0x3af: {  	[bflag:$0x0] =	sbarrier.arrive $0xFFFF;
	(pc) =	sbr.rel @p0 .LBB2_1-.Ltmp1, $4  }
0x3b0: {  	s31 =	rddreg [dreg:$0x8]  }
0x3b1: {  	[hbm:s31], [sflag:s28] =	dma.local [spmem:s29], $0x50  }
0x3b2: {  	_ =	swait.ge [sflag:s5], $0x50  }
0x3b3: {  	s30 =	sadd.s32 $0xFFFFFFFF, s30;
	[sflag:s5] =	ssyncset.done $0x0  }
.LBB2_2:
0x3b4: {  	[sflag:s5] =	ssyncadd.s32 $0xFFFFFFB0  }
0x3b5: {  	_ =	sfence.sel $0x180000  }
0x3b6: {  	[bflag:$0x0] =	sbarrier.arrive $0xFFFF  }
0x3b7: {  	_ =	strace $0x90000047  }
0x3b8: {  	[bflag:$0x2] =	sbarrier.arrive $0xFFFF  }
0x3b9: {  	p0 =	sne.s32 s0, $0x0;
	s0 =	rddreg [dreg:$0x2]  }
0x3ba: {  	s0 =	sadd.s32 @!p0 $0x100000, s0  }
0x3bb: {  	[sflag:s0] =	ssyncadd.tile.s32 @!p0 $0x1;
	_ =	shalt  }
.Lfunc_end2:
_tile_overlayer_lowered:
.L_overlay_start_2:
0x3bc: {  	(tag) =	ssettag $0x2  }
0x3bd: {  	s0 =	rddreg [dreg:$0x0];
	s2 =	stileid.u32  }
0x3be: {  	s1 =	rddreg [dreg:$0x1];
	p0 =	sne.s32 s2, $0x0  }
0x3bf: {  	s3 =	rddreg [dreg:$0x2];
	[bflag:$0x3] =	sbarrier.arrive $0xFFFF;
	s2 =	simm.s32 @!p0 $0x1C02  }
0x3c0: {  	[timem:s3], [sflag:s2] =	dma.local @!p0 [hbm:s0], s1  }
0x3c1: {  	s0 =	simm.s32 @!p0 $0x2  }
0x3c2: {  	_ =	swait.ge @!p0 [sflag:s0], s1  }
0x3c3: {  	s1 =	ssub.s32 @!p0 $0x0, s1;
	[sflag:s0] =	ssyncset.done @!p0 $0x0  }
0x3c4: {  	[sflag:s0] =	ssyncadd.s32 @!p0 s1  }
0x3c5: {  	[bflag:$0x3] =	sbarrier.arrive $0xFFFF  }
0x3c6: {  	_ =	shalt  }

</sc_bundles>
